<compile_context>
chip_gen: v7x
topology: tpu7x:2x2x1
jax: 0.10.2.dev20260603
libtpu: 0.0.44.dev20260713+nightly
codegen_flags: <defaults>
</compile_context>

<pallas_src>
import functools

import jax
import jax.numpy as jnp
import numpy as np
from jax import lax
from jax.experimental import pallas as pl
from jax.experimental.pallas import tpu as pltpu
from jax.experimental.pallas import tpu_sc as plsc

_N, _L, _D = 128, 576, 768
_KEEP = 288
_NC, _NS = 2, 16
_NW = _NC * _NS
_B = _N * _KEEP
_BPW = _B // _NW
_CH = 48
_NCHUNK = _BPW // _CH
_NBUF = 3

_idx_cache = None


def _threefry2x32(k1, k2, x0, x1):
    def rotl(x, d):
        return ((x << np.uint32(d)) | (x >> np.uint32(32 - d))).astype(np.uint32)
    ks = [np.uint32(k1), np.uint32(k2),
          np.uint32(k1) ^ np.uint32(k2) ^ np.uint32(0x1BD11BDA)]
    rot = [(13, 15, 26, 6), (17, 29, 16, 24)]
    x0 = (x0 + ks[0]).astype(np.uint32)
    x1 = (x1 + ks[1]).astype(np.uint32)
    for i in range(5):
        for r in rot[i % 2]:
            x0 = (x0 + x1).astype(np.uint32)
            x1 = rotl(x1, r)
            x1 = (x0 ^ x1).astype(np.uint32)
        x0 = (x0 + ks[(i + 1) % 3]).astype(np.uint32)
        x1 = (x1 + ks[(i + 2) % 3] + np.uint32(i + 1)).astype(np.uint32)
    return x0, x1


def _flat_indices() -> np.ndarray:
    global _idx_cache
    if _idx_cache is None:
        size = _N * _L
        if jax.config.jax_threefry_partitionable:
            b1, b2 = _threefry2x32(
                0, 42, np.zeros(size, np.uint32), np.arange(size, dtype=np.uint32)
            )
            bits = (b1 ^ b2).reshape(_N, _L)
        else:
            cnt = np.arange(size, dtype=np.uint32)
            h1, h2 = _threefry2x32(0, 42, cnt[: size // 2], cnt[size // 2:])
            bits = np.concatenate([h1, h2]).reshape(_N, _L)
        u = ((bits >> np.uint32(9)) | np.uint32(0x3F800000)).view(np.float32)
        noise = np.maximum(np.float32(0.0), u - np.float32(1.0))
        ids = np.argsort(noise, axis=1, kind="stable")[:, :_KEEP].astype(np.int32)
        _idx_cache = (ids + (np.arange(_N, dtype=np.int32) * _L)[:, None]).reshape(-1)
    return _idx_cache


_gather_cache = None


def _build_gather():
    global _gather_cache
    if _gather_cache is None:
        mesh = plsc.VectorSubcoreMesh(
            core_axis_name="c", subcore_axis_name="s",
            num_cores=_NC, num_subcores=_NS,
        )
        _gather_cache = functools.partial(
            pl.kernel,
            out_type=jax.ShapeDtypeStruct((_B, _D), jnp.float32),
            mesh=mesh,
            scratch_types=(
                [pltpu.VMEM((_BPW,), jnp.int32)]
                + [pltpu.VMEM((_CH, _D), jnp.float32)] * _NBUF
                + [pltpu.SemaphoreType.DMA] * (2 * _NBUF)
            ),
        )(_gather_body)
    return _gather_cache


def _gather_body(table_hbm, idx_hbm, out_hbm, idx_v, *scratch):
    bufs = scratch[:_NBUF]
    gsems = scratch[_NBUF:2 * _NBUF]
    wsems = scratch[2 * _NBUF:]
    wid = lax.axis_index("s") * _NC + lax.axis_index("c")
    base = wid * _BPW
    pltpu.sync_copy(idx_hbm.at[pl.ds(base, _BPW)], idx_v)

    def start_gather(g):
        b = g % _NBUF
        return pltpu.async_copy(
            table_hbm.at[idx_v.at[pl.ds(g * _CH, _CH)]], bufs[b], gsems[b]
        )

    g_pend = [None] * _NBUF
    w_pend = [None] * _NBUF
    for g in range(_NBUF - 1):
        g_pend[g % _NBUF] = start_gather(g)
    for g in range(_NCHUNK):
        b = g % _NBUF
        g_pend[b].wait()
        if g >= 1:
            w_pend[(g - 1) % _NBUF].wait()
        w_pend[b] = pltpu.async_copy(
            bufs[b], out_hbm.at[pl.ds(base + g * _CH, _CH)], wsems[b]
        )
        nxt = g + _NBUF - 1
        if nxt < _NCHUNK:
            g_pend[nxt % _NBUF] = start_gather(nxt)
    w_pend[(_NCHUNK - 1) % _NBUF].wait()


def kernel(x):
    idx = jnp.asarray(_flat_indices())
    out = _build_gather()(x.reshape(_N * _L, _D), idx)
    return out.reshape(_N, _KEEP, _D)

# --- scband reference (transcript-rebuilt; emitter-appended) ---
"""Pipeline reference for scband-patch-dropout-16406775071140 (READ-ONLY COPY).

The authoritative reference and input builder live on the scoring server;
editing this copy changes nothing except your own understanding.
"""

import jax, jax.numpy as jnp
import numpy as np

KEEP_RATE = 0.5

def setup_inputs(seed: int = 0) -> dict:
    key = jax.random.key(seed)
    x = jax.random.normal(key, (128, 576, 768), dtype=jnp.float32)
    return {"x": x}

def reference(x):
    # PatchDropout with sampling='random', keep_rate=0.5
    N, L, D = x.shape
    noise = jax.random.uniform(jax.random.key(42), (N, L), dtype=jnp.float32)
    len_keep = int(L * KEEP_RATE)
    ids_shuffle = jnp.argsort(noise, axis=1)
    ids_keep = ids_shuffle[:, :len_keep]
    idx = jnp.broadcast_to(ids_keep[:, :, None], (N, len_keep, D))
    x_masked = jnp.take_along_axis(x, idx, axis=1)
    return x_masked

if __name__ == "__main__":
    import jax
    _d = setup_inputs()
    print(jax.jit(kernel)(*tuple(_d.values())))

</pallas_src>

<mosaic_0001>
#map = affine_map<(d0, d1) -> (0, 0)>
#map1 = affine_map<(d0, d1) -> (0)>
module attributes {stable_mosaic.version = 14 : i64} {
  func.func @_gather_body(%arg0: i32, %arg1: i32, %arg2: memref<73728x768xf32, #tpu.memory_space<hbm>>, %arg3: memref<36864xi32, #tpu.memory_space<hbm>>, %arg4: memref<36864x768xf32, #tpu.memory_space<hbm>>, %arg5: memref<1152xi32, #tpu.memory_space<vmem>>, %arg6: memref<48x768xf32, #tpu.memory_space<vmem>>, %arg7: memref<48x768xf32, #tpu.memory_space<vmem>>, %arg8: memref<48x768xf32, #tpu.memory_space<vmem>>, %arg9: memref<!tpu.dma_semaphore, #tpu.memory_space<semaphore_mem>>, %arg10: memref<!tpu.dma_semaphore, #tpu.memory_space<semaphore_mem>>, %arg11: memref<!tpu.dma_semaphore, #tpu.memory_space<semaphore_mem>>, %arg12: memref<!tpu.dma_semaphore, #tpu.memory_space<semaphore_mem>>, %arg13: memref<!tpu.dma_semaphore, #tpu.memory_space<semaphore_mem>>, %arg14: memref<!tpu.dma_semaphore, #tpu.memory_space<semaphore_mem>>) attributes {dimension_semantics = [#tpu.dimension_semantics<core_parallel>, #tpu.dimension_semantics<subcore_parallel>], iteration_bounds = array<i64: 2, 16>, scalar_prefetch = 0 : i64, scratch_operands = 10 : i64, tpu.core_type = #tpu.core_type<sc_vector_subcore>, window_params = [{transform_indices = #map}, {transform_indices = #map1}, {transform_indices = #map}]} {
    %mul3A = arith.constant 2 : i32
    %mul3A_0 = arith.muli %arg1, %mul3A : i32
    %add3A = arith.addi %mul3A_0, %arg0 : i32
    %mul3A_1 = arith.constant 1152 : i32
    %mul3A_2 = arith.muli %add3A, %mul3A_1 : i32
    "tpu.region"() ({
      %run_scoped3A = tpu.sem_alloc : memref<!tpu.dma_semaphore, #tpu.memory_space<semaphore_mem>>
      %dma_start3A_481 = tpu.memref_slice %arg3[%mul3A_2] : memref<36864xi32, #tpu.memory_space<hbm>> -> memref<1152xi32, #tpu.memory_space<hbm>>
      %dma_start3A_482 = tpu.memref_slice %arg3[%mul3A_2] : memref<36864xi32, #tpu.memory_space<hbm>> -> memref<1152xi32, #tpu.memory_space<hbm>>
      tpu.enqueue_dma source(%dma_start3A_482 : memref<1152xi32, #tpu.memory_space<hbm>>) target(%arg5 : memref<1152xi32, #tpu.memory_space<vmem>>) target_semaphore(%run_scoped3A : memref<!tpu.dma_semaphore, #tpu.memory_space<semaphore_mem>>)
      %dma_wait3A_483 = tpu.memref_slice %arg3[%mul3A_2] : memref<36864xi32, #tpu.memory_space<hbm>> -> memref<1152xi32, #tpu.memory_space<hbm>>
      %dma_wait3A_484 = tpu.memref_slice %arg3[%mul3A_2] : memref<36864xi32, #tpu.memory_space<hbm>> -> memref<1152xi32, #tpu.memory_space<hbm>>
      tpu.wait_dma2 semaphore(%run_scoped3A : memref<!tpu.dma_semaphore, #tpu.memory_space<semaphore_mem>>) src(%dma_wait3A_484 : memref<1152xi32, #tpu.memory_space<hbm>>) dst(%arg5 : memref<1152xi32, #tpu.memory_space<vmem>>)
      tpu.yield
    }) : () -> ()
    %dma_start3A = arith.constant 0 : i32
    %dma_start3A_3 = tpu.memref_slice %arg5[%dma_start3A] : memref<1152xi32, #tpu.memory_space<vmem>> -> memref<48xi32, #tpu.memory_space<vmem>>
    %dma_start3A_4 = arith.constant 0 : i32
    %dma_start3A_5 = arith.constant 0 : i32
    %dma_start3A_6 = tpu.memref_slice %arg2[%dma_start3A_4, %dma_start3A_5] : memref<73728x768xf32, #tpu.memory_space<hbm>> -> memref<73728x768xf32, #tpu.memory_space<hbm>>
    tpu.enqueue_indirect_dma source(%dma_start3A_6 : memref<73728x768xf32, #tpu.memory_space<hbm>>) target(%arg6 : memref<48x768xf32, #tpu.memory_space<vmem>>) offsets(%dma_start3A_3 : memref<48xi32, #tpu.memory_space<vmem>>) semaphore(%arg9 : memref<!tpu.dma_semaphore, #tpu.memory_space<semaphore_mem>>)
    %dma_start3A_7 = arith.constant 48 : i32
    %dma_start3A_8 = tpu.memref_slice %arg5[%dma_start3A_7] : memref<1152xi32, #tpu.memory_space<vmem>> -> memref<48xi32, #tpu.memory_space<vmem>>
    %dma_start3A_9 = arith.constant 0 : i32
    %dma_start3A_10 = arith.constant 0 : i32
    %dma_start3A_11 = tpu.memref_slice %arg2[%dma_start3A_9, %dma_start3A_10] : memref<73728x768xf32, #tpu.memory_space<hbm>> -> memref<73728x768xf32, #tpu.memory_space<hbm>>
    tpu.enqueue_indirect_dma source(%dma_start3A_11 : memref<73728x768xf32, #tpu.memory_space<hbm>>) target(%arg7 : memref<48x768xf32, #tpu.memory_space<vmem>>) offsets(%dma_start3A_8 : memref<48xi32, #tpu.memory_space<vmem>>) semaphore(%arg10 : memref<!tpu.dma_semaphore, #tpu.memory_space<semaphore_mem>>)
    %dma_wait3A = arith.constant 0 : i32
    %dma_wait3A_12 = tpu.memref_slice %arg5[%dma_wait3A] : memref<1152xi32, #tpu.memory_space<vmem>> -> memref<48xi32, #tpu.memory_space<vmem>>
    %dma_wait3A_13 = arith.constant 0 : i32
    %dma_wait3A_14 = arith.constant 0 : i32
    %dma_wait3A_15 = tpu.memref_slice %arg2[%dma_wait3A_13, %dma_wait3A_14] : memref<73728x768xf32, #tpu.memory_space<hbm>> -> memref<73728x768xf32, #tpu.memory_space<hbm>>
    tpu.wait_indirect_dma semaphore(%arg9 : memref<!tpu.dma_semaphore, #tpu.memory_space<semaphore_mem>>) src(%dma_wait3A_15 : memref<73728x768xf32, #tpu.memory_space<hbm>>) dst(%arg6 : memref<48x768xf32, #tpu.memory_space<vmem>>)
    %add3A_16 = arith.constant 0 : i32
    %add3A_17 = arith.addi %mul3A_2, %add3A_16 : i32
    %dma_start3A_18 = arith.constant 0 : i32
    %dma_start3A_19 = tpu.memref_slice %arg4[%add3A_17, %dma_start3A_18] : memref<36864x768xf32, #tpu.memory_space<hbm>> -> memref<48x768xf32, #tpu.memory_space<hbm>>
    %dma_start3A_20 = arith.constant 0 : i32
    %dma_start3A_21 = tpu.memref_slice %arg4[%add3A_17, %dma_start3A_20] : memref<36864x768xf32, #tpu.memory_space<hbm>> -> memref<48x768xf32, #tpu.memory_space<hbm>>
    tpu.enqueue_dma source(%arg6 : memref<48x768xf32, #tpu.memory_space<vmem>>) target(%dma_start3A_21 : memref<48x768xf32, #tpu.memory_space<hbm>>) target_semaphore(%arg12 : memref<!tpu.dma_semaphore, #tpu.memory_space<semaphore_mem>>)
    %dma_start3A_22 = arith.constant 96 : i32
    %dma_start3A_23 = tpu.memref_slice %arg5[%dma_start3A_22] : memref<1152xi32, #tpu.memory_space<vmem>> -> memref<48xi32, #tpu.memory_space<vmem>>
    %dma_start3A_24 = arith.constant 0 : i32
    %dma_start3A_25 = arith.constant 0 : i32
    %dma_start3A_26 = tpu.memref_slice %arg2[%dma_start3A_24, %dma_start3A_25] : memref<73728x768xf32, #tpu.memory_space<hbm>> -> memref<73728x768xf32, #tpu.memory_space<hbm>>
    tpu.enqueue_indirect_dma source(%dma_start3A_26 : memref<73728x768xf32, #tpu.memory_space<hbm>>) target(%arg8 : memref<48x768xf32, #tpu.memory_space<vmem>>) offsets(%dma_start3A_23 : memref<48xi32, #tpu.memory_space<vmem>>) semaphore(%arg11 : memref<!tpu.dma_semaphore, #tpu.memory_space<semaphore_mem>>)
    %dma_wait3A_27 = arith.constant 48 : i32
    %dma_wait3A_28 = tpu.memref_slice %arg5[%dma_wait3A_27] : memref<1152xi32, #tpu.memory_space<vmem>> -> memref<48xi32, #tpu.memory_space<vmem>>
    %dma_wait3A_29 = arith.constant 0 : i32
    %dma_wait3A_30 = arith.constant 0 : i32
    %dma_wait3A_31 = tpu.memref_slice %arg2[%dma_wait3A_29, %dma_wait3A_30] : memref<73728x768xf32, #tpu.memory_space<hbm>> -> memref<73728x768xf32, #tpu.memory_space<hbm>>
    tpu.wait_indirect_dma semaphore(%arg10 : memref<!tpu.dma_semaphore, #tpu.memory_space<semaphore_mem>>) src(%dma_wait3A_31 : memref<73728x768xf32, #tpu.memory_space<hbm>>) dst(%arg7 : memref<48x768xf32, #tpu.memory_space<vmem>>)
    %dma_wait3A_32 = arith.constant 0 : i32
    %dma_wait3A_33 = tpu.memref_slice %arg4[%add3A_17, %dma_wait3A_32] : memref<36864x768xf32, #tpu.memory_space<hbm>> -> memref<48x768xf32, #tpu.memory_space<hbm>>
    %dma_wait3A_34 = arith.constant 0 : i32
    %dma_wait3A_35 = tpu.memref_slice %arg4[%add3A_17, %dma_wait3A_34] : memref<36864x768xf32, #tpu.memory_space<hbm>> -> memref<48x768xf32, #tpu.memory_space<hbm>>
    tpu.wait_dma2 semaphore(%arg12 : memref<!tpu.dma_semaphore, #tpu.memory_space<semaphore_mem>>) src(%arg6 : memref<48x768xf32, #tpu.memory_space<vmem>>) dst(%dma_wait3A_35 : memref<48x768xf32, #tpu.memory_space<hbm>>)
    %add3A_36 = arith.constant 48 : i32
    %add3A_37 = arith.addi %mul3A_2, %add3A_36 : i32
    %dma_start3A_38 = arith.constant 0 : i32
    %dma_start3A_39 = tpu.memref_slice %arg4[%add3A_37, %dma_start3A_38] : memref<36864x768xf32, #tpu.memory_space<hbm>> -> memref<48x768xf32, #tpu.memory_space<hbm>>
    %dma_start3A_40 = arith.constant 0 : i32
    %dma_start3A_41 = tpu.memref_slice %arg4[%add3A_37, %dma_start3A_40] : memref<36864x768xf32, #tpu.memory_space<hbm>> -> memref<48x768xf32, #tpu.memory_space<hbm>>
    tpu.enqueue_dma source(%arg7 : memref<48x768xf32, #tpu.memory_space<vmem>>) target(%dma_start3A_41 : memref<48x768xf32, #tpu.memory_space<hbm>>) target_semaphore(%arg13 : memref<!tpu.dma_semaphore, #tpu.memory_space<semaphore_mem>>)
    %dma_start3A_42 = arith.constant 144 : i32
    %dma_start3A_43 = tpu.memref_slice %arg5[%dma_start3A_42] : memref<1152xi32, #tpu.memory_space<vmem>> -> memref<48xi32, #tpu.memory_space<vmem>>
    %dma_start3A_44 = arith.constant 0 : i32
    %dma_start3A_45 = arith.constant 0 : i32
    %dma_start3A_46 = tpu.memref_slice %arg2[%dma_start3A_44, %dma_start3A_45] : memref<73728x768xf32, #tpu.memory_space<hbm>> -> memref<73728x768xf32, #tpu.memory_space<hbm>>
    tpu.enqueue_indirect_dma source(%dma_start3A_46 : memref<73728x768xf32, #tpu.memory_space<hbm>>) target(%arg6 : memref<48x768xf32, #tpu.memory_space<vmem>>) offsets(%dma_start3A_43 : memref<48xi32, #tpu.memory_space<vmem>>) semaphore(%arg9 : memref<!tpu.dma_semaphore, #tpu.memory_space<semaphore_mem>>)
    %dma_wait3A_47 = arith.constant 96 : i32
    %dma_wait3A_48 = tpu.memref_slice %arg5[%dma_wait3A_47] : memref<1152xi32, #tpu.memory_space<vmem>> -> memref<48xi32, #tpu.memory_space<vmem>>
    %dma_wait3A_49 = arith.constant 0 : i32
    %dma_wait3A_50 = arith.constant 0 : i32
    %dma_wait3A_51 = tpu.memref_slice %arg2[%dma_wait3A_49, %dma_wait3A_50] : memref<73728x768xf32, #tpu.memory_space<hbm>> -> memref<73728x768xf32, #tpu.memory_space<hbm>>
    tpu.wait_indirect_dma semaphore(%arg11 : memref<!tpu.dma_semaphore, #tpu.memory_space<semaphore_mem>>) src(%dma_wait3A_51 : memref<73728x768xf32, #tpu.memory_space<hbm>>) dst(%arg8 : memref<48x768xf32, #tpu.memory_space<vmem>>)
    %dma_wait3A_52 = arith.constant 0 : i32
    %dma_wait3A_53 = tpu.memref_slice %arg4[%add3A_37, %dma_wait3A_52] : memref<36864x768xf32, #tpu.memory_space<hbm>> -> memref<48x768xf32, #tpu.memory_space<hbm>>
    %dma_wait3A_54 = arith.constant 0 : i32
    %dma_wait3A_55 = tpu.memref_slice %arg4[%add3A_37, %dma_wait3A_54] : memref<36864x768xf32, #tpu.memory_space<hbm>> -> memref<48x768xf32, #tpu.memory_space<hbm>>
    tpu.wait_dma2 semaphore(%arg13 : memref<!tpu.dma_semaphore, #tpu.memory_space<semaphore_mem>>) src(%arg7 : memref<48x768xf32, #tpu.memory_space<vmem>>) dst(%dma_wait3A_55 : memref<48x768xf32, #tpu.memory_space<hbm>>)
    %add3A_56 = arith.constant 96 : i32
    %add3A_57 = arith.addi %mul3A_2, %add3A_56 : i32
    %dma_start3A_58 = arith.constant 0 : i32
    %dma_start3A_59 = tpu.memref_slice %arg4[%add3A_57, %dma_start3A_58] : memref<36864x768xf32, #tpu.memory_space<hbm>> -> memref<48x768xf32, #tpu.memory_space<hbm>>
    %dma_start3A_60 = arith.constant 0 : i32
    %dma_start3A_61 = tpu.memref_slice %arg4[%add3A_57, %dma_start3A_60] : memref<36864x768xf32, #tpu.memory_space<hbm>> -> memref<48x768xf32, #tpu.memory_space<hbm>>
    tpu.enqueue_dma source(%arg8 : memref<48x768xf32, #tpu.memory_space<vmem>>) target(%dma_start3A_61 : memref<48x768xf32, #tpu.memory_space<hbm>>) target_semaphore(%arg14 : memref<!tpu.dma_semaphore, #tpu.memory_space<semaphore_mem>>)
    %dma_start3A_62 = arith.constant 192 : i32
    %dma_start3A_63 = tpu.memref_slice %arg5[%dma_start3A_62] : memref<1152xi32, #tpu.memory_space<vmem>> -> memref<48xi32, #tpu.memory_space<vmem>>
    %dma_start3A_64 = arith.constant 0 : i32
    %dma_start3A_65 = arith.constant 0 : i32
    %dma_start3A_66 = tpu.memref_slice %arg2[%dma_start3A_64, %dma_start3A_65] : memref<73728x768xf32, #tpu.memory_space<hbm>> -> memref<73728x768xf32, #tpu.memory_space<hbm>>
    tpu.enqueue_indirect_dma source(%dma_start3A_66 : memref<73728x768xf32, #tpu.memory_space<hbm>>) target(%arg7 : memref<48x768xf32, #tpu.memory_space<vmem>>) offsets(%dma_start3A_63 : memref<48xi32, #tpu.memory_space<vmem>>) semaphore(%arg10 : memref<!tpu.dma_semaphore, #tpu.memory_space<semaphore_mem>>)
    %dma_wait3A_67 = arith.constant 144 : i32
    %dma_wait3A_68 = tpu.memref_slice %arg5[%dma_wait3A_67] : memref<1152xi32, #tpu.memory_space<vmem>> -> memref<48xi32, #tpu.memory_space<vmem>>
    %dma_wait3A_69 = arith.constant 0 : i32
    %dma_wait3A_70 = arith.constant 0 : i32
    %dma_wait3A_71 = tpu.memref_slice %arg2[%dma_wait3A_69, %dma_wait3A_70] : memref<73728x768xf32, #tpu.memory_space<hbm>> -> memref<73728x768xf32, #tpu.memory_space<hbm>>
    tpu.wait_indirect_dma semaphore(%arg9 : memref<!tpu.dma_semaphore, #tpu.memory_space<semaphore_mem>>) src(%dma_wait3A_71 : memref<73728x768xf32, #tpu.memory_space<hbm>>) dst(%arg6 : memref<48x768xf32, #tpu.memory_space<vmem>>)
    %dma_wait3A_72 = arith.constant 0 : i32
    %dma_wait3A_73 = tpu.memref_slice %arg4[%add3A_57, %dma_wait3A_72] : memref<36864x768xf32, #tpu.memory_space<hbm>> -> memref<48x768xf32, #tpu.memory_space<hbm>>
    %dma_wait3A_74 = arith.constant 0 : i32
    %dma_wait3A_75 = tpu.memref_slice %arg4[%add3A_57, %dma_wait3A_74] : memref<36864x768xf32, #tpu.memory_space<hbm>> -> memref<48x768xf32, #tpu.memory_space<hbm>>
    tpu.wait_dma2 semaphore(%arg14 : memref<!tpu.dma_semaphore, #tpu.memory_space<semaphore_mem>>) src(%arg8 : memref<48x768xf32, #tpu.memory_space<vmem>>) dst(%dma_wait3A_75 : memref<48x768xf32, #tpu.memory_space<hbm>>)
    %add3A_76 = arith.constant 144 : i32
    %add3A_77 = arith.addi %mul3A_2, %add3A_76 : i32
    %dma_start3A_78 = arith.constant 0 : i32
    %dma_start3A_79 = tpu.memref_slice %arg4[%add3A_77, %dma_start3A_78] : memref<36864x768xf32, #tpu.memory_space<hbm>> -> memref<48x768xf32, #tpu.memory_space<hbm>>
    %dma_start3A_80 = arith.constant 0 : i32
    %dma_start3A_81 = tpu.memref_slice %arg4[%add3A_77, %dma_start3A_80] : memref<36864x768xf32, #tpu.memory_space<hbm>> -> memref<48x768xf32, #tpu.memory_space<hbm>>
    tpu.enqueue_dma source(%arg6 : memref<48x768xf32, #tpu.memory_space<vmem>>) target(%dma_start3A_81 : memref<48x768xf32, #tpu.memory_space<hbm>>) target_semaphore(%arg12 : memref<!tpu.dma_semaphore, #tpu.memory_space<semaphore_mem>>)
    %dma_start3A_82 = arith.constant 240 : i32
    %dma_start3A_83 = tpu.memref_slice %arg5[%dma_start3A_82] : memref<1152xi32, #tpu.memory_space<vmem>> -> memref<48xi32, #tpu.memory_space<vmem>>
    %dma_start3A_84 = arith.constant 0 : i32
    %dma_start3A_85 = arith.constant 0 : i32
    %dma_start3A_86 = tpu.memref_slice %arg2[%dma_start3A_84, %dma_start3A_85] : memref<73728x768xf32, #tpu.memory_space<hbm>> -> memref<73728x768xf32, #tpu.memory_space<hbm>>
    tpu.enqueue_indirect_dma source(%dma_start3A_86 : memref<73728x768xf32, #tpu.memory_space<hbm>>) target(%arg8 : memref<48x768xf32, #tpu.memory_space<vmem>>) offsets(%dma_start3A_83 : memref<48xi32, #tpu.memory_space<vmem>>) semaphore(%arg11 : memref<!tpu.dma_semaphore, #tpu.memory_space<semaphore_mem>>)
    %dma_wait3A_87 = arith.constant 192 : i32
    %dma_wait3A_88 = tpu.memref_slice %arg5[%dma_wait3A_87] : memref<1152xi32, #tpu.memory_space<vmem>> -> memref<48xi32, #tpu.memory_space<vmem>>
    %dma_wait3A_89 = arith.constant 0 : i32
    %dma_wait3A_90 = arith.constant 0 : i32
    %dma_wait3A_91 = tpu.memref_slice %arg2[%dma_wait3A_89, %dma_wait3A_90] : memref<73728x768xf32, #tpu.memory_space<hbm>> -> memref<73728x768xf32, #tpu.memory_space<hbm>>
    tpu.wait_indirect_dma semaphore(%arg10 : memref<!tpu.dma_semaphore, #tpu.memory_space<semaphore_mem>>) src(%dma_wait3A_91 : memref<73728x768xf32, #tpu.memory_space<hbm>>) dst(%arg7 : memref<48x768xf32, #tpu.memory_space<vmem>>)
    %dma_wait3A_92 = arith.constant 0 : i32
    %dma_wait3A_93 = tpu.memref_slice %arg4[%add3A_77, %dma_wait3A_92] : memref<36864x768xf32, #tpu.memory_space<hbm>> -> memref<48x768xf32, #tpu.memory_space<hbm>>
    %dma_wait3A_94 = arith.constant 0 : i32
    %dma_wait3A_95 = tpu.memref_slice %arg4[%add3A_77, %dma_wait3A_94] : memref<36864x768xf32, #tpu.memory_space<hbm>> -> memref<48x768xf32, #tpu.memory_space<hbm>>
    tpu.wait_dma2 semaphore(%arg12 : memref<!tpu.dma_semaphore, #tpu.memory_space<semaphore_mem>>) src(%arg6 : memref<48x768xf32, #tpu.memory_space<vmem>>) dst(%dma_wait3A_95 : memref<48x768xf32, #tpu.memory_space<hbm>>)
    %add3A_96 = arith.constant 192 : i32
    %add3A_97 = arith.addi %mul3A_2, %add3A_96 : i32
    %dma_start3A_98 = arith.constant 0 : i32
    %dma_start3A_99 = tpu.memref_slice %arg4[%add3A_97, %dma_start3A_98] : memref<36864x768xf32, #tpu.memory_space<hbm>> -> memref<48x768xf32, #tpu.memory_space<hbm>>
    %dma_start3A_100 = arith.constant 0 : i32
    %dma_start3A_101 = tpu.memref_slice %arg4[%add3A_97, %dma_start3A_100] : memref<36864x768xf32, #tpu.memory_space<hbm>> -> memref<48x768xf32, #tpu.memory_space<hbm>>
    tpu.enqueue_dma source(%arg7 : memref<48x768xf32, #tpu.memory_space<vmem>>) target(%dma_start3A_101 : memref<48x768xf32, #tpu.memory_space<hbm>>) target_semaphore(%arg13 : memref<!tpu.dma_semaphore, #tpu.memory_space<semaphore_mem>>)
    %dma_start3A_102 = arith.constant 288 : i32
    %dma_start3A_103 = tpu.memref_slice %arg5[%dma_start3A_102] : memref<1152xi32, #tpu.memory_space<vmem>> -> memref<48xi32, #tpu.memory_space<vmem>>
    %dma_start3A_104 = arith.constant 0 : i32
    %dma_start3A_105 = arith.constant 0 : i32
    %dma_start3A_106 = tpu.memref_slice %arg2[%dma_start3A_104, %dma_start3A_105] : memref<73728x768xf32, #tpu.memory_space<hbm>> -> memref<73728x768xf32, #tpu.memory_space<hbm>>
    tpu.enqueue_indirect_dma source(%dma_start3A_106 : memref<73728x768xf32, #tpu.memory_space<hbm>>) target(%arg6 : memref<48x768xf32, #tpu.memory_space<vmem>>) offsets(%dma_start3A_103 : memref<48xi32, #tpu.memory_space<vmem>>) semaphore(%arg9 : memref<!tpu.dma_semaphore, #tpu.memory_space<semaphore_mem>>)
    %dma_wait3A_107 = arith.constant 240 : i32
    %dma_wait3A_108 = tpu.memref_slice %arg5[%dma_wait3A_107] : memref<1152xi32, #tpu.memory_space<vmem>> -> memref<48xi32, #tpu.memory_space<vmem>>
    %dma_wait3A_109 = arith.constant 0 : i32
    %dma_wait3A_110 = arith.constant 0 : i32
    %dma_wait3A_111 = tpu.memref_slice %arg2[%dma_wait3A_109, %dma_wait3A_110] : memref<73728x768xf32, #tpu.memory_space<hbm>> -> memref<73728x768xf32, #tpu.memory_space<hbm>>
    tpu.wait_indirect_dma semaphore(%arg11 : memref<!tpu.dma_semaphore, #tpu.memory_space<semaphore_mem>>) src(%dma_wait3A_111 : memref<73728x768xf32, #tpu.memory_space<hbm>>) dst(%arg8 : memref<48x768xf32, #tpu.memory_space<vmem>>)
    %dma_wait3A_112 = arith.constant 0 : i32
    %dma_wait3A_113 = tpu.memref_slice %arg4[%add3A_97, %dma_wait3A_112] : memref<36864x768xf32, #tpu.memory_space<hbm>> -> memref<48x768xf32, #tpu.memory_space<hbm>>
    %dma_wait3A_114 = arith.constant 0 : i32
    %dma_wait3A_115 = tpu.memref_slice %arg4[%add3A_97, %dma_wait3A_114] : memref<36864x768xf32, #tpu.memory_space<hbm>> -> memref<48x768xf32, #tpu.memory_space<hbm>>
    tpu.wait_dma2 semaphore(%arg13 : memref<!tpu.dma_semaphore, #tpu.memory_space<semaphore_mem>>) src(%arg7 : memref<48x768xf32, #tpu.memory_space<vmem>>) dst(%dma_wait3A_115 : memref<48x768xf32, #tpu.memory_space<hbm>>)
    %add3A_116 = arith.constant 240 : i32
    %add3A_117 = arith.addi %mul3A_2, %add3A_116 : i32
    %dma_start3A_118 = arith.constant 0 : i32
    %dma_start3A_119 = tpu.memref_slice %arg4[%add3A_117, %dma_start3A_118] : memref<36864x768xf32, #tpu.memory_space<hbm>> -> memref<48x768xf32, #tpu.memory_space<hbm>>
    %dma_start3A_120 = arith.constant 0 : i32
    %dma_start3A_121 = tpu.memref_slice %arg4[%add3A_117, %dma_start3A_120] : memref<36864x768xf32, #tpu.memory_space<hbm>> -> memref<48x768xf32, #tpu.memory_space<hbm>>
    tpu.enqueue_dma source(%arg8 : memref<48x768xf32, #tpu.memory_space<vmem>>) target(%dma_start3A_121 : memref<48x768xf32, #tpu.memory_space<hbm>>) target_semaphore(%arg14 : memref<!tpu.dma_semaphore, #tpu.memory_space<semaphore_mem>>)
    %dma_start3A_122 = arith.constant 336 : i32
    %dma_start3A_123 = tpu.memref_slice %arg5[%dma_start3A_122] : memref<1152xi32, #tpu.memory_space<vmem>> -> memref<48xi32, #tpu.memory_space<vmem>>
    %dma_start3A_124 = arith.constant 0 : i32
    %dma_start3A_125 = arith.constant 0 : i32
    %dma_start3A_126 = tpu.memref_slice %arg2[%dma_start3A_124, %dma_start3A_125] : memref<73728x768xf32, #tpu.memory_space<hbm>> -> memref<73728x768xf32, #tpu.memory_space<hbm>>
    tpu.enqueue_indirect_dma source(%dma_start3A_126 : memref<73728x768xf32, #tpu.memory_space<hbm>>) target(%arg7 : memref<48x768xf32, #tpu.memory_space<vmem>>) offsets(%dma_start3A_123 : memref<48xi32, #tpu.memory_space<vmem>>) semaphore(%arg10 : memref<!tpu.dma_semaphore, #tpu.memory_space<semaphore_mem>>)
    %dma_wait3A_127 = arith.constant 288 : i32
    %dma_wait3A_128 = tpu.memref_slice %arg5[%dma_wait3A_127] : memref<1152xi32, #tpu.memory_space<vmem>> -> memref<48xi32, #tpu.memory_space<vmem>>
    %dma_wait3A_129 = arith.constant 0 : i32
    %dma_wait3A_130 = arith.constant 0 : i32
    %dma_wait3A_131 = tpu.memref_slice %arg2[%dma_wait3A_129, %dma_wait3A_130] : memref<73728x768xf32, #tpu.memory_space<hbm>> -> memref<73728x768xf32, #tpu.memory_space<hbm>>
    tpu.wait_indirect_dma semaphore(%arg9 : memref<!tpu.dma_semaphore, #tpu.memory_space<semaphore_mem>>) src(%dma_wait3A_131 : memref<73728x768xf32, #tpu.memory_space<hbm>>) dst(%arg6 : memref<48x768xf32, #tpu.memory_space<vmem>>)
    %dma_wait3A_132 = arith.constant 0 : i32
    %dma_wait3A_133 = tpu.memref_slice %arg4[%add3A_117, %dma_wait3A_132] : memref<36864x768xf32, #tpu.memory_space<hbm>> -> memref<48x768xf32, #tpu.memory_space<hbm>>
    %dma_wait3A_134 = arith.constant 0 : i32
    %dma_wait3A_135 = tpu.memref_slice %arg4[%add3A_117, %dma_wait3A_134] : memref<36864x768xf32, #tpu.memory_space<hbm>> -> memref<48x768xf32, #tpu.memory_space<hbm>>
    tpu.wait_dma2 semaphore(%arg14 : memref<!tpu.dma_semaphore, #tpu.memory_space<semaphore_mem>>) src(%arg8 : memref<48x768xf32, #tpu.memory_space<vmem>>) dst(%dma_wait3A_135 : memref<48x768xf32, #tpu.memory_space<hbm>>)
    %add3A_136 = arith.constant 288 : i32
    %add3A_137 = arith.addi %mul3A_2, %add3A_136 : i32
    %dma_start3A_138 = arith.constant 0 : i32
    %dma_start3A_139 = tpu.memref_slice %arg4[%add3A_137, %dma_start3A_138] : memref<36864x768xf32, #tpu.memory_space<hbm>> -> memref<48x768xf32, #tpu.memory_space<hbm>>
    %dma_start3A_140 = arith.constant 0 : i32
    %dma_start3A_141 = tpu.memref_slice %arg4[%add3A_137, %dma_start3A_140] : memref<36864x768xf32, #tpu.memory_space<hbm>> -> memref<48x768xf32, #tpu.memory_space<hbm>>
    tpu.enqueue_dma source(%arg6 : memref<48x768xf32, #tpu.memory_space<vmem>>) target(%dma_start3A_141 : memref<48x768xf32, #tpu.memory_space<hbm>>) target_semaphore(%arg12 : memref<!tpu.dma_semaphore, #tpu.memory_space<semaphore_mem>>)
    %dma_start3A_142 = arith.constant 384 : i32
    %dma_start3A_143 = tpu.memref_slice %arg5[%dma_start3A_142] : memref<1152xi32, #tpu.memory_space<vmem>> -> memref<48xi32, #tpu.memory_space<vmem>>
    %dma_start3A_144 = arith.constant 0 : i32
    %dma_start3A_145 = arith.constant 0 : i32
    %dma_start3A_146 = tpu.memref_slice %arg2[%dma_start3A_144, %dma_start3A_145] : memref<73728x768xf32, #tpu.memory_space<hbm>> -> memref<73728x768xf32, #tpu.memory_space<hbm>>
    tpu.enqueue_indirect_dma source(%dma_start3A_146 : memref<73728x768xf32, #tpu.memory_space<hbm>>) target(%arg8 : memref<48x768xf32, #tpu.memory_space<vmem>>) offsets(%dma_start3A_143 : memref<48xi32, #tpu.memory_space<vmem>>) semaphore(%arg11 : memref<!tpu.dma_semaphore, #tpu.memory_space<semaphore_mem>>)
    %dma_wait3A_147 = arith.constant 336 : i32
    %dma_wait3A_148 = tpu.memref_slice %arg5[%dma_wait3A_147] : memref<1152xi32, #tpu.memory_space<vmem>> -> memref<48xi32, #tpu.memory_space<vmem>>
    %dma_wait3A_149 = arith.constant 0 : i32
    %dma_wait3A_150 = arith.constant 0 : i32
    %dma_wait3A_151 = tpu.memref_slice %arg2[%dma_wait3A_149, %dma_wait3A_150] : memref<73728x768xf32, #tpu.memory_space<hbm>> -> memref<73728x768xf32, #tpu.memory_space<hbm>>
    tpu.wait_indirect_dma semaphore(%arg10 : memref<!tpu.dma_semaphore, #tpu.memory_space<semaphore_mem>>) src(%dma_wait3A_151 : memref<73728x768xf32, #tpu.memory_space<hbm>>) dst(%arg7 : memref<48x768xf32, #tpu.memory_space<vmem>>)
    %dma_wait3A_152 = arith.constant 0 : i32
    %dma_wait3A_153 = tpu.memref_slice %arg4[%add3A_137, %dma_wait3A_152] : memref<36864x768xf32, #tpu.memory_space<hbm>> -> memref<48x768xf32, #tpu.memory_space<hbm>>
    %dma_wait3A_154 = arith.constant 0 : i32
    %dma_wait3A_155 = tpu.memref_slice %arg4[%add3A_137, %dma_wait3A_154] : memref<36864x768xf32, #tpu.memory_space<hbm>> -> memref<48x768xf32, #tpu.memory_space<hbm>>
    tpu.wait_dma2 semaphore(%arg12 : memref<!tpu.dma_semaphore, #tpu.memory_space<semaphore_mem>>) src(%arg6 : memref<48x768xf32, #tpu.memory_space<vmem>>) dst(%dma_wait3A_155 : memref<48x768xf32, #tpu.memory_space<hbm>>)
    %add3A_156 = arith.constant 336 : i32
    %add3A_157 = arith.addi %mul3A_2, %add3A_156 : i32
    %dma_start3A_158 = arith.constant 0 : i32
    %dma_start3A_159 = tpu.memref_slice %arg4[%add3A_157, %dma_start3A_158] : memref<36864x768xf32, #tpu.memory_space<hbm>> -> memref<48x768xf32, #tpu.memory_space<hbm>>
    %dma_start3A_160 = arith.constant 0 : i32
    %dma_start3A_161 = tpu.memref_slice %arg4[%add3A_157, %dma_start3A_160] : memref<36864x768xf32, #tpu.memory_space<hbm>> -> memref<48x768xf32, #tpu.memory_space<hbm>>
    tpu.enqueue_dma source(%arg7 : memref<48x768xf32, #tpu.memory_space<vmem>>) target(%dma_start3A_161 : memref<48x768xf32, #tpu.memory_space<hbm>>) target_semaphore(%arg13 : memref<!tpu.dma_semaphore, #tpu.memory_space<semaphore_mem>>)
    %dma_start3A_162 = arith.constant 432 : i32
    %dma_start3A_163 = tpu.memref_slice %arg5[%dma_start3A_162] : memref<1152xi32, #tpu.memory_space<vmem>> -> memref<48xi32, #tpu.memory_space<vmem>>
    %dma_start3A_164 = arith.constant 0 : i32
    %dma_start3A_165 = arith.constant 0 : i32
    %dma_start3A_166 = tpu.memref_slice %arg2[%dma_start3A_164, %dma_start3A_165] : memref<73728x768xf32, #tpu.memory_space<hbm>> -> memref<73728x768xf32, #tpu.memory_space<hbm>>
    tpu.enqueue_indirect_dma source(%dma_start3A_166 : memref<73728x768xf32, #tpu.memory_space<hbm>>) target(%arg6 : memref<48x768xf32, #tpu.memory_space<vmem>>) offsets(%dma_start3A_163 : memref<48xi32, #tpu.memory_space<vmem>>) semaphore(%arg9 : memref<!tpu.dma_semaphore, #tpu.memory_space<semaphore_mem>>)
    %dma_wait3A_167 = arith.constant 384 : i32
    %dma_wait3A_168 = tpu.memref_slice %arg5[%dma_wait3A_167] : memref<1152xi32, #tpu.memory_space<vmem>> -> memref<48xi32, #tpu.memory_space<vmem>>
    %dma_wait3A_169 = arith.constant 0 : i32
    %dma_wait3A_170 = arith.constant 0 : i32
    %dma_wait3A_171 = tpu.memref_slice %arg2[%dma_wait3A_169, %dma_wait3A_170] : memref<73728x768xf32, #tpu.memory_space<hbm>> -> memref<73728x768xf32, #tpu.memory_space<hbm>>
    tpu.wait_indirect_dma semaphore(%arg11 : memref<!tpu.dma_semaphore, #tpu.memory_space<semaphore_mem>>) src(%dma_wait3A_171 : memref<73728x768xf32, #tpu.memory_space<hbm>>) dst(%arg8 : memref<48x768xf32, #tpu.memory_space<vmem>>)
    %dma_wait3A_172 = arith.constant 0 : i32
    %dma_wait3A_173 = tpu.memref_slice %arg4[%add3A_157, %dma_wait3A_172] : memref<36864x768xf32, #tpu.memory_space<hbm>> -> memref<48x768xf32, #tpu.memory_space<hbm>>
    %dma_wait3A_174 = arith.constant 0 : i32
    %dma_wait3A_175 = tpu.memref_slice %arg4[%add3A_157, %dma_wait3A_174] : memref<36864x768xf32, #tpu.memory_space<hbm>> -> memref<48x768xf32, #tpu.memory_space<hbm>>
    tpu.wait_dma2 semaphore(%arg13 : memref<!tpu.dma_semaphore, #tpu.memory_space<semaphore_mem>>) src(%arg7 : memref<48x768xf32, #tpu.memory_space<vmem>>) dst(%dma_wait3A_175 : memref<48x768xf32, #tpu.memory_space<hbm>>)
    %add3A_176 = arith.constant 384 : i32
    %add3A_177 = arith.addi %mul3A_2, %add3A_176 : i32
    %dma_start3A_178 = arith.constant 0 : i32
    %dma_start3A_179 = tpu.memref_slice %arg4[%add3A_177, %dma_start3A_178] : memref<36864x768xf32, #tpu.memory_space<hbm>> -> memref<48x768xf32, #tpu.memory_space<hbm>>
    %dma_start3A_180 = arith.constant 0 : i32
    %dma_start3A_181 = tpu.memref_slice %arg4[%add3A_177, %dma_start3A_180] : memref<36864x768xf32, #tpu.memory_space<hbm>> -> memref<48x768xf32, #tpu.memory_space<hbm>>
    tpu.enqueue_dma source(%arg8 : memref<48x768xf32, #tpu.memory_space<vmem>>) target(%dma_start3A_181 : memref<48x768xf32, #tpu.memory_space<hbm>>) target_semaphore(%arg14 : memref<!tpu.dma_semaphore, #tpu.memory_space<semaphore_mem>>)
    %dma_start3A_182 = arith.constant 480 : i32
    %dma_start3A_183 = tpu.memref_slice %arg5[%dma_start3A_182] : memref<1152xi32, #tpu.memory_space<vmem>> -> memref<48xi32, #tpu.memory_space<vmem>>
    %dma_start3A_184 = arith.constant 0 : i32
    %dma_start3A_185 = arith.constant 0 : i32
    %dma_start3A_186 = tpu.memref_slice %arg2[%dma_start3A_184, %dma_start3A_185] : memref<73728x768xf32, #tpu.memory_space<hbm>> -> memref<73728x768xf32, #tpu.memory_space<hbm>>
    tpu.enqueue_indirect_dma source(%dma_start3A_186 : memref<73728x768xf32, #tpu.memory_space<hbm>>) target(%arg7 : memref<48x768xf32, #tpu.memory_space<vmem>>) offsets(%dma_start3A_183 : memref<48xi32, #tpu.memory_space<vmem>>) semaphore(%arg10 : memref<!tpu.dma_semaphore, #tpu.memory_space<semaphore_mem>>)
    %dma_wait3A_187 = arith.constant 432 : i32
    %dma_wait3A_188 = tpu.memref_slice %arg5[%dma_wait3A_187] : memref<1152xi32, #tpu.memory_space<vmem>> -> memref<48xi32, #tpu.memory_space<vmem>>
    %dma_wait3A_189 = arith.constant 0 : i32
    %dma_wait3A_190 = arith.constant 0 : i32
    %dma_wait3A_191 = tpu.memref_slice %arg2[%dma_wait3A_189, %dma_wait3A_190] : memref<73728x768xf32, #tpu.memory_space<hbm>> -> memref<73728x768xf32, #tpu.memory_space<hbm>>
    tpu.wait_indirect_dma semaphore(%arg9 : memref<!tpu.dma_semaphore, #tpu.memory_space<semaphore_mem>>) src(%dma_wait3A_191 : memref<73728x768xf32, #tpu.memory_space<hbm>>) dst(%arg6 : memref<48x768xf32, #tpu.memory_space<vmem>>)
    %dma_wait3A_192 = arith.constant 0 : i32
    %dma_wait3A_193 = tpu.memref_slice %arg4[%add3A_177, %dma_wait3A_192] : memref<36864x768xf32, #tpu.memory_space<hbm>> -> memref<48x768xf32, #tpu.memory_space<hbm>>
    %dma_wait3A_194 = arith.constant 0 : i32
    %dma_wait3A_195 = tpu.memref_slice %arg4[%add3A_177, %dma_wait3A_194] : memref<36864x768xf32, #tpu.memory_space<hbm>> -> memref<48x768xf32, #tpu.memory_space<hbm>>
    tpu.wait_dma2 semaphore(%arg14 : memref<!tpu.dma_semaphore, #tpu.memory_space<semaphore_mem>>) src(%arg8 : memref<48x768xf32, #tpu.memory_space<vmem>>) dst(%dma_wait3A_195 : memref<48x768xf32, #tpu.memory_space<hbm>>)
    %add3A_196 = arith.constant 432 : i32
    %add3A_197 = arith.addi %mul3A_2, %add3A_196 : i32
    %dma_start3A_198 = arith.constant 0 : i32
    %dma_start3A_199 = tpu.memref_slice %arg4[%add3A_197, %dma_start3A_198] : memref<36864x768xf32, #tpu.memory_space<hbm>> -> memref<48x768xf32, #tpu.memory_space<hbm>>
    %dma_start3A_200 = arith.constant 0 : i32
    %dma_start3A_201 = tpu.memref_slice %arg4[%add3A_197, %dma_start3A_200] : memref<36864x768xf32, #tpu.memory_space<hbm>> -> memref<48x768xf32, #tpu.memory_space<hbm>>
    tpu.enqueue_dma source(%arg6 : memref<48x768xf32, #tpu.memory_space<vmem>>) target(%dma_start3A_201 : memref<48x768xf32, #tpu.memory_space<hbm>>) target_semaphore(%arg12 : memref<!tpu.dma_semaphore, #tpu.memory_space<semaphore_mem>>)
    %dma_start3A_202 = arith.constant 528 : i32
    %dma_start3A_203 = tpu.memref_slice %arg5[%dma_start3A_202] : memref<1152xi32, #tpu.memory_space<vmem>> -> memref<48xi32, #tpu.memory_space<vmem>>
    %dma_start3A_204 = arith.constant 0 : i32
    %dma_start3A_205 = arith.constant 0 : i32
    %dma_start3A_206 = tpu.memref_slice %arg2[%dma_start3A_204, %dma_start3A_205] : memref<73728x768xf32, #tpu.memory_space<hbm>> -> memref<73728x768xf32, #tpu.memory_space<hbm>>
    tpu.enqueue_indirect_dma source(%dma_start3A_206 : memref<73728x768xf32, #tpu.memory_space<hbm>>) target(%arg8 : memref<48x768xf32, #tpu.memory_space<vmem>>) offsets(%dma_start3A_203 : memref<48xi32, #tpu.memory_space<vmem>>) semaphore(%arg11 : memref<!tpu.dma_semaphore, #tpu.memory_space<semaphore_mem>>)
    %dma_wait3A_207 = arith.constant 480 : i32
    %dma_wait3A_208 = tpu.memref_slice %arg5[%dma_wait3A_207] : memref<1152xi32, #tpu.memory_space<vmem>> -> memref<48xi32, #tpu.memory_space<vmem>>
    %dma_wait3A_209 = arith.constant 0 : i32
    %dma_wait3A_210 = arith.constant 0 : i32
    %dma_wait3A_211 = tpu.memref_slice %arg2[%dma_wait3A_209, %dma_wait3A_210] : memref<73728x768xf32, #tpu.memory_space<hbm>> -> memref<73728x768xf32, #tpu.memory_space<hbm>>
    tpu.wait_indirect_dma semaphore(%arg10 : memref<!tpu.dma_semaphore, #tpu.memory_space<semaphore_mem>>) src(%dma_wait3A_211 : memref<73728x768xf32, #tpu.memory_space<hbm>>) dst(%arg7 : memref<48x768xf32, #tpu.memory_space<vmem>>)
    %dma_wait3A_212 = arith.constant 0 : i32
    %dma_wait3A_213 = tpu.memref_slice %arg4[%add3A_197, %dma_wait3A_212] : memref<36864x768xf32, #tpu.memory_space<hbm>> -> memref<48x768xf32, #tpu.memory_space<hbm>>
    %dma_wait3A_214 = arith.constant 0 : i32
    %dma_wait3A_215 = tpu.memref_slice %arg4[%add3A_197, %dma_wait3A_214] : memref<36864x768xf32, #tpu.memory_space<hbm>> -> memref<48x768xf32, #tpu.memory_space<hbm>>
    tpu.wait_dma2 semaphore(%arg12 : memref<!tpu.dma_semaphore, #tpu.memory_space<semaphore_mem>>) src(%arg6 : memref<48x768xf32, #tpu.memory_space<vmem>>) dst(%dma_wait3A_215 : memref<48x768xf32, #tpu.memory_space<hbm>>)
    %add3A_216 = arith.constant 480 : i32
    %add3A_217 = arith.addi %mul3A_2, %add3A_216 : i32
    %dma_start3A_218 = arith.constant 0 : i32
    %dma_start3A_219 = tpu.memref_slice %arg4[%add3A_217, %dma_start3A_218] : memref<36864x768xf32, #tpu.memory_space<hbm>> -> memref<48x768xf32, #tpu.memory_space<hbm>>
    %dma_start3A_220 = arith.constant 0 : i32
    %dma_start3A_221 = tpu.memref_slice %arg4[%add3A_217, %dma_start3A_220] : memref<36864x768xf32, #tpu.memory_space<hbm>> -> memref<48x768xf32, #tpu.memory_space<hbm>>
    tpu.enqueue_dma source(%arg7 : memref<48x768xf32, #tpu.memory_space<vmem>>) target(%dma_start3A_221 : memref<48x768xf32, #tpu.memory_space<hbm>>) target_semaphore(%arg13 : memref<!tpu.dma_semaphore, #tpu.memory_space<semaphore_mem>>)
    %dma_start3A_222 = arith.constant 576 : i32
    %dma_start3A_223 = tpu.memref_slice %arg5[%dma_start3A_222] : memref<1152xi32, #tpu.memory_space<vmem>> -> memref<48xi32, #tpu.memory_space<vmem>>
    %dma_start3A_224 = arith.constant 0 : i32
    %dma_start3A_225 = arith.constant 0 : i32
    %dma_start3A_226 = tpu.memref_slice %arg2[%dma_start3A_224, %dma_start3A_225] : memref<73728x768xf32, #tpu.memory_space<hbm>> -> memref<73728x768xf32, #tpu.memory_space<hbm>>
    tpu.enqueue_indirect_dma source(%dma_start3A_226 : memref<73728x768xf32, #tpu.memory_space<hbm>>) target(%arg6 : memref<48x768xf32, #tpu.memory_space<vmem>>) offsets(%dma_start3A_223 : memref<48xi32, #tpu.memory_space<vmem>>) semaphore(%arg9 : memref<!tpu.dma_semaphore, #tpu.memory_space<semaphore_mem>>)
    %dma_wait3A_227 = arith.constant 528 : i32
    %dma_wait3A_228 = tpu.memref_slice %arg5[%dma_wait3A_227] : memref<1152xi32, #tpu.memory_space<vmem>> -> memref<48xi32, #tpu.memory_space<vmem>>
    %dma_wait3A_229 = arith.constant 0 : i32
    %dma_wait3A_230 = arith.constant 0 : i32
    %dma_wait3A_231 = tpu.memref_slice %arg2[%dma_wait3A_229, %dma_wait3A_230] : memref<73728x768xf32, #tpu.memory_space<hbm>> -> memref<73728x768xf32, #tpu.memory_space<hbm>>
    tpu.wait_indirect_dma semaphore(%arg11 : memref<!tpu.dma_semaphore, #tpu.memory_space<semaphore_mem>>) src(%dma_wait3A_231 : memref<73728x768xf32, #tpu.memory_space<hbm>>) dst(%arg8 : memref<48x768xf32, #tpu.memory_space<vmem>>)
    %dma_wait3A_232 = arith.constant 0 : i32
    %dma_wait3A_233 = tpu.memref_slice %arg4[%add3A_217, %dma_wait3A_232] : memref<36864x768xf32, #tpu.memory_space<hbm>> -> memref<48x768xf32, #tpu.memory_space<hbm>>
    %dma_wait3A_234 = arith.constant 0 : i32
    %dma_wait3A_235 = tpu.memref_slice %arg4[%add3A_217, %dma_wait3A_234] : memref<36864x768xf32, #tpu.memory_space<hbm>> -> memref<48x768xf32, #tpu.memory_space<hbm>>
    tpu.wait_dma2 semaphore(%arg13 : memref<!tpu.dma_semaphore, #tpu.memory_space<semaphore_mem>>) src(%arg7 : memref<48x768xf32, #tpu.memory_space<vmem>>) dst(%dma_wait3A_235 : memref<48x768xf32, #tpu.memory_space<hbm>>)
    %add3A_236 = arith.constant 528 : i32
    %add3A_237 = arith.addi %mul3A_2, %add3A_236 : i32
    %dma_start3A_238 = arith.constant 0 : i32
    %dma_start3A_239 = tpu.memref_slice %arg4[%add3A_237, %dma_start3A_238] : memref<36864x768xf32, #tpu.memory_space<hbm>> -> memref<48x768xf32, #tpu.memory_space<hbm>>
    %dma_start3A_240 = arith.constant 0 : i32
    %dma_start3A_241 = tpu.memref_slice %arg4[%add3A_237, %dma_start3A_240] : memref<36864x768xf32, #tpu.memory_space<hbm>> -> memref<48x768xf32, #tpu.memory_space<hbm>>
    tpu.enqueue_dma source(%arg8 : memref<48x768xf32, #tpu.memory_space<vmem>>) target(%dma_start3A_241 : memref<48x768xf32, #tpu.memory_space<hbm>>) target_semaphore(%arg14 : memref<!tpu.dma_semaphore, #tpu.memory_space<semaphore_mem>>)
    %dma_start3A_242 = arith.constant 624 : i32
    %dma_start3A_243 = tpu.memref_slice %arg5[%dma_start3A_242] : memref<1152xi32, #tpu.memory_space<vmem>> -> memref<48xi32, #tpu.memory_space<vmem>>
    %dma_start3A_244 = arith.constant 0 : i32
    %dma_start3A_245 = arith.constant 0 : i32
    %dma_start3A_246 = tpu.memref_slice %arg2[%dma_start3A_244, %dma_start3A_245] : memref<73728x768xf32, #tpu.memory_space<hbm>> -> memref<73728x768xf32, #tpu.memory_space<hbm>>
    tpu.enqueue_indirect_dma source(%dma_start3A_246 : memref<73728x768xf32, #tpu.memory_space<hbm>>) target(%arg7 : memref<48x768xf32, #tpu.memory_space<vmem>>) offsets(%dma_start3A_243 : memref<48xi32, #tpu.memory_space<vmem>>) semaphore(%arg10 : memref<!tpu.dma_semaphore, #tpu.memory_space<semaphore_mem>>)
    %dma_wait3A_247 = arith.constant 576 : i32
    %dma_wait3A_248 = tpu.memref_slice %arg5[%dma_wait3A_247] : memref<1152xi32, #tpu.memory_space<vmem>> -> memref<48xi32, #tpu.memory_space<vmem>>
    %dma_wait3A_249 = arith.constant 0 : i32
    %dma_wait3A_250 = arith.constant 0 : i32
    %dma_wait3A_251 = tpu.memref_slice %arg2[%dma_wait3A_249, %dma_wait3A_250] : memref<73728x768xf32, #tpu.memory_space<hbm>> -> memref<73728x768xf32, #tpu.memory_space<hbm>>
    tpu.wait_indirect_dma semaphore(%arg9 : memref<!tpu.dma_semaphore, #tpu.memory_space<semaphore_mem>>) src(%dma_wait3A_251 : memref<73728x768xf32, #tpu.memory_space<hbm>>) dst(%arg6 : memref<48x768xf32, #tpu.memory_space<vmem>>)
    %dma_wait3A_252 = arith.constant 0 : i32
    %dma_wait3A_253 = tpu.memref_slice %arg4[%add3A_237, %dma_wait3A_252] : memref<36864x768xf32, #tpu.memory_space<hbm>> -> memref<48x768xf32, #tpu.memory_space<hbm>>
    %dma_wait3A_254 = arith.constant 0 : i32
    %dma_wait3A_255 = tpu.memref_slice %arg4[%add3A_237, %dma_wait3A_254] : memref<36864x768xf32, #tpu.memory_space<hbm>> -> memref<48x768xf32, #tpu.memory_space<hbm>>
    tpu.wait_dma2 semaphore(%arg14 : memref<!tpu.dma_semaphore, #tpu.memory_space<semaphore_mem>>) src(%arg8 : memref<48x768xf32, #tpu.memory_space<vmem>>) dst(%dma_wait3A_255 : memref<48x768xf32, #tpu.memory_space<hbm>>)
    %add3A_256 = arith.constant 576 : i32
    %add3A_257 = arith.addi %mul3A_2, %add3A_256 : i32
    %dma_start3A_258 = arith.constant 0 : i32
    %dma_start3A_259 = tpu.memref_slice %arg4[%add3A_257, %dma_start3A_258] : memref<36864x768xf32, #tpu.memory_space<hbm>> -> memref<48x768xf32, #tpu.memory_space<hbm>>
    %dma_start3A_260 = arith.constant 0 : i32
    %dma_start3A_261 = tpu.memref_slice %arg4[%add3A_257, %dma_start3A_260] : memref<36864x768xf32, #tpu.memory_space<hbm>> -> memref<48x768xf32, #tpu.memory_space<hbm>>
    tpu.enqueue_dma source(%arg6 : memref<48x768xf32, #tpu.memory_space<vmem>>) target(%dma_start3A_261 : memref<48x768xf32, #tpu.memory_space<hbm>>) target_semaphore(%arg12 : memref<!tpu.dma_semaphore, #tpu.memory_space<semaphore_mem>>)
    %dma_start3A_262 = arith.constant 672 : i32
    %dma_start3A_263 = tpu.memref_slice %arg5[%dma_start3A_262] : memref<1152xi32, #tpu.memory_space<vmem>> -> memref<48xi32, #tpu.memory_space<vmem>>
    %dma_start3A_264 = arith.constant 0 : i32
    %dma_start3A_265 = arith.constant 0 : i32
    %dma_start3A_266 = tpu.memref_slice %arg2[%dma_start3A_264, %dma_start3A_265] : memref<73728x768xf32, #tpu.memory_space<hbm>> -> memref<73728x768xf32, #tpu.memory_space<hbm>>
    tpu.enqueue_indirect_dma source(%dma_start3A_266 : memref<73728x768xf32, #tpu.memory_space<hbm>>) target(%arg8 : memref<48x768xf32, #tpu.memory_space<vmem>>) offsets(%dma_start3A_263 : memref<48xi32, #tpu.memory_space<vmem>>) semaphore(%arg11 : memref<!tpu.dma_semaphore, #tpu.memory_space<semaphore_mem>>)
    %dma_wait3A_267 = arith.constant 624 : i32
    %dma_wait3A_268 = tpu.memref_slice %arg5[%dma_wait3A_267] : memref<1152xi32, #tpu.memory_space<vmem>> -> memref<48xi32, #tpu.memory_space<vmem>>
    %dma_wait3A_269 = arith.constant 0 : i32
    %dma_wait3A_270 = arith.constant 0 : i32
    %dma_wait3A_271 = tpu.memref_slice %arg2[%dma_wait3A_269, %dma_wait3A_270] : memref<73728x768xf32, #tpu.memory_space<hbm>> -> memref<73728x768xf32, #tpu.memory_space<hbm>>
    tpu.wait_indirect_dma semaphore(%arg10 : memref<!tpu.dma_semaphore, #tpu.memory_space<semaphore_mem>>) src(%dma_wait3A_271 : memref<73728x768xf32, #tpu.memory_space<hbm>>) dst(%arg7 : memref<48x768xf32, #tpu.memory_space<vmem>>)
    %dma_wait3A_272 = arith.constant 0 : i32
    %dma_wait3A_273 = tpu.memref_slice %arg4[%add3A_257, %dma_wait3A_272] : memref<36864x768xf32, #tpu.memory_space<hbm>> -> memref<48x768xf32, #tpu.memory_space<hbm>>
    %dma_wait3A_274 = arith.constant 0 : i32
    %dma_wait3A_275 = tpu.memref_slice %arg4[%add3A_257, %dma_wait3A_274] : memref<36864x768xf32, #tpu.memory_space<hbm>> -> memref<48x768xf32, #tpu.memory_space<hbm>>
    tpu.wait_dma2 semaphore(%arg12 : memref<!tpu.dma_semaphore, #tpu.memory_space<semaphore_mem>>) src(%arg6 : memref<48x768xf32, #tpu.memory_space<vmem>>) dst(%dma_wait3A_275 : memref<48x768xf32, #tpu.memory_space<hbm>>)
    %add3A_276 = arith.constant 624 : i32
    %add3A_277 = arith.addi %mul3A_2, %add3A_276 : i32
    %dma_start3A_278 = arith.constant 0 : i32
    %dma_start3A_279 = tpu.memref_slice %arg4[%add3A_277, %dma_start3A_278] : memref<36864x768xf32, #tpu.memory_space<hbm>> -> memref<48x768xf32, #tpu.memory_space<hbm>>
    %dma_start3A_280 = arith.constant 0 : i32
    %dma_start3A_281 = tpu.memref_slice %arg4[%add3A_277, %dma_start3A_280] : memref<36864x768xf32, #tpu.memory_space<hbm>> -> memref<48x768xf32, #tpu.memory_space<hbm>>
    tpu.enqueue_dma source(%arg7 : memref<48x768xf32, #tpu.memory_space<vmem>>) target(%dma_start3A_281 : memref<48x768xf32, #tpu.memory_space<hbm>>) target_semaphore(%arg13 : memref<!tpu.dma_semaphore, #tpu.memory_space<semaphore_mem>>)
    %dma_start3A_282 = arith.constant 720 : i32
    %dma_start3A_283 = tpu.memref_slice %arg5[%dma_start3A_282] : memref<1152xi32, #tpu.memory_space<vmem>> -> memref<48xi32, #tpu.memory_space<vmem>>
    %dma_start3A_284 = arith.constant 0 : i32
    %dma_start3A_285 = arith.constant 0 : i32
    %dma_start3A_286 = tpu.memref_slice %arg2[%dma_start3A_284, %dma_start3A_285] : memref<73728x768xf32, #tpu.memory_space<hbm>> -> memref<73728x768xf32, #tpu.memory_space<hbm>>
    tpu.enqueue_indirect_dma source(%dma_start3A_286 : memref<73728x768xf32, #tpu.memory_space<hbm>>) target(%arg6 : memref<48x768xf32, #tpu.memory_space<vmem>>) offsets(%dma_start3A_283 : memref<48xi32, #tpu.memory_space<vmem>>) semaphore(%arg9 : memref<!tpu.dma_semaphore, #tpu.memory_space<semaphore_mem>>)
    %dma_wait3A_287 = arith.constant 672 : i32
    %dma_wait3A_288 = tpu.memref_slice %arg5[%dma_wait3A_287] : memref<1152xi32, #tpu.memory_space<vmem>> -> memref<48xi32, #tpu.memory_space<vmem>>
    %dma_wait3A_289 = arith.constant 0 : i32
    %dma_wait3A_290 = arith.constant 0 : i32
    %dma_wait3A_291 = tpu.memref_slice %arg2[%dma_wait3A_289, %dma_wait3A_290] : memref<73728x768xf32, #tpu.memory_space<hbm>> -> memref<73728x768xf32, #tpu.memory_space<hbm>>
    tpu.wait_indirect_dma semaphore(%arg11 : memref<!tpu.dma_semaphore, #tpu.memory_space<semaphore_mem>>) src(%dma_wait3A_291 : memref<73728x768xf32, #tpu.memory_space<hbm>>) dst(%arg8 : memref<48x768xf32, #tpu.memory_space<vmem>>)
    %dma_wait3A_292 = arith.constant 0 : i32
    %dma_wait3A_293 = tpu.memref_slice %arg4[%add3A_277, %dma_wait3A_292] : memref<36864x768xf32, #tpu.memory_space<hbm>> -> memref<48x768xf32, #tpu.memory_space<hbm>>
    %dma_wait3A_294 = arith.constant 0 : i32
    %dma_wait3A_295 = tpu.memref_slice %arg4[%add3A_277, %dma_wait3A_294] : memref<36864x768xf32, #tpu.memory_space<hbm>> -> memref<48x768xf32, #tpu.memory_space<hbm>>
    tpu.wait_dma2 semaphore(%arg13 : memref<!tpu.dma_semaphore, #tpu.memory_space<semaphore_mem>>) src(%arg7 : memref<48x768xf32, #tpu.memory_space<vmem>>) dst(%dma_wait3A_295 : memref<48x768xf32, #tpu.memory_space<hbm>>)
    %add3A_296 = arith.constant 672 : i32
    %add3A_297 = arith.addi %mul3A_2, %add3A_296 : i32
    %dma_start3A_298 = arith.constant 0 : i32
    %dma_start3A_299 = tpu.memref_slice %arg4[%add3A_297, %dma_start3A_298] : memref<36864x768xf32, #tpu.memory_space<hbm>> -> memref<48x768xf32, #tpu.memory_space<hbm>>
    %dma_start3A_300 = arith.constant 0 : i32
    %dma_start3A_301 = tpu.memref_slice %arg4[%add3A_297, %dma_start3A_300] : memref<36864x768xf32, #tpu.memory_space<hbm>> -> memref<48x768xf32, #tpu.memory_space<hbm>>
    tpu.enqueue_dma source(%arg8 : memref<48x768xf32, #tpu.memory_space<vmem>>) target(%dma_start3A_301 : memref<48x768xf32, #tpu.memory_space<hbm>>) target_semaphore(%arg14 : memref<!tpu.dma_semaphore, #tpu.memory_space<semaphore_mem>>)
    %dma_start3A_302 = arith.constant 768 : i32
    %dma_start3A_303 = tpu.memref_slice %arg5[%dma_start3A_302] : memref<1152xi32, #tpu.memory_space<vmem>> -> memref<48xi32, #tpu.memory_space<vmem>>
    %dma_start3A_304 = arith.constant 0 : i32
    %dma_start3A_305 = arith.constant 0 : i32
    %dma_start3A_306 = tpu.memref_slice %arg2[%dma_start3A_304, %dma_start3A_305] : memref<73728x768xf32, #tpu.memory_space<hbm>> -> memref<73728x768xf32, #tpu.memory_space<hbm>>
    tpu.enqueue_indirect_dma source(%dma_start3A_306 : memref<73728x768xf32, #tpu.memory_space<hbm>>) target(%arg7 : memref<48x768xf32, #tpu.memory_space<vmem>>) offsets(%dma_start3A_303 : memref<48xi32, #tpu.memory_space<vmem>>) semaphore(%arg10 : memref<!tpu.dma_semaphore, #tpu.memory_space<semaphore_mem>>)
    %dma_wait3A_307 = arith.constant 720 : i32
    %dma_wait3A_308 = tpu.memref_slice %arg5[%dma_wait3A_307] : memref<1152xi32, #tpu.memory_space<vmem>> -> memref<48xi32, #tpu.memory_space<vmem>>
    %dma_wait3A_309 = arith.constant 0 : i32
    %dma_wait3A_310 = arith.constant 0 : i32
    %dma_wait3A_311 = tpu.memref_slice %arg2[%dma_wait3A_309, %dma_wait3A_310] : memref<73728x768xf32, #tpu.memory_space<hbm>> -> memref<73728x768xf32, #tpu.memory_space<hbm>>
    tpu.wait_indirect_dma semaphore(%arg9 : memref<!tpu.dma_semaphore, #tpu.memory_space<semaphore_mem>>) src(%dma_wait3A_311 : memref<73728x768xf32, #tpu.memory_space<hbm>>) dst(%arg6 : memref<48x768xf32, #tpu.memory_space<vmem>>)
    %dma_wait3A_312 = arith.constant 0 : i32
    %dma_wait3A_313 = tpu.memref_slice %arg4[%add3A_297, %dma_wait3A_312] : memref<36864x768xf32, #tpu.memory_space<hbm>> -> memref<48x768xf32, #tpu.memory_space<hbm>>
    %dma_wait3A_314 = arith.constant 0 : i32
    %dma_wait3A_315 = tpu.memref_slice %arg4[%add3A_297, %dma_wait3A_314] : memref<36864x768xf32, #tpu.memory_space<hbm>> -> memref<48x768xf32, #tpu.memory_space<hbm>>
    tpu.wait_dma2 semaphore(%arg14 : memref<!tpu.dma_semaphore, #tpu.memory_space<semaphore_mem>>) src(%arg8 : memref<48x768xf32, #tpu.memory_space<vmem>>) dst(%dma_wait3A_315 : memref<48x768xf32, #tpu.memory_space<hbm>>)
    %add3A_316 = arith.constant 720 : i32
    %add3A_317 = arith.addi %mul3A_2, %add3A_316 : i32
    %dma_start3A_318 = arith.constant 0 : i32
    %dma_start3A_319 = tpu.memref_slice %arg4[%add3A_317, %dma_start3A_318] : memref<36864x768xf32, #tpu.memory_space<hbm>> -> memref<48x768xf32, #tpu.memory_space<hbm>>
    %dma_start3A_320 = arith.constant 0 : i32
    %dma_start3A_321 = tpu.memref_slice %arg4[%add3A_317, %dma_start3A_320] : memref<36864x768xf32, #tpu.memory_space<hbm>> -> memref<48x768xf32, #tpu.memory_space<hbm>>
    tpu.enqueue_dma source(%arg6 : memref<48x768xf32, #tpu.memory_space<vmem>>) target(%dma_start3A_321 : memref<48x768xf32, #tpu.memory_space<hbm>>) target_semaphore(%arg12 : memref<!tpu.dma_semaphore, #tpu.memory_space<semaphore_mem>>)
    %dma_start3A_322 = arith.constant 816 : i32
    %dma_start3A_323 = tpu.memref_slice %arg5[%dma_start3A_322] : memref<1152xi32, #tpu.memory_space<vmem>> -> memref<48xi32, #tpu.memory_space<vmem>>
    %dma_start3A_324 = arith.constant 0 : i32
    %dma_start3A_325 = arith.constant 0 : i32
    %dma_start3A_326 = tpu.memref_slice %arg2[%dma_start3A_324, %dma_start3A_325] : memref<73728x768xf32, #tpu.memory_space<hbm>> -> memref<73728x768xf32, #tpu.memory_space<hbm>>
    tpu.enqueue_indirect_dma source(%dma_start3A_326 : memref<73728x768xf32, #tpu.memory_space<hbm>>) target(%arg8 : memref<48x768xf32, #tpu.memory_space<vmem>>) offsets(%dma_start3A_323 : memref<48xi32, #tpu.memory_space<vmem>>) semaphore(%arg11 : memref<!tpu.dma_semaphore, #tpu.memory_space<semaphore_mem>>)
    %dma_wait3A_327 = arith.constant 768 : i32
    %dma_wait3A_328 = tpu.memref_slice %arg5[%dma_wait3A_327] : memref<1152xi32, #tpu.memory_space<vmem>> -> memref<48xi32, #tpu.memory_space<vmem>>
    %dma_wait3A_329 = arith.constant 0 : i32
    %dma_wait3A_330 = arith.constant 0 : i32
    %dma_wait3A_331 = tpu.memref_slice %arg2[%dma_wait3A_329, %dma_wait3A_330] : memref<73728x768xf32, #tpu.memory_space<hbm>> -> memref<73728x768xf32, #tpu.memory_space<hbm>>
    tpu.wait_indirect_dma semaphore(%arg10 : memref<!tpu.dma_semaphore, #tpu.memory_space<semaphore_mem>>) src(%dma_wait3A_331 : memref<73728x768xf32, #tpu.memory_space<hbm>>) dst(%arg7 : memref<48x768xf32, #tpu.memory_space<vmem>>)
    %dma_wait3A_332 = arith.constant 0 : i32
    %dma_wait3A_333 = tpu.memref_slice %arg4[%add3A_317, %dma_wait3A_332] : memref<36864x768xf32, #tpu.memory_space<hbm>> -> memref<48x768xf32, #tpu.memory_space<hbm>>
    %dma_wait3A_334 = arith.constant 0 : i32
    %dma_wait3A_335 = tpu.memref_slice %arg4[%add3A_317, %dma_wait3A_334] : memref<36864x768xf32, #tpu.memory_space<hbm>> -> memref<48x768xf32, #tpu.memory_space<hbm>>
    tpu.wait_dma2 semaphore(%arg12 : memref<!tpu.dma_semaphore, #tpu.memory_space<semaphore_mem>>) src(%arg6 : memref<48x768xf32, #tpu.memory_space<vmem>>) dst(%dma_wait3A_335 : memref<48x768xf32, #tpu.memory_space<hbm>>)
    %add3A_336 = arith.constant 768 : i32
    %add3A_337 = arith.addi %mul3A_2, %add3A_336 : i32
    %dma_start3A_338 = arith.constant 0 : i32
    %dma_start3A_339 = tpu.memref_slice %arg4[%add3A_337, %dma_start3A_338] : memref<36864x768xf32, #tpu.memory_space<hbm>> -> memref<48x768xf32, #tpu.memory_space<hbm>>
    %dma_start3A_340 = arith.constant 0 : i32
    %dma_start3A_341 = tpu.memref_slice %arg4[%add3A_337, %dma_start3A_340] : memref<36864x768xf32, #tpu.memory_space<hbm>> -> memref<48x768xf32, #tpu.memory_space<hbm>>
    tpu.enqueue_dma source(%arg7 : memref<48x768xf32, #tpu.memory_space<vmem>>) target(%dma_start3A_341 : memref<48x768xf32, #tpu.memory_space<hbm>>) target_semaphore(%arg13 : memref<!tpu.dma_semaphore, #tpu.memory_space<semaphore_mem>>)
    %dma_start3A_342 = arith.constant 864 : i32
    %dma_start3A_343 = tpu.memref_slice %arg5[%dma_start3A_342] : memref<1152xi32, #tpu.memory_space<vmem>> -> memref<48xi32, #tpu.memory_space<vmem>>
    %dma_start3A_344 = arith.constant 0 : i32
    %dma_start3A_345 = arith.constant 0 : i32
    %dma_start3A_346 = tpu.memref_slice %arg2[%dma_start3A_344, %dma_start3A_345] : memref<73728x768xf32, #tpu.memory_space<hbm>> -> memref<73728x768xf32, #tpu.memory_space<hbm>>
    tpu.enqueue_indirect_dma source(%dma_start3A_346 : memref<73728x768xf32, #tpu.memory_space<hbm>>) target(%arg6 : memref<48x768xf32, #tpu.memory_space<vmem>>) offsets(%dma_start3A_343 : memref<48xi32, #tpu.memory_space<vmem>>) semaphore(%arg9 : memref<!tpu.dma_semaphore, #tpu.memory_space<semaphore_mem>>)
    %dma_wait3A_347 = arith.constant 816 : i32
    %dma_wait3A_348 = tpu.memref_slice %arg5[%dma_wait3A_347] : memref<1152xi32, #tpu.memory_space<vmem>> -> memref<48xi32, #tpu.memory_space<vmem>>
    %dma_wait3A_349 = arith.constant 0 : i32
    %dma_wait3A_350 = arith.constant 0 : i32
    %dma_wait3A_351 = tpu.memref_slice %arg2[%dma_wait3A_349, %dma_wait3A_350] : memref<73728x768xf32, #tpu.memory_space<hbm>> -> memref<73728x768xf32, #tpu.memory_space<hbm>>
    tpu.wait_indirect_dma semaphore(%arg11 : memref<!tpu.dma_semaphore, #tpu.memory_space<semaphore_mem>>) src(%dma_wait3A_351 : memref<73728x768xf32, #tpu.memory_space<hbm>>) dst(%arg8 : memref<48x768xf32, #tpu.memory_space<vmem>>)
    %dma_wait3A_352 = arith.constant 0 : i32
    %dma_wait3A_353 = tpu.memref_slice %arg4[%add3A_337, %dma_wait3A_352] : memref<36864x768xf32, #tpu.memory_space<hbm>> -> memref<48x768xf32, #tpu.memory_space<hbm>>
    %dma_wait3A_354 = arith.constant 0 : i32
    %dma_wait3A_355 = tpu.memref_slice %arg4[%add3A_337, %dma_wait3A_354] : memref<36864x768xf32, #tpu.memory_space<hbm>> -> memref<48x768xf32, #tpu.memory_space<hbm>>
    tpu.wait_dma2 semaphore(%arg13 : memref<!tpu.dma_semaphore, #tpu.memory_space<semaphore_mem>>) src(%arg7 : memref<48x768xf32, #tpu.memory_space<vmem>>) dst(%dma_wait3A_355 : memref<48x768xf32, #tpu.memory_space<hbm>>)
    %add3A_356 = arith.constant 816 : i32
    %add3A_357 = arith.addi %mul3A_2, %add3A_356 : i32
    %dma_start3A_358 = arith.constant 0 : i32
    %dma_start3A_359 = tpu.memref_slice %arg4[%add3A_357, %dma_start3A_358] : memref<36864x768xf32, #tpu.memory_space<hbm>> -> memref<48x768xf32, #tpu.memory_space<hbm>>
    %dma_start3A_360 = arith.constant 0 : i32
    %dma_start3A_361 = tpu.memref_slice %arg4[%add3A_357, %dma_start3A_360] : memref<36864x768xf32, #tpu.memory_space<hbm>> -> memref<48x768xf32, #tpu.memory_space<hbm>>
    tpu.enqueue_dma source(%arg8 : memref<48x768xf32, #tpu.memory_space<vmem>>) target(%dma_start3A_361 : memref<48x768xf32, #tpu.memory_space<hbm>>) target_semaphore(%arg14 : memref<!tpu.dma_semaphore, #tpu.memory_space<semaphore_mem>>)
    %dma_start3A_362 = arith.constant 912 : i32
    %dma_start3A_363 = tpu.memref_slice %arg5[%dma_start3A_362] : memref<1152xi32, #tpu.memory_space<vmem>> -> memref<48xi32, #tpu.memory_space<vmem>>
    %dma_start3A_364 = arith.constant 0 : i32
    %dma_start3A_365 = arith.constant 0 : i32
    %dma_start3A_366 = tpu.memref_slice %arg2[%dma_start3A_364, %dma_start3A_365] : memref<73728x768xf32, #tpu.memory_space<hbm>> -> memref<73728x768xf32, #tpu.memory_space<hbm>>
    tpu.enqueue_indirect_dma source(%dma_start3A_366 : memref<73728x768xf32, #tpu.memory_space<hbm>>) target(%arg7 : memref<48x768xf32, #tpu.memory_space<vmem>>) offsets(%dma_start3A_363 : memref<48xi32, #tpu.memory_space<vmem>>) semaphore(%arg10 : memref<!tpu.dma_semaphore, #tpu.memory_space<semaphore_mem>>)
    %dma_wait3A_367 = arith.constant 864 : i32
    %dma_wait3A_368 = tpu.memref_slice %arg5[%dma_wait3A_367] : memref<1152xi32, #tpu.memory_space<vmem>> -> memref<48xi32, #tpu.memory_space<vmem>>
    %dma_wait3A_369 = arith.constant 0 : i32
    %dma_wait3A_370 = arith.constant 0 : i32
    %dma_wait3A_371 = tpu.memref_slice %arg2[%dma_wait3A_369, %dma_wait3A_370] : memref<73728x768xf32, #tpu.memory_space<hbm>> -> memref<73728x768xf32, #tpu.memory_space<hbm>>
    tpu.wait_indirect_dma semaphore(%arg9 : memref<!tpu.dma_semaphore, #tpu.memory_space<semaphore_mem>>) src(%dma_wait3A_371 : memref<73728x768xf32, #tpu.memory_space<hbm>>) dst(%arg6 : memref<48x768xf32, #tpu.memory_space<vmem>>)
    %dma_wait3A_372 = arith.constant 0 : i32
    %dma_wait3A_373 = tpu.memref_slice %arg4[%add3A_357, %dma_wait3A_372] : memref<36864x768xf32, #tpu.memory_space<hbm>> -> memref<48x768xf32, #tpu.memory_space<hbm>>
    %dma_wait3A_374 = arith.constant 0 : i32
    %dma_wait3A_375 = tpu.memref_slice %arg4[%add3A_357, %dma_wait3A_374] : memref<36864x768xf32, #tpu.memory_space<hbm>> -> memref<48x768xf32, #tpu.memory_space<hbm>>
    tpu.wait_dma2 semaphore(%arg14 : memref<!tpu.dma_semaphore, #tpu.memory_space<semaphore_mem>>) src(%arg8 : memref<48x768xf32, #tpu.memory_space<vmem>>) dst(%dma_wait3A_375 : memref<48x768xf32, #tpu.memory_space<hbm>>)
    %add3A_376 = arith.constant 864 : i32
    %add3A_377 = arith.addi %mul3A_2, %add3A_376 : i32
    %dma_start3A_378 = arith.constant 0 : i32
    %dma_start3A_379 = tpu.memref_slice %arg4[%add3A_377, %dma_start3A_378] : memref<36864x768xf32, #tpu.memory_space<hbm>> -> memref<48x768xf32, #tpu.memory_space<hbm>>
    %dma_start3A_380 = arith.constant 0 : i32
    %dma_start3A_381 = tpu.memref_slice %arg4[%add3A_377, %dma_start3A_380] : memref<36864x768xf32, #tpu.memory_space<hbm>> -> memref<48x768xf32, #tpu.memory_space<hbm>>
    tpu.enqueue_dma source(%arg6 : memref<48x768xf32, #tpu.memory_space<vmem>>) target(%dma_start3A_381 : memref<48x768xf32, #tpu.memory_space<hbm>>) target_semaphore(%arg12 : memref<!tpu.dma_semaphore, #tpu.memory_space<semaphore_mem>>)
    %dma_start3A_382 = arith.constant 960 : i32
    %dma_start3A_383 = tpu.memref_slice %arg5[%dma_start3A_382] : memref<1152xi32, #tpu.memory_space<vmem>> -> memref<48xi32, #tpu.memory_space<vmem>>
    %dma_start3A_384 = arith.constant 0 : i32
    %dma_start3A_385 = arith.constant 0 : i32
    %dma_start3A_386 = tpu.memref_slice %arg2[%dma_start3A_384, %dma_start3A_385] : memref<73728x768xf32, #tpu.memory_space<hbm>> -> memref<73728x768xf32, #tpu.memory_space<hbm>>
    tpu.enqueue_indirect_dma source(%dma_start3A_386 : memref<73728x768xf32, #tpu.memory_space<hbm>>) target(%arg8 : memref<48x768xf32, #tpu.memory_space<vmem>>) offsets(%dma_start3A_383 : memref<48xi32, #tpu.memory_space<vmem>>) semaphore(%arg11 : memref<!tpu.dma_semaphore, #tpu.memory_space<semaphore_mem>>)
    %dma_wait3A_387 = arith.constant 912 : i32
    %dma_wait3A_388 = tpu.memref_slice %arg5[%dma_wait3A_387] : memref<1152xi32, #tpu.memory_space<vmem>> -> memref<48xi32, #tpu.memory_space<vmem>>
    %dma_wait3A_389 = arith.constant 0 : i32
    %dma_wait3A_390 = arith.constant 0 : i32
    %dma_wait3A_391 = tpu.memref_slice %arg2[%dma_wait3A_389, %dma_wait3A_390] : memref<73728x768xf32, #tpu.memory_space<hbm>> -> memref<73728x768xf32, #tpu.memory_space<hbm>>
    tpu.wait_indirect_dma semaphore(%arg10 : memref<!tpu.dma_semaphore, #tpu.memory_space<semaphore_mem>>) src(%dma_wait3A_391 : memref<73728x768xf32, #tpu.memory_space<hbm>>) dst(%arg7 : memref<48x768xf32, #tpu.memory_space<vmem>>)
    %dma_wait3A_392 = arith.constant 0 : i32
    %dma_wait3A_393 = tpu.memref_slice %arg4[%add3A_377, %dma_wait3A_392] : memref<36864x768xf32, #tpu.memory_space<hbm>> -> memref<48x768xf32, #tpu.memory_space<hbm>>
    %dma_wait3A_394 = arith.constant 0 : i32
    %dma_wait3A_395 = tpu.memref_slice %arg4[%add3A_377, %dma_wait3A_394] : memref<36864x768xf32, #tpu.memory_space<hbm>> -> memref<48x768xf32, #tpu.memory_space<hbm>>
    tpu.wait_dma2 semaphore(%arg12 : memref<!tpu.dma_semaphore, #tpu.memory_space<semaphore_mem>>) src(%arg6 : memref<48x768xf32, #tpu.memory_space<vmem>>) dst(%dma_wait3A_395 : memref<48x768xf32, #tpu.memory_space<hbm>>)
    %add3A_396 = arith.constant 912 : i32
    %add3A_397 = arith.addi %mul3A_2, %add3A_396 : i32
    %dma_start3A_398 = arith.constant 0 : i32
    %dma_start3A_399 = tpu.memref_slice %arg4[%add3A_397, %dma_start3A_398] : memref<36864x768xf32, #tpu.memory_space<hbm>> -> memref<48x768xf32, #tpu.memory_space<hbm>>
    %dma_start3A_400 = arith.constant 0 : i32
    %dma_start3A_401 = tpu.memref_slice %arg4[%add3A_397, %dma_start3A_400] : memref<36864x768xf32, #tpu.memory_space<hbm>> -> memref<48x768xf32, #tpu.memory_space<hbm>>
    tpu.enqueue_dma source(%arg7 : memref<48x768xf32, #tpu.memory_space<vmem>>) target(%dma_start3A_401 : memref<48x768xf32, #tpu.memory_space<hbm>>) target_semaphore(%arg13 : memref<!tpu.dma_semaphore, #tpu.memory_space<semaphore_mem>>)
    %dma_start3A_402 = arith.constant 1008 : i32
    %dma_start3A_403 = tpu.memref_slice %arg5[%dma_start3A_402] : memref<1152xi32, #tpu.memory_space<vmem>> -> memref<48xi32, #tpu.memory_space<vmem>>
    %dma_start3A_404 = arith.constant 0 : i32
    %dma_start3A_405 = arith.constant 0 : i32
    %dma_start3A_406 = tpu.memref_slice %arg2[%dma_start3A_404, %dma_start3A_405] : memref<73728x768xf32, #tpu.memory_space<hbm>> -> memref<73728x768xf32, #tpu.memory_space<hbm>>
    tpu.enqueue_indirect_dma source(%dma_start3A_406 : memref<73728x768xf32, #tpu.memory_space<hbm>>) target(%arg6 : memref<48x768xf32, #tpu.memory_space<vmem>>) offsets(%dma_start3A_403 : memref<48xi32, #tpu.memory_space<vmem>>) semaphore(%arg9 : memref<!tpu.dma_semaphore, #tpu.memory_space<semaphore_mem>>)
    %dma_wait3A_407 = arith.constant 960 : i32
    %dma_wait3A_408 = tpu.memref_slice %arg5[%dma_wait3A_407] : memref<1152xi32, #tpu.memory_space<vmem>> -> memref<48xi32, #tpu.memory_space<vmem>>
    %dma_wait3A_409 = arith.constant 0 : i32
    %dma_wait3A_410 = arith.constant 0 : i32
    %dma_wait3A_411 = tpu.memref_slice %arg2[%dma_wait3A_409, %dma_wait3A_410] : memref<73728x768xf32, #tpu.memory_space<hbm>> -> memref<73728x768xf32, #tpu.memory_space<hbm>>
    tpu.wait_indirect_dma semaphore(%arg11 : memref<!tpu.dma_semaphore, #tpu.memory_space<semaphore_mem>>) src(%dma_wait3A_411 : memref<73728x768xf32, #tpu.memory_space<hbm>>) dst(%arg8 : memref<48x768xf32, #tpu.memory_space<vmem>>)
    %dma_wait3A_412 = arith.constant 0 : i32
    %dma_wait3A_413 = tpu.memref_slice %arg4[%add3A_397, %dma_wait3A_412] : memref<36864x768xf32, #tpu.memory_space<hbm>> -> memref<48x768xf32, #tpu.memory_space<hbm>>
    %dma_wait3A_414 = arith.constant 0 : i32
    %dma_wait3A_415 = tpu.memref_slice %arg4[%add3A_397, %dma_wait3A_414] : memref<36864x768xf32, #tpu.memory_space<hbm>> -> memref<48x768xf32, #tpu.memory_space<hbm>>
    tpu.wait_dma2 semaphore(%arg13 : memref<!tpu.dma_semaphore, #tpu.memory_space<semaphore_mem>>) src(%arg7 : memref<48x768xf32, #tpu.memory_space<vmem>>) dst(%dma_wait3A_415 : memref<48x768xf32, #tpu.memory_space<hbm>>)
    %add3A_416 = arith.constant 960 : i32
    %add3A_417 = arith.addi %mul3A_2, %add3A_416 : i32
    %dma_start3A_418 = arith.constant 0 : i32
    %dma_start3A_419 = tpu.memref_slice %arg4[%add3A_417, %dma_start3A_418] : memref<36864x768xf32, #tpu.memory_space<hbm>> -> memref<48x768xf32, #tpu.memory_space<hbm>>
    %dma_start3A_420 = arith.constant 0 : i32
    %dma_start3A_421 = tpu.memref_slice %arg4[%add3A_417, %dma_start3A_420] : memref<36864x768xf32, #tpu.memory_space<hbm>> -> memref<48x768xf32, #tpu.memory_space<hbm>>
    tpu.enqueue_dma source(%arg8 : memref<48x768xf32, #tpu.memory_space<vmem>>) target(%dma_start3A_421 : memref<48x768xf32, #tpu.memory_space<hbm>>) target_semaphore(%arg14 : memref<!tpu.dma_semaphore, #tpu.memory_space<semaphore_mem>>)
    %dma_start3A_422 = arith.constant 1056 : i32
    %dma_start3A_423 = tpu.memref_slice %arg5[%dma_start3A_422] : memref<1152xi32, #tpu.memory_space<vmem>> -> memref<48xi32, #tpu.memory_space<vmem>>
    %dma_start3A_424 = arith.constant 0 : i32
    %dma_start3A_425 = arith.constant 0 : i32
    %dma_start3A_426 = tpu.memref_slice %arg2[%dma_start3A_424, %dma_start3A_425] : memref<73728x768xf32, #tpu.memory_space<hbm>> -> memref<73728x768xf32, #tpu.memory_space<hbm>>
    tpu.enqueue_indirect_dma source(%dma_start3A_426 : memref<73728x768xf32, #tpu.memory_space<hbm>>) target(%arg7 : memref<48x768xf32, #tpu.memory_space<vmem>>) offsets(%dma_start3A_423 : memref<48xi32, #tpu.memory_space<vmem>>) semaphore(%arg10 : memref<!tpu.dma_semaphore, #tpu.memory_space<semaphore_mem>>)
    %dma_wait3A_427 = arith.constant 1008 : i32
    %dma_wait3A_428 = tpu.memref_slice %arg5[%dma_wait3A_427] : memref<1152xi32, #tpu.memory_space<vmem>> -> memref<48xi32, #tpu.memory_space<vmem>>
    %dma_wait3A_429 = arith.constant 0 : i32
    %dma_wait3A_430 = arith.constant 0 : i32
    %dma_wait3A_431 = tpu.memref_slice %arg2[%dma_wait3A_429, %dma_wait3A_430] : memref<73728x768xf32, #tpu.memory_space<hbm>> -> memref<73728x768xf32, #tpu.memory_space<hbm>>
    tpu.wait_indirect_dma semaphore(%arg9 : memref<!tpu.dma_semaphore, #tpu.memory_space<semaphore_mem>>) src(%dma_wait3A_431 : memref<73728x768xf32, #tpu.memory_space<hbm>>) dst(%arg6 : memref<48x768xf32, #tpu.memory_space<vmem>>)
    %dma_wait3A_432 = arith.constant 0 : i32
    %dma_wait3A_433 = tpu.memref_slice %arg4[%add3A_417, %dma_wait3A_432] : memref<36864x768xf32, #tpu.memory_space<hbm>> -> memref<48x768xf32, #tpu.memory_space<hbm>>
    %dma_wait3A_434 = arith.constant 0 : i32
    %dma_wait3A_435 = tpu.memref_slice %arg4[%add3A_417, %dma_wait3A_434] : memref<36864x768xf32, #tpu.memory_space<hbm>> -> memref<48x768xf32, #tpu.memory_space<hbm>>
    tpu.wait_dma2 semaphore(%arg14 : memref<!tpu.dma_semaphore, #tpu.memory_space<semaphore_mem>>) src(%arg8 : memref<48x768xf32, #tpu.memory_space<vmem>>) dst(%dma_wait3A_435 : memref<48x768xf32, #tpu.memory_space<hbm>>)
    %add3A_436 = arith.constant 1008 : i32
    %add3A_437 = arith.addi %mul3A_2, %add3A_436 : i32
    %dma_start3A_438 = arith.constant 0 : i32
    %dma_start3A_439 = tpu.memref_slice %arg4[%add3A_437, %dma_start3A_438] : memref<36864x768xf32, #tpu.memory_space<hbm>> -> memref<48x768xf32, #tpu.memory_space<hbm>>
    %dma_start3A_440 = arith.constant 0 : i32
    %dma_start3A_441 = tpu.memref_slice %arg4[%add3A_437, %dma_start3A_440] : memref<36864x768xf32, #tpu.memory_space<hbm>> -> memref<48x768xf32, #tpu.memory_space<hbm>>
    tpu.enqueue_dma source(%arg6 : memref<48x768xf32, #tpu.memory_space<vmem>>) target(%dma_start3A_441 : memref<48x768xf32, #tpu.memory_space<hbm>>) target_semaphore(%arg12 : memref<!tpu.dma_semaphore, #tpu.memory_space<semaphore_mem>>)
    %dma_start3A_442 = arith.constant 1104 : i32
    %dma_start3A_443 = tpu.memref_slice %arg5[%dma_start3A_442] : memref<1152xi32, #tpu.memory_space<vmem>> -> memref<48xi32, #tpu.memory_space<vmem>>
    %dma_start3A_444 = arith.constant 0 : i32
    %dma_start3A_445 = arith.constant 0 : i32
    %dma_start3A_446 = tpu.memref_slice %arg2[%dma_start3A_444, %dma_start3A_445] : memref<73728x768xf32, #tpu.memory_space<hbm>> -> memref<73728x768xf32, #tpu.memory_space<hbm>>
    tpu.enqueue_indirect_dma source(%dma_start3A_446 : memref<73728x768xf32, #tpu.memory_space<hbm>>) target(%arg8 : memref<48x768xf32, #tpu.memory_space<vmem>>) offsets(%dma_start3A_443 : memref<48xi32, #tpu.memory_space<vmem>>) semaphore(%arg11 : memref<!tpu.dma_semaphore, #tpu.memory_space<semaphore_mem>>)
    %dma_wait3A_447 = arith.constant 1056 : i32
    %dma_wait3A_448 = tpu.memref_slice %arg5[%dma_wait3A_447] : memref<1152xi32, #tpu.memory_space<vmem>> -> memref<48xi32, #tpu.memory_space<vmem>>
    %dma_wait3A_449 = arith.constant 0 : i32
    %dma_wait3A_450 = arith.constant 0 : i32
    %dma_wait3A_451 = tpu.memref_slice %arg2[%dma_wait3A_449, %dma_wait3A_450] : memref<73728x768xf32, #tpu.memory_space<hbm>> -> memref<73728x768xf32, #tpu.memory_space<hbm>>
    tpu.wait_indirect_dma semaphore(%arg10 : memref<!tpu.dma_semaphore, #tpu.memory_space<semaphore_mem>>) src(%dma_wait3A_451 : memref<73728x768xf32, #tpu.memory_space<hbm>>) dst(%arg7 : memref<48x768xf32, #tpu.memory_space<vmem>>)
    %dma_wait3A_452 = arith.constant 0 : i32
    %dma_wait3A_453 = tpu.memref_slice %arg4[%add3A_437, %dma_wait3A_452] : memref<36864x768xf32, #tpu.memory_space<hbm>> -> memref<48x768xf32, #tpu.memory_space<hbm>>
    %dma_wait3A_454 = arith.constant 0 : i32
    %dma_wait3A_455 = tpu.memref_slice %arg4[%add3A_437, %dma_wait3A_454] : memref<36864x768xf32, #tpu.memory_space<hbm>> -> memref<48x768xf32, #tpu.memory_space<hbm>>
    tpu.wait_dma2 semaphore(%arg12 : memref<!tpu.dma_semaphore, #tpu.memory_space<semaphore_mem>>) src(%arg6 : memref<48x768xf32, #tpu.memory_space<vmem>>) dst(%dma_wait3A_455 : memref<48x768xf32, #tpu.memory_space<hbm>>)
    %add3A_456 = arith.constant 1056 : i32
    %add3A_457 = arith.addi %mul3A_2, %add3A_456 : i32
    %dma_start3A_458 = arith.constant 0 : i32
    %dma_start3A_459 = tpu.memref_slice %arg4[%add3A_457, %dma_start3A_458] : memref<36864x768xf32, #tpu.memory_space<hbm>> -> memref<48x768xf32, #tpu.memory_space<hbm>>
    %dma_start3A_460 = arith.constant 0 : i32
    %dma_start3A_461 = tpu.memref_slice %arg4[%add3A_457, %dma_start3A_460] : memref<36864x768xf32, #tpu.memory_space<hbm>> -> memref<48x768xf32, #tpu.memory_space<hbm>>
    tpu.enqueue_dma source(%arg7 : memref<48x768xf32, #tpu.memory_space<vmem>>) target(%dma_start3A_461 : memref<48x768xf32, #tpu.memory_space<hbm>>) target_semaphore(%arg13 : memref<!tpu.dma_semaphore, #tpu.memory_space<semaphore_mem>>)
    %dma_wait3A_462 = arith.constant 1104 : i32
    %dma_wait3A_463 = tpu.memref_slice %arg5[%dma_wait3A_462] : memref<1152xi32, #tpu.memory_space<vmem>> -> memref<48xi32, #tpu.memory_space<vmem>>
    %dma_wait3A_464 = arith.constant 0 : i32
    %dma_wait3A_465 = arith.constant 0 : i32
    %dma_wait3A_466 = tpu.memref_slice %arg2[%dma_wait3A_464, %dma_wait3A_465] : memref<73728x768xf32, #tpu.memory_space<hbm>> -> memref<73728x768xf32, #tpu.memory_space<hbm>>
    tpu.wait_indirect_dma semaphore(%arg11 : memref<!tpu.dma_semaphore, #tpu.memory_space<semaphore_mem>>) src(%dma_wait3A_466 : memref<73728x768xf32, #tpu.memory_space<hbm>>) dst(%arg8 : memref<48x768xf32, #tpu.memory_space<vmem>>)
    %dma_wait3A_467 = arith.constant 0 : i32
    %dma_wait3A_468 = tpu.memref_slice %arg4[%add3A_457, %dma_wait3A_467] : memref<36864x768xf32, #tpu.memory_space<hbm>> -> memref<48x768xf32, #tpu.memory_space<hbm>>
    %dma_wait3A_469 = arith.constant 0 : i32
    %dma_wait3A_470 = tpu.memref_slice %arg4[%add3A_457, %dma_wait3A_469] : memref<36864x768xf32, #tpu.memory_space<hbm>> -> memref<48x768xf32, #tpu.memory_space<hbm>>
    tpu.wait_dma2 semaphore(%arg13 : memref<!tpu.dma_semaphore, #tpu.memory_space<semaphore_mem>>) src(%arg7 : memref<48x768xf32, #tpu.memory_space<vmem>>) dst(%dma_wait3A_470 : memref<48x768xf32, #tpu.memory_space<hbm>>)
    %add3A_471 = arith.constant 1104 : i32
    %add3A_472 = arith.addi %mul3A_2, %add3A_471 : i32
    %dma_start3A_473 = arith.constant 0 : i32
    %dma_start3A_474 = tpu.memref_slice %arg4[%add3A_472, %dma_start3A_473] : memref<36864x768xf32, #tpu.memory_space<hbm>> -> memref<48x768xf32, #tpu.memory_space<hbm>>
    %dma_start3A_475 = arith.constant 0 : i32
    %dma_start3A_476 = tpu.memref_slice %arg4[%add3A_472, %dma_start3A_475] : memref<36864x768xf32, #tpu.memory_space<hbm>> -> memref<48x768xf32, #tpu.memory_space<hbm>>
    tpu.enqueue_dma source(%arg8 : memref<48x768xf32, #tpu.memory_space<vmem>>) target(%dma_start3A_476 : memref<48x768xf32, #tpu.memory_space<hbm>>) target_semaphore(%arg14 : memref<!tpu.dma_semaphore, #tpu.memory_space<semaphore_mem>>)
    %dma_wait3A_477 = arith.constant 0 : i32
    %dma_wait3A_478 = tpu.memref_slice %arg4[%add3A_472, %dma_wait3A_477] : memref<36864x768xf32, #tpu.memory_space<hbm>> -> memref<48x768xf32, #tpu.memory_space<hbm>>
    %dma_wait3A_479 = arith.constant 0 : i32
    %dma_wait3A_480 = tpu.memref_slice %arg4[%add3A_472, %dma_wait3A_479] : memref<36864x768xf32, #tpu.memory_space<hbm>> -> memref<48x768xf32, #tpu.memory_space<hbm>>
    tpu.wait_dma2 semaphore(%arg14 : memref<!tpu.dma_semaphore, #tpu.memory_space<semaphore_mem>>) src(%arg8 : memref<48x768xf32, #tpu.memory_space<vmem>>) dst(%dma_wait3A_480 : memref<48x768xf32, #tpu.memory_space<hbm>>)
    return
  }
}

</mosaic_0001>

<sc_bundles>
// kernel: kernel.3.cloned.1.call-start
scs
__scs_entry_jumppad:
0x0: {  	(pc) =	sbr.rel $0x88, $3  }
0x1: {  	(tag) =	ssettag $0x0;
	lr =	simm.s32 $0x1  }
0x2: {  	[smem:$0x3FA0] =	sst lr;
	_ =	strace $0xD0000000  }
0x3: {  	_ = 	snop  }
0x4: {  	_ = 	snop  }
0x5: {  	_ = 	snop  }
0x6: {  	_ = 	snop  }
0x7: {  	_ = 	snop  }
__scs_overlays_trampoline_lowered:
0x8: {  	[smem:$0x3FAF] =	sst s0  }
0x9: {  	[smem:$0x3FB0] =	sst s1  }
0xa: {  	[smem:$0x3FB1] =	sst s2  }
0xb: {  	[smem:$0x3FB2] =	sst s3  }
0xc: {  	[smem:$0x3FB3] =	sst s4  }
0xd: {  	[smem:$0x3FB4] =	sst s5  }
0xe: {  	[smem:$0x3FB5] =	sst s6  }
0xf: {  	[smem:$0x3FB6] =	sst s7  }
0x10: {  	[smem:$0x3FB7] =	sst s8  }
0x11: {  	[smem:$0x3FB8] =	sst s9;
	s0 =	simm.s32 @!p0 $0x0  }
0x12: {  	s1 =	sld [smem:$0x3F9E];
	s0 =	simm.s32 @p0 $0x1  }
0x13: {  	[smem:$0x3FB9] =	sst s0;
	s0 =	simm.s32 @!p1 $0x0  }
0x14: {  	s2 =	sld [smem:$0x3F9D];
	s0 =	simm.s32 @p1 $0x1  }
0x15: {  	[smem:$0x3FBA] =	sst s0;
	s0 =	simm.s32 @!p2 $0x0  }
0x16: {  	s3 =	sld [smem:$0x3FDB];
	s0 =	simm.s32 @p2 $0x1  }
0x17: {  	s4 =	simm.s32 $0x1BF5;
	[smem:$0x3FBC] =	sst s0  }
0x18: {  	s0 =	sld [smem:$0x3F9F];
	_ =	swait.ge [sflag:s4], $0x0  }
0x19: {  	s7 =	sld [smem:$0x3FA0]  }
0x1a: {  	s8 =	sadd.s32 $0xFFFFE003, lr  }
0x1b: {  	s9 =	sadd.s32 $0xFFFFFEF7, lr;
	s5 =	simm.s32 $0xFFFFFFFF;
	p2 =	slt.u32 s8, $0xFFFFF086  }
0x1c: {  	p1 =	slt.u32 s9, $0xF7A;
	s5 =	simm.s32 @!p2 $0x0  }
0x1d: {  	s5 =	simm.s32 @p1 $0x1;
	p0 =	seq.s32 s7, s2  }
0x1e: {  	s7 =	smul.u32 @!p0 $0xF7A, s2;
	p2 =	seq.s32 @!p0 s5, $0x0  }
0x1f: {  	s9 =	smul.u32 $0xF7A, s1;
	s8 =	simm.s32 @!p0 $0x1BF5;
	p2 =	por !p2, p0  }
0x20: {  	[sflag:s8] =	ssyncset.s32 @!p0 $0xFFFFF086;
	s6 =	sadd.s32 @!p0 s3, s7;
	s7 =	simm.s32 @!p0 $0x108  }
0x21: {  	s3 =	sadd.s32 s3, s9;
	s6 =	sadd.s32 @!p0 $0x88, s6;
	s7 =	simm.s32 @p2 $0x1082  }
0x22: {  	[simem:s7], [sflag:s8] =	dma.local @!p0 [hbm:s6], $0xF7A  }
0x23: {  	s9 =	sor.u32 $0xD0000000, s2;
	s6 =	simm.s32 $0x108;
	_ =	swait.ge @!p0 [sflag:s8], $0x0  }
0x24: {  	s3 =	sadd.s32 $0x88, s3;
	s6 =	simm.s32 @!p1 $0x1082;
	[sflag:s4] =	ssyncset.s32 $0xFFFFF086  }
0x25: {  	[simem:s6], [sflag:s4] =	dma.local [hbm:s3], $0xF7A  }
0x26: {  	[smem:$0x3FA0] =	sst s1;
	(tag) =	ssettag s2;
	_ =	strace s9  }
0x27: {  	s1 =	sld [smem:$0x3FB0]  }
0x28: {  	s2 =	sld [smem:$0x3FB1]  }
0x29: {  	s4 =	sld [smem:$0x3FB3]  }
0x2a: {  	p0 =	seq.s32 s5, $0x0;
	s5 =	sld [smem:$0x3FB4]  }
0x2b: {  	s6 =	sld [smem:$0x3FB5]  }
0x2c: {  	s7 =	sld [smem:$0x3FB6]  }
0x2d: {  	s3 =	simm.s32 $0x108;
	s8 =	sld [smem:$0x3FB7]  }
0x2e: {  	s3 =	simm.s32 @!p0 $0x1082;
	s9 =	sld [smem:$0x3FB8]  }
0x2f: {  	lr =	sadd.s32 s0, s3;
	s0 =	sld [smem:$0x3FAF]  }
0x30: {  	s3 =	sld [smem:$0x3FB2]  }
0x31: {  	[smem:$0x3FBB] =	sst s10  }
0x32: {  	s10 =	sld [smem:$0x3FB9];
	_ =	sdelay $0x3  }
0x33: {  	p0 =	seq.s32 s10, $0x1;
	s10 =	sld [smem:$0x3FBB];
	_ =	sdelay $0x3  }
0x34: {  	[smem:$0x3FBB] =	sst s10  }
0x35: {  	s10 =	sld [smem:$0x3FBA];
	_ =	sdelay $0x3  }
0x36: {  	p1 =	seq.s32 s10, $0x1;
	s10 =	sld [smem:$0x3FBB];
	_ =	sdelay $0x3  }
0x37: {  	[smem:$0x3FBB] =	sst s10  }
0x38: {  	s10 =	sld [smem:$0x3FBC]  }
0x39: {  	_ = 	snop;
	(pc) =	sbr.ind lr, $3  }
0x3a: {  	_ = 	snop  }
0x3b: {  	_ = 	snop  }
0x3c: {  	p2 =	seq.s32 s10, $0x1;
	s10 =	sld [smem:$0x3FBB]  }
0x3d: {  	_ =	shalt  }
0x3e: {  	_ =	shalt  }
0x3f: {  	_ =	shalt  }
0x40: {  	_ =	shalt  }
0x41: {  	_ =	shalt  }
0x42: {  	_ =	shalt  }
0x43: {  	_ =	shalt  }
0x44: {  	_ =	shalt  }
0x45: {  	_ =	shalt  }
0x46: {  	_ =	shalt  }
0x47: {  	_ =	shalt  }
0x48: {  	_ =	shalt  }
0x49: {  	_ =	shalt  }
0x4a: {  	_ =	shalt  }
0x4b: {  	_ =	shalt  }
0x4c: {  	_ =	shalt  }
0x4d: {  	_ =	shalt  }
0x4e: {  	_ =	shalt  }
0x4f: {  	_ =	shalt  }
0x50: {  	_ =	shalt  }
0x51: {  	_ =	shalt  }
0x52: {  	_ =	shalt  }
0x53: {  	_ =	shalt  }
0x54: {  	_ =	shalt  }
0x55: {  	_ =	shalt  }
0x56: {  	_ =	shalt  }
0x57: {  	_ =	shalt  }
0x58: {  	_ =	shalt  }
0x59: {  	_ =	shalt  }
0x5a: {  	_ =	shalt  }
0x5b: {  	_ =	shalt  }
0x5c: {  	_ =	shalt  }
0x5d: {  	_ =	shalt  }
0x5e: {  	_ =	shalt  }
0x5f: {  	_ =	shalt  }
0x60: {  	_ =	shalt  }
0x61: {  	_ =	shalt  }
0x62: {  	_ =	shalt  }
0x63: {  	_ =	shalt  }
0x64: {  	_ =	shalt  }
0x65: {  	_ =	shalt  }
0x66: {  	_ =	shalt  }
0x67: {  	_ =	shalt  }
0x68: {  	_ =	shalt  }
0x69: {  	_ =	shalt  }
0x6a: {  	_ =	shalt  }
0x6b: {  	_ =	shalt  }
0x6c: {  	_ =	shalt  }
0x6d: {  	_ =	shalt  }
0x6e: {  	_ =	shalt  }
0x6f: {  	_ =	shalt  }
0x70: {  	_ =	shalt  }
0x71: {  	_ =	shalt  }
0x72: {  	_ =	shalt  }
0x73: {  	_ =	shalt  }
0x74: {  	_ =	shalt  }
0x75: {  	_ =	shalt  }
0x76: {  	_ =	shalt  }
0x77: {  	_ =	shalt  }
0x78: {  	_ =	shalt  }
0x79: {  	_ =	shalt  }
0x7a: {  	_ =	shalt  }
0x7b: {  	_ =	shalt  }
0x7c: {  	_ =	shalt  }
0x7d: {  	_ =	shalt  }
0x7e: {  	_ =	shalt  }
0x7f: {  	_ =	shalt  }
0x80: {  	_ =	shalt  }
0x81: {  	_ =	shalt  }
0x82: {  	_ =	shalt  }
0x83: {  	_ =	shalt  }
0x84: {  	_ =	shalt  }
0x85: {  	_ =	shalt  }
0x86: {  	_ =	shalt  }
0x87: {  	_ =	shalt  }
.Lfunc_end0:
.L_simem_size_0:
called_computation_lowered:
.L_overlay_start_0:
0x88: {  	s2 =	sld [smem:$0x3FD9]  }
0x89: {  	s3 =	sld [smem:$0x3FFE];
	_ =	sdelay $0x1  }
0x8a: {  	s1 =	srdreg.scid  }
0x8b: {  	s0 =	sand.u32 $0x1, s1  }
0x8c: {  	s17 =	sshll.u32 s0, $0xA;
	s2 =	sadd.s32 s3, s2  }
0x8d: {  	s2 =	sadd.s32 s2, s17  }
0x8e: {  	[smem:$0x3FC7] =	sst s2  }
0x8f: {  	_ = 	snop  }
0x90: {  	s2 =	sld [smem:$0x3FC9]  }
0x91: {  	s18 =	sld [smem:$0x3FD0];
	(tm) =	ssettm $0x1  }
0x92: {  	s4 =	sld [smem:$0x3FFB];
	_ =	sdelay $0x3  }
0x93: {  	_ =	strace s4  }
0x94: {  	s4 =	sld [smem:$0x3FFC];
	_ =	sdelay $0x3  }
0x95: {  	_ =	strace s4  }
0x96: {  	s4 =	sld [smem:$0x3FFD];
	_ =	sdelay $0x3  }
0x97: {  	_ =	strace s4  }
0x98: {  	_ =	strace $0x8FFFFFFF  }
0x99: {  	s19 =	sld [smem:$0x3FDB];
	_ =	sdelay $0x1  }
0x9a: {  	s5 =	simm.s32 $_scs_section_size  }
0x9b: {  	s6 =	simm.s32 $_size__tile_overlayer_lowered;
	s7 =	simm.s32 $_tile_overlayer_lowered  }
0x9c: {  	s22 =	simm.s32 $0x1BFF;
	s21 =	sshll.u32 s7, $0x1;
	s4 =	sadd.s32 s5, s19  }
0x9d: {  	s8 =	simm.s32 $0x0;
	s20 =	sshll.u32 s6, $0x1;
	s6 =	sadd.s32 s21, s4  }
0x9e: {  	[timem:s8], [sflag:s22] =	dma.local [hbm:s6], s20  }
0x9f: {  	_ =	swait.ge [sflag:s22], s20  }
0xa0: {  	s5 =	ssub.s32 $0x0, s20;
	[sflag:s22] =	ssyncset.done $0x0  }
0xa1: {  	[sflag:s22] =	ssyncadd.s32 s5;
	_ =	sdelay $0x1  }
0xa2: {  	s23 =	simm.s32 $0x1B8B  }
0xa3: {  	_ =	swait.ge [sflag:s23], $0x1  }
0xa4: {  	[sflag:s23] =	ssyncset.done $0x0  }
0xa5: {  	s25 =	simm.s32 $0x1B8E;
	s24 =	sld [smem:$0x3FFE];
	[sflag:s23] =	ssyncadd.s32 $0xFFFFFFFF  }
0xa6: {  	s26 =	simm.s32 $execute0_lowered;
	[smem:$0x3FD2] =	sst s25  }
0xa7: {  	s6 =	sshll.u32 s26, $0x1;
	_ =	strace $0x80000046;
	[dreg:$0x1] =	wrdreg $0xFFFFFFFF  }
0xa8: {  	s28 =	simm.s32 $_size_execute0_lowered;
	s4 =	sadd.s32 s4, s6;
	[dreg:$0x0] =	wrdreg $0x0  }
0xa9: {  	s6 =	sshll.u32 s28, $0x1;
	[dreg:$0x2] =	wrdreg s4  }
0xaa: {  	[dreg:$0x3] =	wrdreg s6  }
0xab: {  	[dreg:$0x4] =	wrdreg $0xC0  }
0xac: {  	_ =	task [dreg:s8], $0x5FFFF  }
0xad: {  	[dreg:$0x1] =	wrdreg $0xFFFFFFFF  }
0xae: {  	[dreg:$0x0] =	wrdreg $0x60  }
0xaf: {  	[dreg:$0x2] =	wrdreg s2  }
0xb0: {  	[dreg:$0x3] =	wrdreg s24  }
0xb1: {  	[dreg:$0x4] =	wrdreg s18  }
0xb2: {  	[dreg:$0x5] =	wrdreg $0x9  }
0xb3: {  	_ =	task.clear_ibuf [dreg:s8], $0x6FFFF;
	_ =	strace $0x90000046  }
0xb4: {  	s29 =	simm.s32 $0x9;
	_ =	strace $0x80000048  }
0xb5: {  	_ =	swait.ge [sflag:s29], $0x1  }
0xb6: {  	[sflag:s29] =	ssyncadd.s32 $0xFFFFFFFF  }
0xb7: {  	_ =	strace $0x90000048  }
0xb8: {  	_ =	sfence  }
0xb9: {  	s30 =	sld [smem:$0x0];
	_ =	sdelay $0x2  }
0xba: {  	s31 =	sshll.u32 s1, $0xD;
	s1 =	sshrl.u32 s1, $0x2  }
0xbb: {  	s3 =	sand.u32 $0x4000, s31;
	s1 =	sadd.s32 s1, s30  }
0xbc: {  	s0 =	sor.u32 s3, s0;
	s1 =	sshll.u32 s1, $0x11  }
0xbd: {  	s0 =	sor.u32 s1, s0  }
0xbe: {  	s0 =	sadd.s32 $0x8F2B, s0  }
0xbf: {  	[sflag:s0] =	ssyncadd.remote.s32 $0x1  }
0xc0: {  	_ =	sfence.sel $0xFFFF  }
0xc1: {  	[dreg:$0x0] =	wrdreg $0xFFFFFFFF;
	(pc) =	sbr.abs _section_cstart, $3  }
0xc2: {  	[dreg:$0x1] =	wrdreg $0xFFFFFFFF  }
0xc3: {  	_ =	task.clear_ibuf [dreg:s8], $0x2FFFF;
	_ =	strace $0x9FFFFFFF  }
0xc4: {  	(tm) =	ssettm $0x7FFFFFFF  }
0xc5: {  	_ =	shalt  }
tec
execute0_lowered:
.L_overlay_start_1:
0x0: {  	(tag) =	ssettag $0x1  }
0x1: {  	s0 =	srdreg.scid;
	s1 =	stileid.u32  }
0x2: {  	s0 =	sand.u32 $0x1, s0;
	s1 =	sshll.u32 s1, $0x1  }
0x3: {  	s1 =	sor.u32 s0, s1  }
0x4: {  	s1 =	smul.u32 $0x480, s1  }
0x5: {  	s2 =	rddreg [dreg:$0x0]  }
0x6: {  	s4 =	rddreg [dreg:$0x1];
	s1 =	sshrl.u32 s1, $0x3  }
0x7: {  	s5 =	rddreg [dreg:$0x2];
	s6 =	smul.u32 $0x1800, s1  }
0x8: {  	s3 =	simm.s32 $0x0;
	s4 =	sadd.s32 s1, s4;
	s1 =	smul.u32 $0x300, s1  }
0x9: {  	[smem:$0x7FF] =	sst s3;
	s4 =	sadd.s32 $0x400, s4  }
0xa: {  	_ =	strace $0x80000047;
	[dreg:$0x4] =	wrdreg s4;
	s7 =	sadd.s32 s5, s1  }
0xb: {  	s9 =	sadd.s32 $0x3600, s7;
	[dreg:$0x1c] =	wrdreg s7  }
0xc: {  	s10 =	sadd.s32 $0x4800, s7;
	[dreg:$0x7] =	wrdreg s9  }
0xd: {  	s11 =	sadd.s32 $0x5A00, s7;
	[dreg:$0x8] =	wrdreg s10  }
0xe: {  	s12 =	sadd.s32 $0x6C00, s7;
	[dreg:$0x9] =	wrdreg s11  }
0xf: {  	s13 =	sadd.s32 $0x7E00, s7;
	[dreg:$0xa] =	wrdreg s12  }
0x10: {  	s14 =	sadd.s32 $0x9000, s7;
	[dreg:$0xb] =	wrdreg s13  }
0x11: {  	s15 =	sadd.s32 $0xA200, s7;
	[dreg:$0xc] =	wrdreg s14  }
0x12: {  	s16 =	sadd.s32 $0xB400, s7;
	[dreg:$0xd] =	wrdreg s15  }
0x13: {  	s17 =	sadd.s32 $0xC600, s7;
	[dreg:$0xe] =	wrdreg s16  }
0x14: {  	s18 =	sadd.s32 $0xD800, s7;
	[dreg:$0xf] =	wrdreg s17  }
0x15: {  	s19 =	sadd.s32 $0xEA00, s7;
	[dreg:$0x10] =	wrdreg s18  }
0x16: {  	s0 =	ssub.s32 $0x2, s0;
	s20 =	sadd.s32 $0xFC00, s7;
	[dreg:$0x11] =	wrdreg s19  }
0x17: {  	s26 =	sshrl.u32 s0, $0x1;
	s21 =	sadd.s32 $0x10E00, s7;
	[dreg:$0x12] =	wrdreg s20  }
0x18: {  	s0 =	ssub.s32 s0, s26;
	s22 =	sadd.s32 $0x12000, s7;
	[dreg:$0x13] =	wrdreg s21  }
0x19: {  	s0 =	smax.u32 s0, $0x1;
	s23 =	sadd.s32 $0x13200, s7;
	[dreg:$0x14] =	wrdreg s22  }
0x1a: {  	s6 =	sshrl.u32 s6, $0x3;
	s24 =	sadd.s32 $0x14400, s7;
	[dreg:$0x15] =	wrdreg s23  }
0x1b: {  	s6 =	sadd.s32 s5, s6;
	s25 =	sadd.s32 $0x15600, s7;
	[dreg:$0x16] =	wrdreg s24  }
0x1c: {  	s28 =	sadd.s32 $0x16800, s7;
	s29 =	sadd.s32 $0x17A00, s7;
	[dreg:$0x17] =	wrdreg s25  }
0x1d: {  	s5 =	sadd.s32 $0x100, s2;
	s30 =	sadd.s32 $0x18C00, s7;
	[dreg:$0x18] =	wrdreg s28  }
0x1e: {  	s31 =	sadd.s32 $0x1200, s6;
	s8 =	sadd.s32 $0x2400, s6;
	[dreg:$0x19] =	wrdreg s29  }
0x1f: {  	s6 =	sadd.s32 $0x200, s2;
	[dreg:$0x1a] =	wrdreg s30;
	s20 =	simm.s32 $0x1  }
0x20: {  	v2 =	vlaneseq.u32;
	s15 =	simm.s32 $0x2;
	s16 =	simm.s32 $0x4;
	[dreg:$0x5] =	wrdreg s31  }
0x21: {  	vm0 =	vmmov $0xffff;
	v1 =	vshrl.u32 v2, $0x3;
	s17 =	simm.s32 $0x3;
	[dreg:$0x6] =	wrdreg s8;
	s31 =	sadd.s32 $0x19E00, s7  }
0x22: {  	v0 =	vand.u32 $0x7, v2;
	v2 =	vor.u32 $0x8, v2;
	v1 =	vmul.u32 $0x8, v1;
	s18 =	simm.s32 $0x5;
	s19 =	simm.s32 $0x6;
	[dreg:$0x1b] =	wrdreg s31  }
.LBB2_1:
0x23: {  	[dreg:$0x1d] =	wrdreg s0  }
0x24: {  	s22 =	rddreg [dreg:$0x4];
	s8 =	simm.s32 $0x7  }
0x25: {  	[tilespmem:s3], [sflag:$0x7] =	stream.linear.gather [hbm4b:s22+s3], $0x480, $0x38;
	[tilespmem:$0x1B480] =	vst v63  }
0x26: {  	_ =	swait.ge [sflag:s8], $0x480  }
0x27: {  	[sflag:s8] =	ssyncset.done $0x0  }
0x28: {  	[sflag:s8] =	ssyncadd.s32 $0xFFFFFB80  }
0x29: {  	v3 =	vld [tilespmem:$0x0];
	_ =	sdelay $0x4  }
0x2a: {  	v4 =	vshrl.u32 v3, $0x3  }
0x2b: {  	v4 =	vmul.u32 $0x30, v4  }
0x2c: {  	v3 =	vand.u32 $0x7, v3  }
0x2d: {  	v3 =	vor.u32 v3, v4  }
0x2e: {  	v4 =	vperm.xlane v3, v0;
	_ =	sdelay $0x1  }
0x2f: {  	v4 =	vadd.s32 v1, v4;
	_ =	sdelay $0x3  }
0x30: {  	s9 =	simm.s32 $0x480;
	v3 =	vperm.xlane v3, v2  }
0x31: {  	[tilespmem:s9], [sflag:$0x1] =	stream.indirect_vreg.gather [hbm4b:s2+s3], $0x80, v4, vm0, $0xb8;
	[tilespmem:$0x1B480] =	vst v63  }
0x32: {  	s10 =	simm.s32 $0xC80;
	v3 =	vadd.s32 v1, v3  }
0x33: {  	[tilespmem:s10], [sflag:$0x1] =	stream.indirect_vreg.gather [hbm4b:s5+s3], $0x80, v4, vm0, $0xb8;
	[tilespmem:$0x1B480] =	vst v63  }
0x34: {  	s11 =	simm.s32 $0x1480  }
0x35: {  	[tilespmem:s11], [sflag:$0x1] =	stream.indirect_vreg.gather [hbm4b:s6+s3], $0x80, v4, vm0, $0xb8;
	[tilespmem:$0x1B480] =	vst v63  }
0x36: {  	s12 =	simm.s32 $0x1C80  }
0x37: {  	[tilespmem:s12], [sflag:$0x1] =	stream.indirect_vreg.gather [hbm4b:s2+s3], $0x80, v3, vm0, $0xb8;
	[tilespmem:$0x1B480] =	vst v63  }
0x38: {  	s13 =	simm.s32 $0x2480  }
0x39: {  	[tilespmem:s13], [sflag:$0x1] =	stream.indirect_vreg.gather [hbm4b:s5+s3], $0x80, v3, vm0, $0xb8;
	[tilespmem:$0x1B480] =	vst v63  }
0x3a: {  	s14 =	simm.s32 $0x2C80  }
0x3b: {  	[tilespmem:s14], [sflag:$0x1] =	stream.indirect_vreg.gather [hbm4b:s6+s3], $0x80, v3, vm0, $0xb8;
	[tilespmem:$0x1B480] =	vst v63  }
0x3c: {  	v3 =	vld [tilespmem:$0x10];
	_ =	sdelay $0x4  }
0x3d: {  	v49 =	vshrl.u32 v3, $0x3  }
0x3e: {  	v4 =	vmul.u32 $0x30, v49  }
0x3f: {  	v3 =	vand.u32 $0x7, v3  }
0x40: {  	v3 =	vor.u32 v3, v4  }
0x41: {  	v4 =	vperm.xlane v3, v0;
	_ =	sdelay $0x1  }
0x42: {  	v4 =	vadd.s32 v1, v4;
	_ =	sdelay $0x3  }
0x43: {  	s21 =	simm.s32 $0x3480;
	v3 =	vperm.xlane v3, v2  }
0x44: {  	[tilespmem:s21], [sflag:$0x1] =	stream.indirect_vreg.gather [hbm4b:s2+s3], $0x80, v4, vm0, $0xb8;
	[tilespmem:$0x1B480] =	vst v63  }
0x45: {  	s22 =	simm.s32 $0x3C80;
	v3 =	vadd.s32 v1, v3  }
0x46: {  	[tilespmem:s22], [sflag:$0x1] =	stream.indirect_vreg.gather [hbm4b:s5+s3], $0x80, v4, vm0, $0xb8;
	[tilespmem:$0x1B480] =	vst v63  }
0x47: {  	s23 =	simm.s32 $0x4480  }
0x48: {  	[tilespmem:s23], [sflag:$0x1] =	stream.indirect_vreg.gather [hbm4b:s6+s3], $0x80, v4, vm0, $0xb8;
	[tilespmem:$0x1B480] =	vst v63  }
0x49: {  	s28 =	simm.s32 $0x4C80  }
0x4a: {  	[tilespmem:s28], [sflag:$0x1] =	stream.indirect_vreg.gather [hbm4b:s2+s3], $0x80, v3, vm0, $0xb8;
	[tilespmem:$0x1B480] =	vst v63  }
0x4b: {  	s29 =	simm.s32 $0x5480  }
0x4c: {  	[tilespmem:s29], [sflag:$0x1] =	stream.indirect_vreg.gather [hbm4b:s5+s3], $0x80, v3, vm0, $0xb8;
	[tilespmem:$0x1B480] =	vst v63  }
0x4d: {  	s30 =	simm.s32 $0x5C80  }
0x4e: {  	[tilespmem:s30], [sflag:$0x1] =	stream.indirect_vreg.gather [hbm4b:s6+s3], $0x80, v3, vm0, $0xb8;
	[tilespmem:$0x1B480] =	vst v63  }
0x4f: {  	v3 =	vld [tilespmem:$0x20];
	_ =	sdelay $0x4  }
0x50: {  	v50 =	vshrl.u32 v3, $0x3  }
0x51: {  	v4 =	vmul.u32 $0x30, v50  }
0x52: {  	v3 =	vand.u32 $0x7, v3  }
0x53: {  	v3 =	vor.u32 v3, v4  }
0x54: {  	v4 =	vperm.xlane v3, v0;
	_ =	sdelay $0x1  }
0x55: {  	v4 =	vadd.s32 v1, v4;
	_ =	sdelay $0x3  }
0x56: {  	s31 =	simm.s32 $0x6480;
	v3 =	vperm.xlane v3, v2  }
0x57: {  	[tilespmem:s31], [sflag:$0x1] =	stream.indirect_vreg.gather [hbm4b:s2+s3], $0x80, v4, vm0, $0xb8;
	[tilespmem:$0x1B480] =	vst v63  }
0x58: {  	s4 =	simm.s32 $0x6C80;
	v3 =	vadd.s32 v1, v3  }
0x59: {  	[tilespmem:s4], [sflag:$0x1] =	stream.indirect_vreg.gather [hbm4b:s5+s3], $0x80, v4, vm0, $0xb8;
	[tilespmem:$0x1B480] =	vst v63  }
0x5a: {  	s8 =	simm.s32 $0x7480  }
0x5b: {  	[tilespmem:s8], [sflag:$0x1] =	stream.indirect_vreg.gather [hbm4b:s6+s3], $0x80, v4, vm0, $0xb8;
	[tilespmem:$0x1B480] =	vst v63  }
0x5c: {  	s9 =	simm.s32 $0x7C80  }
0x5d: {  	[tilespmem:s9], [sflag:$0x1] =	stream.indirect_vreg.gather [hbm4b:s2+s3], $0x80, v3, vm0, $0xb8;
	[tilespmem:$0x1B480] =	vst v63  }
0x5e: {  	s12 =	simm.s32 $0x8480  }
0x5f: {  	[tilespmem:s12], [sflag:$0x1] =	stream.indirect_vreg.gather [hbm4b:s5+s3], $0x80, v3, vm0, $0xb8;
	[tilespmem:$0x1B480] =	vst v63  }
0x60: {  	s13 =	simm.s32 $0x8C80  }
0x61: {  	[tilespmem:s13], [sflag:$0x1] =	stream.indirect_vreg.gather [hbm4b:s6+s3], $0x80, v3, vm0, $0xb8;
	[tilespmem:$0x1B480] =	vst v63  }
0x62: {  	v3 =	vld [tilespmem:$0x30];
	_ =	sdelay $0x4  }
0x63: {  	v51 =	vshrl.u32 v3, $0x3  }
0x64: {  	v4 =	vmul.u32 $0x30, v51  }
0x65: {  	v3 =	vand.u32 $0x7, v3  }
0x66: {  	v3 =	vor.u32 v3, v4  }
0x67: {  	v4 =	vperm.xlane v3, v0;
	_ =	sdelay $0x1  }
0x68: {  	v4 =	vadd.s32 v1, v4;
	_ =	sdelay $0x3  }
0x69: {  	s21 =	simm.s32 $0x9480;
	v3 =	vperm.xlane v3, v2  }
0x6a: {  	[tilespmem:s21], [sflag:$0x2] =	stream.indirect_vreg.gather [hbm4b:s2+s3], $0x80, v4, vm0, $0xb8;
	[tilespmem:$0x1B480] =	vst v63  }
0x6b: {  	s22 =	simm.s32 $0x9C80;
	v3 =	vadd.s32 v1, v3  }
0x6c: {  	[tilespmem:s22], [sflag:$0x2] =	stream.indirect_vreg.gather [hbm4b:s5+s3], $0x80, v4, vm0, $0xb8;
	[tilespmem:$0x1B480] =	vst v63  }
0x6d: {  	s28 =	simm.s32 $0xA480  }
0x6e: {  	[tilespmem:s28], [sflag:$0x2] =	stream.indirect_vreg.gather [hbm4b:s6+s3], $0x80, v4, vm0, $0xb8;
	[tilespmem:$0x1B480] =	vst v63  }
0x6f: {  	s31 =	simm.s32 $0xAC80  }
0x70: {  	[tilespmem:s31], [sflag:$0x2] =	stream.indirect_vreg.gather [hbm4b:s2+s3], $0x80, v3, vm0, $0xb8;
	[tilespmem:$0x1B480] =	vst v63  }
0x71: {  	s4 =	simm.s32 $0xB480  }
0x72: {  	[tilespmem:s4], [sflag:$0x2] =	stream.indirect_vreg.gather [hbm4b:s5+s3], $0x80, v3, vm0, $0xb8;
	[tilespmem:$0x1B480] =	vst v63  }
0x73: {  	s8 =	simm.s32 $0xBC80  }
0x74: {  	[tilespmem:s8], [sflag:$0x2] =	stream.indirect_vreg.gather [hbm4b:s6+s3], $0x80, v3, vm0, $0xb8;
	[tilespmem:$0x1B480] =	vst v63  }
0x75: {  	v3 =	vld [tilespmem:$0x40];
	_ =	sdelay $0x4  }
0x76: {  	v52 =	vshrl.u32 v3, $0x3  }
0x77: {  	v4 =	vmul.u32 $0x30, v52  }
0x78: {  	v3 =	vand.u32 $0x7, v3  }
0x79: {  	v3 =	vor.u32 v3, v4  }
0x7a: {  	v4 =	vperm.xlane v3, v0;
	_ =	sdelay $0x1  }
0x7b: {  	v4 =	vadd.s32 v1, v4;
	_ =	sdelay $0x3  }
0x7c: {  	s9 =	simm.s32 $0xC480;
	v3 =	vperm.xlane v3, v2  }
0x7d: {  	[tilespmem:s9], [sflag:$0x2] =	stream.indirect_vreg.gather [hbm4b:s2+s3], $0x80, v4, vm0, $0xb8;
	[tilespmem:$0x1B480] =	vst v63  }
0x7e: {  	s12 =	simm.s32 $0xCC80;
	v3 =	vadd.s32 v1, v3  }
0x7f: {  	[tilespmem:s12], [sflag:$0x2] =	stream.indirect_vreg.gather [hbm4b:s5+s3], $0x80, v4, vm0, $0xb8;
	[tilespmem:$0x1B480] =	vst v63  }
0x80: {  	s13 =	simm.s32 $0xD480  }
0x81: {  	[tilespmem:s13], [sflag:$0x2] =	stream.indirect_vreg.gather [hbm4b:s6+s3], $0x80, v4, vm0, $0xb8;
	[tilespmem:$0x1B480] =	vst v63  }
0x82: {  	s21 =	simm.s32 $0xDC80  }
0x83: {  	[tilespmem:s21], [sflag:$0x2] =	stream.indirect_vreg.gather [hbm4b:s2+s3], $0x80, v3, vm0, $0xb8;
	[tilespmem:$0x1B480] =	vst v63  }
0x84: {  	s22 =	simm.s32 $0xE480  }
0x85: {  	[tilespmem:s22], [sflag:$0x2] =	stream.indirect_vreg.gather [hbm4b:s5+s3], $0x80, v3, vm0, $0xb8;
	[tilespmem:$0x1B480] =	vst v63  }
0x86: {  	s28 =	simm.s32 $0xEC80  }
0x87: {  	[tilespmem:s28], [sflag:$0x2] =	stream.indirect_vreg.gather [hbm4b:s6+s3], $0x80, v3, vm0, $0xb8;
	[tilespmem:$0x1B480] =	vst v63  }
0x88: {  	v3 =	vld [tilespmem:$0x50];
	_ =	sdelay $0x4  }
0x89: {  	v53 =	vshrl.u32 v3, $0x3  }
0x8a: {  	v4 =	vmul.u32 $0x30, v53  }
0x8b: {  	v3 =	vand.u32 $0x7, v3  }
0x8c: {  	v3 =	vor.u32 v3, v4  }
0x8d: {  	v4 =	vperm.xlane v3, v0;
	_ =	sdelay $0x1  }
0x8e: {  	v4 =	vadd.s32 v1, v4;
	_ =	sdelay $0x3  }
0x8f: {  	s31 =	simm.s32 $0xF480;
	v3 =	vperm.xlane v3, v2  }
0x90: {  	[tilespmem:s31], [sflag:$0x2] =	stream.indirect_vreg.gather [hbm4b:s2+s3], $0x80, v4, vm0, $0xb8;
	[tilespmem:$0x1B480] =	vst v63  }
0x91: {  	s4 =	simm.s32 $0xFC80;
	v3 =	vadd.s32 v1, v3  }
0x92: {  	[tilespmem:s4], [sflag:$0x2] =	stream.indirect_vreg.gather [hbm4b:s5+s3], $0x80, v4, vm0, $0xb8;
	[tilespmem:$0x1B480] =	vst v63  }
0x93: {  	s21 =	simm.s32 $0x10480  }
0x94: {  	[tilespmem:s21], [sflag:$0x2] =	stream.indirect_vreg.gather [hbm4b:s6+s3], $0x80, v4, vm0, $0xb8;
	[tilespmem:$0x1B480] =	vst v63  }
0x95: {  	s22 =	simm.s32 $0x10C80  }
0x96: {  	[tilespmem:s22], [sflag:$0x2] =	stream.indirect_vreg.gather [hbm4b:s2+s3], $0x80, v3, vm0, $0xb8;
	[tilespmem:$0x1B480] =	vst v63  }
0x97: {  	s28 =	simm.s32 $0x11480  }
0x98: {  	[tilespmem:s28], [sflag:$0x2] =	stream.indirect_vreg.gather [hbm4b:s5+s3], $0x80, v3, vm0, $0xb8;
	[tilespmem:$0x1B480] =	vst v63  }
0x99: {  	s31 =	simm.s32 $0x11C80  }
0x9a: {  	[tilespmem:s31], [sflag:$0x2] =	stream.indirect_vreg.gather [hbm4b:s6+s3], $0x80, v3, vm0, $0xb8;
	[tilespmem:$0x1B480] =	vst v63  }
0x9b: {  	_ =	swait.ge [sflag:s20], $0x9000  }
0x9c: {  	[sflag:s20] =	ssyncset.done $0x0  }
0x9d: {  	s21 =	simm.s32 $0x480;
	s4 =	rddreg [dreg:$0x1c];
	[sflag:s20] =	ssyncadd.s32 $0xFFFF7000  }
0x9e: {  	[hbm4b:s4+s3] =	stream.linear.scatter [tilespmem:s21], [sflag:$0x4], $0x9000, $0x38;
	[tilespmem:$0x1B480] =	vst v63  }
0x9f: {  	v3 =	vld [tilespmem:$0x60];
	_ =	sdelay $0x4  }
0xa0: {  	v54 =	vshrl.u32 v3, $0x3  }
0xa1: {  	v4 =	vmul.u32 $0x30, v54  }
0xa2: {  	v3 =	vand.u32 $0x7, v3  }
0xa3: {  	v3 =	vor.u32 v3, v4  }
0xa4: {  	v4 =	vperm.xlane v3, v0;
	_ =	sdelay $0x1  }
0xa5: {  	v4 =	vadd.s32 v1, v4;
	_ =	sdelay $0x3  }
0xa6: {  	s28 =	simm.s32 $0x12480;
	v3 =	vperm.xlane v3, v2  }
0xa7: {  	[tilespmem:s28], [sflag:$0x3] =	stream.indirect_vreg.gather [hbm4b:s2+s3], $0x80, v4, vm0, $0xb8;
	[tilespmem:$0x1B480] =	vst v63  }
0xa8: {  	s31 =	simm.s32 $0x12C80;
	v3 =	vadd.s32 v1, v3  }
0xa9: {  	[tilespmem:s31], [sflag:$0x3] =	stream.indirect_vreg.gather [hbm4b:s5+s3], $0x80, v4, vm0, $0xb8;
	[tilespmem:$0x1B480] =	vst v63  }
0xaa: {  	s0 =	simm.s32 $0x13480  }
0xab: {  	[tilespmem:s0], [sflag:$0x3] =	stream.indirect_vreg.gather [hbm4b:s6+s3], $0x80, v4, vm0, $0xb8;
	[tilespmem:$0x1B480] =	vst v63  }
0xac: {  	s4 =	simm.s32 $0x13C80  }
0xad: {  	[tilespmem:s4], [sflag:$0x3] =	stream.indirect_vreg.gather [hbm4b:s2+s3], $0x80, v3, vm0, $0xb8;
	[tilespmem:$0x1B480] =	vst v63  }
0xae: {  	s31 =	simm.s32 $0x14480  }
0xaf: {  	[tilespmem:s31], [sflag:$0x3] =	stream.indirect_vreg.gather [hbm4b:s5+s3], $0x80, v3, vm0, $0xb8;
	[tilespmem:$0x1B480] =	vst v63  }
0xb0: {  	s0 =	simm.s32 $0x14C80  }
0xb1: {  	[tilespmem:s0], [sflag:$0x3] =	stream.indirect_vreg.gather [hbm4b:s6+s3], $0x80, v3, vm0, $0xb8;
	[tilespmem:$0x1B480] =	vst v63  }
0xb2: {  	v3 =	vld [tilespmem:$0x70];
	_ =	sdelay $0x4  }
0xb3: {  	v55 =	vshrl.u32 v3, $0x3  }
0xb4: {  	v4 =	vmul.u32 $0x30, v55  }
0xb5: {  	v3 =	vand.u32 $0x7, v3  }
0xb6: {  	v3 =	vor.u32 v3, v4  }
0xb7: {  	v4 =	vperm.xlane v3, v0;
	_ =	sdelay $0x1  }
0xb8: {  	v4 =	vadd.s32 v1, v4;
	_ =	sdelay $0x3  }
0xb9: {  	s4 =	simm.s32 $0x15480;
	v3 =	vperm.xlane v3, v2  }
0xba: {  	[tilespmem:s4], [sflag:$0x3] =	stream.indirect_vreg.gather [hbm4b:s2+s3], $0x80, v4, vm0, $0xb8;
	[tilespmem:$0x1B480] =	vst v63  }
0xbb: {  	s31 =	simm.s32 $0x15C80;
	v3 =	vadd.s32 v1, v3  }
0xbc: {  	[tilespmem:s31], [sflag:$0x3] =	stream.indirect_vreg.gather [hbm4b:s5+s3], $0x80, v4, vm0, $0xb8;
	[tilespmem:$0x1B480] =	vst v63  }
0xbd: {  	s0 =	simm.s32 $0x16480  }
0xbe: {  	[tilespmem:s0], [sflag:$0x3] =	stream.indirect_vreg.gather [hbm4b:s6+s3], $0x80, v4, vm0, $0xb8;
	[tilespmem:$0x1B480] =	vst v63  }
0xbf: {  	s4 =	simm.s32 $0x16C80  }
0xc0: {  	[tilespmem:s4], [sflag:$0x3] =	stream.indirect_vreg.gather [hbm4b:s2+s3], $0x80, v3, vm0, $0xb8;
	[tilespmem:$0x1B480] =	vst v63  }
0xc1: {  	s31 =	simm.s32 $0x17480  }
0xc2: {  	[tilespmem:s31], [sflag:$0x3] =	stream.indirect_vreg.gather [hbm4b:s5+s3], $0x80, v3, vm0, $0xb8;
	[tilespmem:$0x1B480] =	vst v63  }
0xc3: {  	s0 =	simm.s32 $0x17C80  }
0xc4: {  	[tilespmem:s0], [sflag:$0x3] =	stream.indirect_vreg.gather [hbm4b:s6+s3], $0x80, v3, vm0, $0xb8;
	[tilespmem:$0x1B480] =	vst v63  }
0xc5: {  	v3 =	vld [tilespmem:$0x80];
	_ =	sdelay $0x4  }
0xc6: {  	v56 =	vshrl.u32 v3, $0x3  }
0xc7: {  	v4 =	vmul.u32 $0x30, v56  }
0xc8: {  	v3 =	vand.u32 $0x7, v3  }
0xc9: {  	v3 =	vor.u32 v3, v4  }
0xca: {  	v4 =	vperm.xlane v3, v0;
	_ =	sdelay $0x1  }
0xcb: {  	v4 =	vadd.s32 v1, v4;
	_ =	sdelay $0x3  }
0xcc: {  	s4 =	simm.s32 $0x18480;
	v3 =	vperm.xlane v3, v2  }
0xcd: {  	[tilespmem:s4], [sflag:$0x3] =	stream.indirect_vreg.gather [hbm4b:s2+s3], $0x80, v4, vm0, $0xb8;
	[tilespmem:$0x1B480] =	vst v63  }
0xce: {  	s31 =	simm.s32 $0x18C80;
	v3 =	vadd.s32 v1, v3  }
0xcf: {  	[tilespmem:s31], [sflag:$0x3] =	stream.indirect_vreg.gather [hbm4b:s5+s3], $0x80, v4, vm0, $0xb8;
	[tilespmem:$0x1B480] =	vst v63  }
0xd0: {  	s0 =	simm.s32 $0x19480  }
0xd1: {  	[tilespmem:s0], [sflag:$0x3] =	stream.indirect_vreg.gather [hbm4b:s6+s3], $0x80, v4, vm0, $0xb8;
	[tilespmem:$0x1B480] =	vst v63  }
0xd2: {  	s4 =	simm.s32 $0x19C80  }
0xd3: {  	[tilespmem:s4], [sflag:$0x3] =	stream.indirect_vreg.gather [hbm4b:s2+s3], $0x80, v3, vm0, $0xb8;
	[tilespmem:$0x1B480] =	vst v63  }
0xd4: {  	s31 =	simm.s32 $0x1A480  }
0xd5: {  	[tilespmem:s31], [sflag:$0x3] =	stream.indirect_vreg.gather [hbm4b:s5+s3], $0x80, v3, vm0, $0xb8;
	[tilespmem:$0x1B480] =	vst v63  }
0xd6: {  	s0 =	simm.s32 $0x1AC80  }
0xd7: {  	[tilespmem:s0], [sflag:$0x3] =	stream.indirect_vreg.gather [hbm4b:s6+s3], $0x80, v3, vm0, $0xb8;
	[tilespmem:$0x1B480] =	vst v63  }
0xd8: {  	_ =	swait.ge [sflag:s15], $0x9000  }
0xd9: {  	[sflag:s15] =	ssyncset.done $0x0  }
0xda: {  	[sflag:s15] =	ssyncadd.s32 $0xFFFF7000  }
0xdb: {  	_ =	swait.ge [sflag:s16], $0x9000  }
0xdc: {  	[sflag:s16] =	ssyncset.done $0x0  }
0xdd: {  	s0 =	simm.s32 $0x9480;
	s4 =	rddreg [dreg:$0x5];
	[sflag:s16] =	ssyncadd.s32 $0xFFFF7000  }
0xde: {  	[hbm4b:s4+s3] =	stream.linear.scatter [tilespmem:s0], [sflag:$0x5], $0x9000, $0x38;
	[tilespmem:$0x1B480] =	vst v63  }
0xdf: {  	v3 =	vld [tilespmem:$0x90];
	_ =	sdelay $0x4  }
0xe0: {  	v57 =	vshrl.u32 v3, $0x3  }
0xe1: {  	v4 =	vmul.u32 $0x30, v57  }
0xe2: {  	v3 =	vand.u32 $0x7, v3  }
0xe3: {  	v3 =	vor.u32 v3, v4  }
0xe4: {  	v4 =	vperm.xlane v3, v0;
	_ =	sdelay $0x1  }
0xe5: {  	v4 =	vadd.s32 v1, v4;
	_ =	sdelay $0x3  }
0xe6: {  	v3 =	vperm.xlane v3, v2  }
0xe7: {  	[tilespmem:s21], [sflag:$0x1] =	stream.indirect_vreg.gather [hbm4b:s2+s3], $0x80, v4, vm0, $0xb8;
	[tilespmem:$0x1B480] =	vst v63  }
0xe8: {  	s25 =	simm.s32 $0xC80;
	v3 =	vadd.s32 v1, v3  }
0xe9: {  	[tilespmem:s25], [sflag:$0x1] =	stream.indirect_vreg.gather [hbm4b:s5+s3], $0x80, v4, vm0, $0xb8;
	[tilespmem:$0x1B480] =	vst v63  }
0xea: {  	s1 =	simm.s32 $0x1480  }
0xeb: {  	[tilespmem:s1], [sflag:$0x1] =	stream.indirect_vreg.gather [hbm4b:s6+s3], $0x80, v4, vm0, $0xb8;
	[tilespmem:$0x1B480] =	vst v63  }
0xec: {  	s7 =	simm.s32 $0x1C80  }
0xed: {  	[tilespmem:s7], [sflag:$0x1] =	stream.indirect_vreg.gather [hbm4b:s2+s3], $0x80, v3, vm0, $0xb8;
	[tilespmem:$0x1B480] =	vst v63  }
0xee: {  	s10 =	simm.s32 $0x2480  }
0xef: {  	[tilespmem:s10], [sflag:$0x1] =	stream.indirect_vreg.gather [hbm4b:s5+s3], $0x80, v3, vm0, $0xb8;
	[tilespmem:$0x1B480] =	vst v63  }
0xf0: {  	s24 =	simm.s32 $0x2C80  }
0xf1: {  	[tilespmem:s24], [sflag:$0x1] =	stream.indirect_vreg.gather [hbm4b:s6+s3], $0x80, v3, vm0, $0xb8;
	[tilespmem:$0x1B480] =	vst v63  }
0xf2: {  	v3 =	vld [tilespmem:$0xA0];
	_ =	sdelay $0x4  }
0xf3: {  	v58 =	vshrl.u32 v3, $0x3  }
0xf4: {  	v4 =	vmul.u32 $0x30, v58  }
0xf5: {  	v3 =	vand.u32 $0x7, v3  }
0xf6: {  	v3 =	vor.u32 v3, v4  }
0xf7: {  	v4 =	vperm.xlane v3, v0;
	_ =	sdelay $0x1  }
0xf8: {  	v4 =	vadd.s32 v1, v4;
	_ =	sdelay $0x3  }
0xf9: {  	s26 =	simm.s32 $0x3480;
	v3 =	vperm.xlane v3, v2  }
0xfa: {  	[tilespmem:s26], [sflag:$0x1] =	stream.indirect_vreg.gather [hbm4b:s2+s3], $0x80, v4, vm0, $0xb8;
	[tilespmem:$0x1B480] =	vst v63  }
0xfb: {  	s11 =	simm.s32 $0x3C80;
	v3 =	vadd.s32 v1, v3  }
0xfc: {  	[tilespmem:s11], [sflag:$0x1] =	stream.indirect_vreg.gather [hbm4b:s5+s3], $0x80, v4, vm0, $0xb8;
	[tilespmem:$0x1B480] =	vst v63  }
0xfd: {  	s14 =	simm.s32 $0x4480  }
0xfe: {  	[tilespmem:s14], [sflag:$0x1] =	stream.indirect_vreg.gather [hbm4b:s6+s3], $0x80, v4, vm0, $0xb8;
	[tilespmem:$0x1B480] =	vst v63  }
0xff: {  	s23 =	simm.s32 $0x4C80  }
0x100: {  	[tilespmem:s23], [sflag:$0x1] =	stream.indirect_vreg.gather [hbm4b:s2+s3], $0x80, v3, vm0, $0xb8;
	[tilespmem:$0x1B480] =	vst v63  }
0x101: {  	s24 =	simm.s32 $0x5480  }
0x102: {  	[tilespmem:s24], [sflag:$0x1] =	stream.indirect_vreg.gather [hbm4b:s5+s3], $0x80, v3, vm0, $0xb8;
	[tilespmem:$0x1B480] =	vst v63  }
0x103: {  	s29 =	simm.s32 $0x5C80  }
0x104: {  	[tilespmem:s29], [sflag:$0x1] =	stream.indirect_vreg.gather [hbm4b:s6+s3], $0x80, v3, vm0, $0xb8;
	[tilespmem:$0x1B480] =	vst v63  }
0x105: {  	v3 =	vld [tilespmem:$0xB0];
	_ =	sdelay $0x4  }
0x106: {  	v59 =	vshrl.u32 v3, $0x3  }
0x107: {  	v4 =	vmul.u32 $0x30, v59  }
0x108: {  	v3 =	vand.u32 $0x7, v3  }
0x109: {  	v3 =	vor.u32 v3, v4  }
0x10a: {  	v4 =	vperm.xlane v3, v0;
	_ =	sdelay $0x1  }
0x10b: {  	v4 =	vadd.s32 v1, v4;
	_ =	sdelay $0x3  }
0x10c: {  	s30 =	simm.s32 $0x6480;
	v3 =	vperm.xlane v3, v2  }
0x10d: {  	[tilespmem:s30], [sflag:$0x1] =	stream.indirect_vreg.gather [hbm4b:s2+s3], $0x80, v4, vm0, $0xb8;
	[tilespmem:$0x1B480] =	vst v63  }
0x10e: {  	s26 =	simm.s32 $0x6C80;
	v3 =	vadd.s32 v1, v3  }
0x10f: {  	[tilespmem:s26], [sflag:$0x1] =	stream.indirect_vreg.gather [hbm4b:s5+s3], $0x80, v4, vm0, $0xb8;
	[tilespmem:$0x1B480] =	vst v63  }
0x110: {  	s29 =	simm.s32 $0x7480  }
0x111: {  	[tilespmem:s29], [sflag:$0x1] =	stream.indirect_vreg.gather [hbm4b:s6+s3], $0x80, v4, vm0, $0xb8;
	[tilespmem:$0x1B480] =	vst v63  }
0x112: {  	s30 =	simm.s32 $0x7C80  }
0x113: {  	[tilespmem:s30], [sflag:$0x1] =	stream.indirect_vreg.gather [hbm4b:s2+s3], $0x80, v3, vm0, $0xb8;
	[tilespmem:$0x1B480] =	vst v63  }
0x114: {  	s31 =	simm.s32 $0x8480  }
0x115: {  	[tilespmem:s31], [sflag:$0x1] =	stream.indirect_vreg.gather [hbm4b:s5+s3], $0x80, v3, vm0, $0xb8;
	[tilespmem:$0x1B480] =	vst v63  }
0x116: {  	s25 =	simm.s32 $0x8C80  }
0x117: {  	[tilespmem:s25], [sflag:$0x1] =	stream.indirect_vreg.gather [hbm4b:s6+s3], $0x80, v3, vm0, $0xb8;
	[tilespmem:$0x1B480] =	vst v63  }
0x118: {  	_ =	swait.ge [sflag:s17], $0x9000  }
0x119: {  	[sflag:s17] =	ssyncset.done $0x0  }
0x11a: {  	[sflag:s17] =	ssyncadd.s32 $0xFFFF7000  }
0x11b: {  	_ =	swait.ge [sflag:s18], $0x9000  }
0x11c: {  	[sflag:s18] =	ssyncset.done $0x0  }
0x11d: {  	s28 =	simm.s32 $0x12480;
	s10 =	rddreg [dreg:$0x6];
	[sflag:s18] =	ssyncadd.s32 $0xFFFF7000  }
0x11e: {  	[hbm4b:s10+s3] =	stream.linear.scatter [tilespmem:s28], [sflag:$0x6], $0x9000, $0x38;
	[tilespmem:$0x1B480] =	vst v63  }
0x11f: {  	v3 =	vld [tilespmem:$0xC0];
	_ =	sdelay $0x4  }
0x120: {  	v60 =	vshrl.u32 v3, $0x3  }
0x121: {  	v4 =	vmul.u32 $0x30, v60  }
0x122: {  	v3 =	vand.u32 $0x7, v3  }
0x123: {  	v3 =	vor.u32 v3, v4  }
0x124: {  	v4 =	vperm.xlane v3, v0;
	_ =	sdelay $0x1  }
0x125: {  	v4 =	vadd.s32 v1, v4;
	_ =	sdelay $0x3  }
0x126: {  	v3 =	vperm.xlane v3, v2  }
0x127: {  	[tilespmem:s0], [sflag:$0x2] =	stream.indirect_vreg.gather [hbm4b:s2+s3], $0x80, v4, vm0, $0xb8;
	[tilespmem:$0x1B480] =	vst v63  }
0x128: {  	s21 =	simm.s32 $0x9C80;
	v3 =	vadd.s32 v1, v3  }
0x129: {  	[tilespmem:s21], [sflag:$0x2] =	stream.indirect_vreg.gather [hbm4b:s5+s3], $0x80, v4, vm0, $0xb8;
	[tilespmem:$0x1B480] =	vst v63  }
0x12a: {  	s28 =	simm.s32 $0xA480  }
0x12b: {  	[tilespmem:s28], [sflag:$0x2] =	stream.indirect_vreg.gather [hbm4b:s6+s3], $0x80, v4, vm0, $0xb8;
	[tilespmem:$0x1B480] =	vst v63  }
0x12c: {  	s11 =	simm.s32 $0xAC80  }
0x12d: {  	[tilespmem:s11], [sflag:$0x2] =	stream.indirect_vreg.gather [hbm4b:s2+s3], $0x80, v3, vm0, $0xb8;
	[tilespmem:$0x1B480] =	vst v63  }
0x12e: {  	s7 =	simm.s32 $0xB480  }
0x12f: {  	[tilespmem:s7], [sflag:$0x2] =	stream.indirect_vreg.gather [hbm4b:s5+s3], $0x80, v3, vm0, $0xb8;
	[tilespmem:$0x1B480] =	vst v63  }
0x130: {  	s8 =	simm.s32 $0xBC80  }
0x131: {  	[tilespmem:s8], [sflag:$0x2] =	stream.indirect_vreg.gather [hbm4b:s6+s3], $0x80, v3, vm0, $0xb8;
	[tilespmem:$0x1B480] =	vst v63  }
0x132: {  	v3 =	vld [tilespmem:$0xD0];
	_ =	sdelay $0x4  }
0x133: {  	v61 =	vshrl.u32 v3, $0x3  }
0x134: {  	v4 =	vmul.u32 $0x30, v61  }
0x135: {  	v3 =	vand.u32 $0x7, v3  }
0x136: {  	v3 =	vor.u32 v3, v4  }
0x137: {  	v4 =	vperm.xlane v3, v0;
	_ =	sdelay $0x1  }
0x138: {  	v4 =	vadd.s32 v1, v4;
	_ =	sdelay $0x3  }
0x139: {  	s9 =	simm.s32 $0xC480;
	v3 =	vperm.xlane v3, v2  }
0x13a: {  	[tilespmem:s9], [sflag:$0x2] =	stream.indirect_vreg.gather [hbm4b:s2+s3], $0x80, v4, vm0, $0xb8;
	[tilespmem:$0x1B480] =	vst v63  }
0x13b: {  	s14 =	simm.s32 $0xCC80;
	v3 =	vadd.s32 v1, v3  }
0x13c: {  	[tilespmem:s14], [sflag:$0x2] =	stream.indirect_vreg.gather [hbm4b:s5+s3], $0x80, v4, vm0, $0xb8;
	[tilespmem:$0x1B480] =	vst v63  }
0x13d: {  	s9 =	simm.s32 $0xD480  }
0x13e: {  	[tilespmem:s9], [sflag:$0x2] =	stream.indirect_vreg.gather [hbm4b:s6+s3], $0x80, v4, vm0, $0xb8;
	[tilespmem:$0x1B480] =	vst v63  }
0x13f: {  	s10 =	simm.s32 $0xDC80  }
0x140: {  	[tilespmem:s10], [sflag:$0x2] =	stream.indirect_vreg.gather [hbm4b:s2+s3], $0x80, v3, vm0, $0xb8;
	[tilespmem:$0x1B480] =	vst v63  }
0x141: {  	s11 =	simm.s32 $0xE480  }
0x142: {  	[tilespmem:s11], [sflag:$0x2] =	stream.indirect_vreg.gather [hbm4b:s5+s3], $0x80, v3, vm0, $0xb8;
	[tilespmem:$0x1B480] =	vst v63  }
0x143: {  	s12 =	simm.s32 $0xEC80  }
0x144: {  	[tilespmem:s12], [sflag:$0x2] =	stream.indirect_vreg.gather [hbm4b:s6+s3], $0x80, v3, vm0, $0xb8;
	[tilespmem:$0x1B480] =	vst v63  }
0x145: {  	v3 =	vld [tilespmem:$0xE0];
	_ =	sdelay $0x4  }
0x146: {  	v62 =	vshrl.u32 v3, $0x3  }
0x147: {  	v4 =	vmul.u32 $0x30, v62  }
0x148: {  	v3 =	vand.u32 $0x7, v3  }
0x149: {  	v3 =	vor.u32 v3, v4  }
0x14a: {  	v4 =	vperm.xlane v3, v0;
	_ =	sdelay $0x1  }
0x14b: {  	v4 =	vadd.s32 v1, v4;
	_ =	sdelay $0x3  }
0x14c: {  	s13 =	simm.s32 $0xF480;
	v3 =	vperm.xlane v3, v2  }
0x14d: {  	[tilespmem:s13], [sflag:$0x2] =	stream.indirect_vreg.gather [hbm4b:s2+s3], $0x80, v4, vm0, $0xb8;
	[tilespmem:$0x1B480] =	vst v63  }
0x14e: {  	s12 =	simm.s32 $0xFC80;
	v3 =	vadd.s32 v1, v3  }
0x14f: {  	[tilespmem:s12], [sflag:$0x2] =	stream.indirect_vreg.gather [hbm4b:s5+s3], $0x80, v4, vm0, $0xb8;
	[tilespmem:$0x1B480] =	vst v63  }
0x150: {  	s13 =	simm.s32 $0x10480  }
0x151: {  	[tilespmem:s13], [sflag:$0x2] =	stream.indirect_vreg.gather [hbm4b:s6+s3], $0x80, v4, vm0, $0xb8;
	[tilespmem:$0x1B480] =	vst v63  }
0x152: {  	s14 =	simm.s32 $0x10C80  }
0x153: {  	[tilespmem:s14], [sflag:$0x2] =	stream.indirect_vreg.gather [hbm4b:s2+s3], $0x80, v3, vm0, $0xb8;
	[tilespmem:$0x1B480] =	vst v63  }
0x154: {  	s23 =	simm.s32 $0x11480  }
0x155: {  	[tilespmem:s23], [sflag:$0x2] =	stream.indirect_vreg.gather [hbm4b:s5+s3], $0x80, v3, vm0, $0xb8;
	[tilespmem:$0x1B480] =	vst v63  }
0x156: {  	s22 =	simm.s32 $0x11C80  }
0x157: {  	[tilespmem:s22], [sflag:$0x2] =	stream.indirect_vreg.gather [hbm4b:s6+s3], $0x80, v3, vm0, $0xb8;
	[tilespmem:$0x1B480] =	vst v63  }
0x158: {  	_ =	swait.ge [sflag:s20], $0x9000  }
0x159: {  	[sflag:s20] =	ssyncset.done $0x0  }
0x15a: {  	[sflag:s20] =	ssyncadd.s32 $0xFFFF7000  }
0x15b: {  	_ =	swait.ge [sflag:s19], $0x9000  }
0x15c: {  	[sflag:s19] =	ssyncset.done $0x0  }
0x15d: {  	s4 =	simm.s32 $0x480;
	s8 =	rddreg [dreg:$0x7];
	[sflag:s19] =	ssyncadd.s32 $0xFFFF7000  }
0x15e: {  	[hbm4b:s8+s3] =	stream.linear.scatter [tilespmem:s4], [sflag:$0x4], $0x9000, $0x38;
	[tilespmem:$0x1B480] =	vst v63  }
0x15f: {  	v3 =	vld [tilespmem:$0xF0];
	_ =	sdelay $0x4  }
0x160: {  	v63 =	vshrl.u32 v3, $0x3  }
0x161: {  	v4 =	vmul.u32 $0x30, v63  }
0x162: {  	v3 =	vand.u32 $0x7, v3  }
0x163: {  	v3 =	vor.u32 v3, v4  }
0x164: {  	v4 =	vperm.xlane v3, v0;
	_ =	sdelay $0x1  }
0x165: {  	v4 =	vadd.s32 v1, v4;
	_ =	sdelay $0x3  }
0x166: {  	s1 =	simm.s32 $0x12480;
	v3 =	vperm.xlane v3, v2  }
0x167: {  	[tilespmem:s1], [sflag:$0x3] =	stream.indirect_vreg.gather [hbm4b:s2+s3], $0x80, v4, vm0, $0xb8;
	[tilespmem:$0x1B480] =	vst v63  }
0x168: {  	s22 =	simm.s32 $0x12C80;
	v3 =	vadd.s32 v1, v3  }
0x169: {  	[tilespmem:s22], [sflag:$0x3] =	stream.indirect_vreg.gather [hbm4b:s5+s3], $0x80, v4, vm0, $0xb8;
	[tilespmem:$0x1B480] =	vst v63  }
0x16a: {  	s22 =	simm.s32 $0x13480  }
0x16b: {  	[tilespmem:s22], [sflag:$0x3] =	stream.indirect_vreg.gather [hbm4b:s6+s3], $0x80, v4, vm0, $0xb8;
	[tilespmem:$0x1B480] =	vst v63  }
0x16c: {  	s22 =	simm.s32 $0x13C80  }
0x16d: {  	[tilespmem:s22], [sflag:$0x3] =	stream.indirect_vreg.gather [hbm4b:s2+s3], $0x80, v3, vm0, $0xb8;
	[tilespmem:$0x1B480] =	vst v63  }
0x16e: {  	s22 =	simm.s32 $0x14480  }
0x16f: {  	[tilespmem:s22], [sflag:$0x3] =	stream.indirect_vreg.gather [hbm4b:s5+s3], $0x80, v3, vm0, $0xb8;
	[tilespmem:$0x1B480] =	vst v63  }
0x170: {  	s22 =	simm.s32 $0x14C80  }
0x171: {  	[tilespmem:s22], [sflag:$0x3] =	stream.indirect_vreg.gather [hbm4b:s6+s3], $0x80, v3, vm0, $0xb8;
	[tilespmem:$0x1B480] =	vst v63  }
0x172: {  	v3 =	vld [tilespmem:$0x100];
	_ =	sdelay $0x4  }
0x173: {  	v8 =	vshrl.u32 v3, $0x3  }
0x174: {  	v4 =	vmul.u32 $0x30, v8  }
0x175: {  	v3 =	vand.u32 $0x7, v3  }
0x176: {  	v3 =	vor.u32 v3, v4  }
0x177: {  	v4 =	vperm.xlane v3, v0;
	_ =	sdelay $0x1  }
0x178: {  	v4 =	vadd.s32 v1, v4;
	_ =	sdelay $0x3  }
0x179: {  	s22 =	simm.s32 $0x15480;
	v3 =	vperm.xlane v3, v2  }
0x17a: {  	[tilespmem:s22], [sflag:$0x3] =	stream.indirect_vreg.gather [hbm4b:s2+s3], $0x80, v4, vm0, $0xb8;
	[tilespmem:$0x1B480] =	vst v63  }
0x17b: {  	v3 =	vadd.s32 v1, v3;
	s22 =	simm.s32 $0x15C80  }
0x17c: {  	[tilespmem:s22], [sflag:$0x3] =	stream.indirect_vreg.gather [hbm4b:s5+s3], $0x80, v4, vm0, $0xb8;
	[tilespmem:$0x1B480] =	vst v63  }
0x17d: {  	s22 =	simm.s32 $0x16480  }
0x17e: {  	[tilespmem:s22], [sflag:$0x3] =	stream.indirect_vreg.gather [hbm4b:s6+s3], $0x80, v4, vm0, $0xb8;
	[tilespmem:$0x1B480] =	vst v63  }
0x17f: {  	s22 =	simm.s32 $0x16C80  }
0x180: {  	[tilespmem:s22], [sflag:$0x3] =	stream.indirect_vreg.gather [hbm4b:s2+s3], $0x80, v3, vm0, $0xb8;
	[tilespmem:$0x1B480] =	vst v63  }
0x181: {  	s22 =	simm.s32 $0x17480  }
0x182: {  	[tilespmem:s22], [sflag:$0x3] =	stream.indirect_vreg.gather [hbm4b:s5+s3], $0x80, v3, vm0, $0xb8;
	[tilespmem:$0x1B480] =	vst v63  }
0x183: {  	s22 =	simm.s32 $0x17C80  }
0x184: {  	[tilespmem:s22], [sflag:$0x3] =	stream.indirect_vreg.gather [hbm4b:s6+s3], $0x80, v3, vm0, $0xb8;
	[tilespmem:$0x1B480] =	vst v63  }
0x185: {  	v3 =	vld [tilespmem:$0x110];
	_ =	sdelay $0x4  }
0x186: {  	v9 =	vshrl.u32 v3, $0x3  }
0x187: {  	v4 =	vmul.u32 $0x30, v9  }
0x188: {  	v3 =	vand.u32 $0x7, v3  }
0x189: {  	v3 =	vor.u32 v3, v4  }
0x18a: {  	v4 =	vperm.xlane v3, v0;
	_ =	sdelay $0x1  }
0x18b: {  	v4 =	vadd.s32 v1, v4;
	_ =	sdelay $0x3  }
0x18c: {  	s22 =	simm.s32 $0x18480;
	v3 =	vperm.xlane v3, v2  }
0x18d: {  	[tilespmem:s22], [sflag:$0x3] =	stream.indirect_vreg.gather [hbm4b:s2+s3], $0x80, v4, vm0, $0xb8;
	[tilespmem:$0x1B480] =	vst v63  }
0x18e: {  	v3 =	vadd.s32 v1, v3;
	s22 =	simm.s32 $0x18C80  }
0x18f: {  	[tilespmem:s22], [sflag:$0x3] =	stream.indirect_vreg.gather [hbm4b:s5+s3], $0x80, v4, vm0, $0xb8;
	[tilespmem:$0x1B480] =	vst v63  }
0x190: {  	s22 =	simm.s32 $0x19480  }
0x191: {  	[tilespmem:s22], [sflag:$0x3] =	stream.indirect_vreg.gather [hbm4b:s6+s3], $0x80, v4, vm0, $0xb8;
	[tilespmem:$0x1B480] =	vst v63  }
0x192: {  	s22 =	simm.s32 $0x19C80  }
0x193: {  	[tilespmem:s22], [sflag:$0x3] =	stream.indirect_vreg.gather [hbm4b:s2+s3], $0x80, v3, vm0, $0xb8;
	[tilespmem:$0x1B480] =	vst v63  }
0x194: {  	s22 =	simm.s32 $0x1A480  }
0x195: {  	[tilespmem:s22], [sflag:$0x3] =	stream.indirect_vreg.gather [hbm4b:s5+s3], $0x80, v3, vm0, $0xb8;
	[tilespmem:$0x1B480] =	vst v63  }
0x196: {  	s22 =	simm.s32 $0x1AC80  }
0x197: {  	[tilespmem:s22], [sflag:$0x3] =	stream.indirect_vreg.gather [hbm4b:s6+s3], $0x80, v3, vm0, $0xb8;
	[tilespmem:$0x1B480] =	vst v63  }
0x198: {  	_ =	swait.ge [sflag:s15], $0x9000  }
0x199: {  	[sflag:s15] =	ssyncset.done $0x0  }
0x19a: {  	[sflag:s15] =	ssyncadd.s32 $0xFFFF7000  }
0x19b: {  	_ =	swait.ge [sflag:s16], $0x9000  }
0x19c: {  	[sflag:s16] =	ssyncset.done $0x0  }
0x19d: {  	s0 =	simm.s32 $0x9480;
	s8 =	rddreg [dreg:$0x8];
	[sflag:s16] =	ssyncadd.s32 $0xFFFF7000  }
0x19e: {  	[hbm4b:s8+s3] =	stream.linear.scatter [tilespmem:s0], [sflag:$0x5], $0x9000, $0x38;
	[tilespmem:$0x1B480] =	vst v63  }
0x19f: {  	v3 =	vld [tilespmem:$0x120];
	_ =	sdelay $0x4  }
0x1a0: {  	v10 =	vshrl.u32 v3, $0x3  }
0x1a1: {  	v4 =	vmul.u32 $0x30, v10  }
0x1a2: {  	v3 =	vand.u32 $0x7, v3  }
0x1a3: {  	v3 =	vor.u32 v3, v4  }
0x1a4: {  	v4 =	vperm.xlane v3, v0;
	_ =	sdelay $0x1  }
0x1a5: {  	v4 =	vadd.s32 v1, v4;
	_ =	sdelay $0x3  }
0x1a6: {  	s4 =	simm.s32 $0x480;
	v3 =	vperm.xlane v3, v2  }
0x1a7: {  	[tilespmem:s4], [sflag:$0x1] =	stream.indirect_vreg.gather [hbm4b:s2+s3], $0x80, v4, vm0, $0xb8;
	[tilespmem:$0x1B480] =	vst v63  }
0x1a8: {  	s22 =	simm.s32 $0xC80;
	v3 =	vadd.s32 v1, v3  }
0x1a9: {  	[tilespmem:s22], [sflag:$0x1] =	stream.indirect_vreg.gather [hbm4b:s5+s3], $0x80, v4, vm0, $0xb8;
	[tilespmem:$0x1B480] =	vst v63  }
0x1aa: {  	s22 =	simm.s32 $0x1480  }
0x1ab: {  	[tilespmem:s22], [sflag:$0x1] =	stream.indirect_vreg.gather [hbm4b:s6+s3], $0x80, v4, vm0, $0xb8;
	[tilespmem:$0x1B480] =	vst v63  }
0x1ac: {  	s22 =	simm.s32 $0x1C80  }
0x1ad: {  	[tilespmem:s22], [sflag:$0x1] =	stream.indirect_vreg.gather [hbm4b:s2+s3], $0x80, v3, vm0, $0xb8;
	[tilespmem:$0x1B480] =	vst v63  }
0x1ae: {  	s22 =	simm.s32 $0x2480  }
0x1af: {  	[tilespmem:s22], [sflag:$0x1] =	stream.indirect_vreg.gather [hbm4b:s5+s3], $0x80, v3, vm0, $0xb8;
	[tilespmem:$0x1B480] =	vst v63  }
0x1b0: {  	s22 =	simm.s32 $0x2C80  }
0x1b1: {  	[tilespmem:s22], [sflag:$0x1] =	stream.indirect_vreg.gather [hbm4b:s6+s3], $0x80, v3, vm0, $0xb8;
	[tilespmem:$0x1B480] =	vst v63  }
0x1b2: {  	v3 =	vld [tilespmem:$0x130];
	_ =	sdelay $0x4  }
0x1b3: {  	v11 =	vshrl.u32 v3, $0x3  }
0x1b4: {  	v4 =	vmul.u32 $0x30, v11  }
0x1b5: {  	v3 =	vand.u32 $0x7, v3  }
0x1b6: {  	v3 =	vor.u32 v3, v4  }
0x1b7: {  	v4 =	vperm.xlane v3, v0;
	_ =	sdelay $0x1  }
0x1b8: {  	v4 =	vadd.s32 v1, v4;
	_ =	sdelay $0x3  }
0x1b9: {  	s22 =	simm.s32 $0x3480;
	v3 =	vperm.xlane v3, v2  }
0x1ba: {  	[tilespmem:s22], [sflag:$0x1] =	stream.indirect_vreg.gather [hbm4b:s2+s3], $0x80, v4, vm0, $0xb8;
	[tilespmem:$0x1B480] =	vst v63  }
0x1bb: {  	v3 =	vadd.s32 v1, v3;
	s22 =	simm.s32 $0x3C80  }
0x1bc: {  	[tilespmem:s22], [sflag:$0x1] =	stream.indirect_vreg.gather [hbm4b:s5+s3], $0x80, v4, vm0, $0xb8;
	[tilespmem:$0x1B480] =	vst v63  }
0x1bd: {  	s22 =	simm.s32 $0x4480  }
0x1be: {  	[tilespmem:s22], [sflag:$0x1] =	stream.indirect_vreg.gather [hbm4b:s6+s3], $0x80, v4, vm0, $0xb8;
	[tilespmem:$0x1B480] =	vst v63  }
0x1bf: {  	s22 =	simm.s32 $0x4C80  }
0x1c0: {  	[tilespmem:s22], [sflag:$0x1] =	stream.indirect_vreg.gather [hbm4b:s2+s3], $0x80, v3, vm0, $0xb8;
	[tilespmem:$0x1B480] =	vst v63  }
0x1c1: {  	_ = 	snop  }
0x1c2: {  	[tilespmem:s24], [sflag:$0x1] =	stream.indirect_vreg.gather [hbm4b:s5+s3], $0x80, v3, vm0, $0xb8;
	[tilespmem:$0x1B480] =	vst v63  }
0x1c3: {  	s8 =	simm.s32 $0x5C80  }
0x1c4: {  	[tilespmem:s8], [sflag:$0x1] =	stream.indirect_vreg.gather [hbm4b:s6+s3], $0x80, v3, vm0, $0xb8;
	[tilespmem:$0x1B480] =	vst v63  }
0x1c5: {  	v3 =	vld [tilespmem:$0x140];
	_ =	sdelay $0x4  }
0x1c6: {  	v12 =	vshrl.u32 v3, $0x3  }
0x1c7: {  	v4 =	vmul.u32 $0x30, v12  }
0x1c8: {  	v3 =	vand.u32 $0x7, v3  }
0x1c9: {  	v3 =	vor.u32 v3, v4  }
0x1ca: {  	v4 =	vperm.xlane v3, v0;
	_ =	sdelay $0x1  }
0x1cb: {  	v4 =	vadd.s32 v1, v4;
	_ =	sdelay $0x3  }
0x1cc: {  	s24 =	simm.s32 $0x6480;
	v3 =	vperm.xlane v3, v2  }
0x1cd: {  	[tilespmem:s24], [sflag:$0x1] =	stream.indirect_vreg.gather [hbm4b:s2+s3], $0x80, v4, vm0, $0xb8;
	[tilespmem:$0x1B480] =	vst v63  }
0x1ce: {  	v3 =	vadd.s32 v1, v3  }
0x1cf: {  	[tilespmem:s26], [sflag:$0x1] =	stream.indirect_vreg.gather [hbm4b:s5+s3], $0x80, v4, vm0, $0xb8;
	[tilespmem:$0x1B480] =	vst v63  }
0x1d0: {  	_ = 	snop  }
0x1d1: {  	[tilespmem:s29], [sflag:$0x1] =	stream.indirect_vreg.gather [hbm4b:s6+s3], $0x80, v4, vm0, $0xb8;
	[tilespmem:$0x1B480] =	vst v63  }
0x1d2: {  	_ = 	snop  }
0x1d3: {  	[tilespmem:s30], [sflag:$0x1] =	stream.indirect_vreg.gather [hbm4b:s2+s3], $0x80, v3, vm0, $0xb8;
	[tilespmem:$0x1B480] =	vst v63  }
0x1d4: {  	_ = 	snop  }
0x1d5: {  	[tilespmem:s31], [sflag:$0x1] =	stream.indirect_vreg.gather [hbm4b:s5+s3], $0x80, v3, vm0, $0xb8;
	[tilespmem:$0x1B480] =	vst v63  }
0x1d6: {  	_ = 	snop  }
0x1d7: {  	[tilespmem:s25], [sflag:$0x1] =	stream.indirect_vreg.gather [hbm4b:s6+s3], $0x80, v3, vm0, $0xb8;
	[tilespmem:$0x1B480] =	vst v63  }
0x1d8: {  	_ =	swait.ge [sflag:s17], $0x9000  }
0x1d9: {  	[sflag:s17] =	ssyncset.done $0x0  }
0x1da: {  	[sflag:s17] =	ssyncadd.s32 $0xFFFF7000  }
0x1db: {  	_ =	swait.ge [sflag:s18], $0x9000  }
0x1dc: {  	[sflag:s18] =	ssyncset.done $0x0  }
0x1dd: {  	s1 =	simm.s32 $0x12480;
	s31 =	rddreg [dreg:$0x9];
	[sflag:s18] =	ssyncadd.s32 $0xFFFF7000  }
0x1de: {  	[hbm4b:s31+s3] =	stream.linear.scatter [tilespmem:s1], [sflag:$0x6], $0x9000, $0x38;
	[tilespmem:$0x1B480] =	vst v63  }
0x1df: {  	v3 =	vld [tilespmem:$0x150];
	_ =	sdelay $0x4  }
0x1e0: {  	v13 =	vshrl.u32 v3, $0x3  }
0x1e1: {  	v4 =	vmul.u32 $0x30, v13  }
0x1e2: {  	v3 =	vand.u32 $0x7, v3  }
0x1e3: {  	v3 =	vor.u32 v3, v4  }
0x1e4: {  	v4 =	vperm.xlane v3, v0;
	_ =	sdelay $0x1  }
0x1e5: {  	v4 =	vadd.s32 v1, v4;
	_ =	sdelay $0x3  }
0x1e6: {  	s0 =	simm.s32 $0x9480;
	v3 =	vperm.xlane v3, v2  }
0x1e7: {  	[tilespmem:s0], [sflag:$0x2] =	stream.indirect_vreg.gather [hbm4b:s2+s3], $0x80, v4, vm0, $0xb8;
	[tilespmem:$0x1B480] =	vst v63  }
0x1e8: {  	v3 =	vadd.s32 v1, v3  }
0x1e9: {  	[tilespmem:s21], [sflag:$0x2] =	stream.indirect_vreg.gather [hbm4b:s5+s3], $0x80, v4, vm0, $0xb8;
	[tilespmem:$0x1B480] =	vst v63  }
0x1ea: {  	_ = 	snop  }
0x1eb: {  	[tilespmem:s28], [sflag:$0x2] =	stream.indirect_vreg.gather [hbm4b:s6+s3], $0x80, v4, vm0, $0xb8;
	[tilespmem:$0x1B480] =	vst v63  }
0x1ec: {  	s1 =	simm.s32 $0xAC80  }
0x1ed: {  	[tilespmem:s1], [sflag:$0x2] =	stream.indirect_vreg.gather [hbm4b:s2+s3], $0x80, v3, vm0, $0xb8;
	[tilespmem:$0x1B480] =	vst v63  }
0x1ee: {  	_ = 	snop  }
0x1ef: {  	[tilespmem:s7], [sflag:$0x2] =	stream.indirect_vreg.gather [hbm4b:s5+s3], $0x80, v3, vm0, $0xb8;
	[tilespmem:$0x1B480] =	vst v63  }
0x1f0: {  	s0 =	simm.s32 $0xBC80  }
0x1f1: {  	[tilespmem:s0], [sflag:$0x2] =	stream.indirect_vreg.gather [hbm4b:s6+s3], $0x80, v3, vm0, $0xb8;
	[tilespmem:$0x1B480] =	vst v63  }
0x1f2: {  	v3 =	vld [tilespmem:$0x160];
	_ =	sdelay $0x4  }
0x1f3: {  	v14 =	vshrl.u32 v3, $0x3  }
0x1f4: {  	v4 =	vmul.u32 $0x30, v14  }
0x1f5: {  	v3 =	vand.u32 $0x7, v3  }
0x1f6: {  	v3 =	vor.u32 v3, v4  }
0x1f7: {  	v4 =	vperm.xlane v3, v0;
	_ =	sdelay $0x1  }
0x1f8: {  	v4 =	vadd.s32 v1, v4;
	_ =	sdelay $0x3  }
0x1f9: {  	s21 =	simm.s32 $0xC480;
	v3 =	vperm.xlane v3, v2  }
0x1fa: {  	[tilespmem:s21], [sflag:$0x2] =	stream.indirect_vreg.gather [hbm4b:s2+s3], $0x80, v4, vm0, $0xb8;
	[tilespmem:$0x1B480] =	vst v63  }
0x1fb: {  	s7 =	simm.s32 $0xCC80;
	v3 =	vadd.s32 v1, v3  }
0x1fc: {  	[tilespmem:s7], [sflag:$0x2] =	stream.indirect_vreg.gather [hbm4b:s5+s3], $0x80, v4, vm0, $0xb8;
	[tilespmem:$0x1B480] =	vst v63  }
0x1fd: {  	_ = 	snop  }
0x1fe: {  	[tilespmem:s9], [sflag:$0x2] =	stream.indirect_vreg.gather [hbm4b:s6+s3], $0x80, v4, vm0, $0xb8;
	[tilespmem:$0x1B480] =	vst v63  }
0x1ff: {  	_ = 	snop  }
0x200: {  	[tilespmem:s10], [sflag:$0x2] =	stream.indirect_vreg.gather [hbm4b:s2+s3], $0x80, v3, vm0, $0xb8;
	[tilespmem:$0x1B480] =	vst v63  }
0x201: {  	_ = 	snop  }
0x202: {  	[tilespmem:s11], [sflag:$0x2] =	stream.indirect_vreg.gather [hbm4b:s5+s3], $0x80, v3, vm0, $0xb8;
	[tilespmem:$0x1B480] =	vst v63  }
0x203: {  	s7 =	simm.s32 $0xEC80  }
0x204: {  	[tilespmem:s7], [sflag:$0x2] =	stream.indirect_vreg.gather [hbm4b:s6+s3], $0x80, v3, vm0, $0xb8;
	[tilespmem:$0x1B480] =	vst v63  }
0x205: {  	v3 =	vld [tilespmem:$0x170];
	_ =	sdelay $0x4  }
0x206: {  	v15 =	vshrl.u32 v3, $0x3  }
0x207: {  	v4 =	vmul.u32 $0x30, v15  }
0x208: {  	v3 =	vand.u32 $0x7, v3  }
0x209: {  	v3 =	vor.u32 v3, v4  }
0x20a: {  	v4 =	vperm.xlane v3, v0;
	_ =	sdelay $0x1  }
0x20b: {  	v4 =	vadd.s32 v1, v4;
	_ =	sdelay $0x3  }
0x20c: {  	s10 =	simm.s32 $0xF480;
	v3 =	vperm.xlane v3, v2  }
0x20d: {  	[tilespmem:s10], [sflag:$0x2] =	stream.indirect_vreg.gather [hbm4b:s2+s3], $0x80, v4, vm0, $0xb8;
	[tilespmem:$0x1B480] =	vst v63  }
0x20e: {  	v3 =	vadd.s32 v1, v3  }
0x20f: {  	[tilespmem:s12], [sflag:$0x2] =	stream.indirect_vreg.gather [hbm4b:s5+s3], $0x80, v4, vm0, $0xb8;
	[tilespmem:$0x1B480] =	vst v63  }
0x210: {  	_ = 	snop  }
0x211: {  	[tilespmem:s13], [sflag:$0x2] =	stream.indirect_vreg.gather [hbm4b:s6+s3], $0x80, v4, vm0, $0xb8;
	[tilespmem:$0x1B480] =	vst v63  }
0x212: {  	_ = 	snop  }
0x213: {  	[tilespmem:s14], [sflag:$0x2] =	stream.indirect_vreg.gather [hbm4b:s2+s3], $0x80, v3, vm0, $0xb8;
	[tilespmem:$0x1B480] =	vst v63  }
0x214: {  	_ = 	snop  }
0x215: {  	[tilespmem:s23], [sflag:$0x2] =	stream.indirect_vreg.gather [hbm4b:s5+s3], $0x80, v3, vm0, $0xb8;
	[tilespmem:$0x1B480] =	vst v63  }
0x216: {  	s9 =	simm.s32 $0x11C80  }
0x217: {  	[tilespmem:s9], [sflag:$0x2] =	stream.indirect_vreg.gather [hbm4b:s6+s3], $0x80, v3, vm0, $0xb8;
	[tilespmem:$0x1B480] =	vst v63  }
0x218: {  	_ =	swait.ge [sflag:s20], $0x9000  }
0x219: {  	[sflag:s20] =	ssyncset.done $0x0  }
0x21a: {  	[sflag:s20] =	ssyncadd.s32 $0xFFFF7000  }
0x21b: {  	_ =	swait.ge [sflag:s19], $0x9000  }
0x21c: {  	[sflag:s19] =	ssyncset.done $0x0  }
0x21d: {  	s4 =	simm.s32 $0x480;
	s12 =	rddreg [dreg:$0xa];
	[sflag:s19] =	ssyncadd.s32 $0xFFFF7000  }
0x21e: {  	[hbm4b:s12+s3] =	stream.linear.scatter [tilespmem:s4], [sflag:$0x4], $0x9000, $0x38;
	[tilespmem:$0x1B480] =	vst v63  }
0x21f: {  	v3 =	vld [tilespmem:$0x180];
	_ =	sdelay $0x4  }
0x220: {  	v16 =	vshrl.u32 v3, $0x3  }
0x221: {  	v4 =	vmul.u32 $0x30, v16  }
0x222: {  	v3 =	vand.u32 $0x7, v3  }
0x223: {  	v3 =	vor.u32 v3, v4  }
0x224: {  	v4 =	vperm.xlane v3, v0;
	_ =	sdelay $0x1  }
0x225: {  	v4 =	vadd.s32 v1, v4;
	_ =	sdelay $0x3  }
0x226: {  	s25 =	simm.s32 $0x12480;
	v3 =	vperm.xlane v3, v2  }
0x227: {  	[tilespmem:s25], [sflag:$0x3] =	stream.indirect_vreg.gather [hbm4b:s2+s3], $0x80, v4, vm0, $0xb8;
	[tilespmem:$0x1B480] =	vst v63  }
0x228: {  	s13 =	simm.s32 $0x12C80;
	v3 =	vadd.s32 v1, v3  }
0x229: {  	[tilespmem:s13], [sflag:$0x3] =	stream.indirect_vreg.gather [hbm4b:s5+s3], $0x80, v4, vm0, $0xb8;
	[tilespmem:$0x1B480] =	vst v63  }
0x22a: {  	s22 =	simm.s32 $0x13480  }
0x22b: {  	[tilespmem:s22], [sflag:$0x3] =	stream.indirect_vreg.gather [hbm4b:s6+s3], $0x80, v4, vm0, $0xb8;
	[tilespmem:$0x1B480] =	vst v63  }
0x22c: {  	s4 =	simm.s32 $0x13C80  }
0x22d: {  	[tilespmem:s4], [sflag:$0x3] =	stream.indirect_vreg.gather [hbm4b:s2+s3], $0x80, v3, vm0, $0xb8;
	[tilespmem:$0x1B480] =	vst v63  }
0x22e: {  	s11 =	simm.s32 $0x14480  }
0x22f: {  	[tilespmem:s11], [sflag:$0x3] =	stream.indirect_vreg.gather [hbm4b:s5+s3], $0x80, v3, vm0, $0xb8;
	[tilespmem:$0x1B480] =	vst v63  }
0x230: {  	s12 =	simm.s32 $0x14C80  }
0x231: {  	[tilespmem:s12], [sflag:$0x3] =	stream.indirect_vreg.gather [hbm4b:s6+s3], $0x80, v3, vm0, $0xb8;
	[tilespmem:$0x1B480] =	vst v63  }
0x232: {  	v3 =	vld [tilespmem:$0x190];
	_ =	sdelay $0x4  }
0x233: {  	v17 =	vshrl.u32 v3, $0x3  }
0x234: {  	v4 =	vmul.u32 $0x30, v17  }
0x235: {  	v3 =	vand.u32 $0x7, v3  }
0x236: {  	v3 =	vor.u32 v3, v4  }
0x237: {  	v4 =	vperm.xlane v3, v0;
	_ =	sdelay $0x1  }
0x238: {  	v4 =	vadd.s32 v1, v4;
	_ =	sdelay $0x3  }
0x239: {  	s13 =	simm.s32 $0x15480;
	v3 =	vperm.xlane v3, v2  }
0x23a: {  	[tilespmem:s13], [sflag:$0x3] =	stream.indirect_vreg.gather [hbm4b:s2+s3], $0x80, v4, vm0, $0xb8;
	[tilespmem:$0x1B480] =	vst v63  }
0x23b: {  	s22 =	simm.s32 $0x15C80;
	v3 =	vadd.s32 v1, v3  }
0x23c: {  	[tilespmem:s22], [sflag:$0x3] =	stream.indirect_vreg.gather [hbm4b:s5+s3], $0x80, v4, vm0, $0xb8;
	[tilespmem:$0x1B480] =	vst v63  }
0x23d: {  	s4 =	simm.s32 $0x16480  }
0x23e: {  	[tilespmem:s4], [sflag:$0x3] =	stream.indirect_vreg.gather [hbm4b:s6+s3], $0x80, v4, vm0, $0xb8;
	[tilespmem:$0x1B480] =	vst v63  }
0x23f: {  	s11 =	simm.s32 $0x16C80  }
0x240: {  	[tilespmem:s11], [sflag:$0x3] =	stream.indirect_vreg.gather [hbm4b:s2+s3], $0x80, v3, vm0, $0xb8;
	[tilespmem:$0x1B480] =	vst v63  }
0x241: {  	s12 =	simm.s32 $0x17480  }
0x242: {  	[tilespmem:s12], [sflag:$0x3] =	stream.indirect_vreg.gather [hbm4b:s5+s3], $0x80, v3, vm0, $0xb8;
	[tilespmem:$0x1B480] =	vst v63  }
0x243: {  	s13 =	simm.s32 $0x17C80  }
0x244: {  	[tilespmem:s13], [sflag:$0x3] =	stream.indirect_vreg.gather [hbm4b:s6+s3], $0x80, v3, vm0, $0xb8;
	[tilespmem:$0x1B480] =	vst v63  }
0x245: {  	v3 =	vld [tilespmem:$0x1A0];
	_ =	sdelay $0x4  }
0x246: {  	v18 =	vshrl.u32 v3, $0x3  }
0x247: {  	v4 =	vmul.u32 $0x30, v18  }
0x248: {  	v3 =	vand.u32 $0x7, v3  }
0x249: {  	v3 =	vor.u32 v3, v4  }
0x24a: {  	v4 =	vperm.xlane v3, v0;
	_ =	sdelay $0x1  }
0x24b: {  	v4 =	vadd.s32 v1, v4;
	_ =	sdelay $0x3  }
0x24c: {  	s22 =	simm.s32 $0x18480;
	v3 =	vperm.xlane v3, v2  }
0x24d: {  	[tilespmem:s22], [sflag:$0x3] =	stream.indirect_vreg.gather [hbm4b:s2+s3], $0x80, v4, vm0, $0xb8;
	[tilespmem:$0x1B480] =	vst v63  }
0x24e: {  	s4 =	simm.s32 $0x18C80;
	v3 =	vadd.s32 v1, v3  }
0x24f: {  	[tilespmem:s4], [sflag:$0x3] =	stream.indirect_vreg.gather [hbm4b:s5+s3], $0x80, v4, vm0, $0xb8;
	[tilespmem:$0x1B480] =	vst v63  }
0x250: {  	s11 =	simm.s32 $0x19480  }
0x251: {  	[tilespmem:s11], [sflag:$0x3] =	stream.indirect_vreg.gather [hbm4b:s6+s3], $0x80, v4, vm0, $0xb8;
	[tilespmem:$0x1B480] =	vst v63  }
0x252: {  	s12 =	simm.s32 $0x19C80  }
0x253: {  	[tilespmem:s12], [sflag:$0x3] =	stream.indirect_vreg.gather [hbm4b:s2+s3], $0x80, v3, vm0, $0xb8;
	[tilespmem:$0x1B480] =	vst v63  }
0x254: {  	s13 =	simm.s32 $0x1A480  }
0x255: {  	[tilespmem:s13], [sflag:$0x3] =	stream.indirect_vreg.gather [hbm4b:s5+s3], $0x80, v3, vm0, $0xb8;
	[tilespmem:$0x1B480] =	vst v63  }
0x256: {  	s22 =	simm.s32 $0x1AC80  }
0x257: {  	[tilespmem:s22], [sflag:$0x3] =	stream.indirect_vreg.gather [hbm4b:s6+s3], $0x80, v3, vm0, $0xb8;
	[tilespmem:$0x1B480] =	vst v63  }
0x258: {  	_ =	swait.ge [sflag:s15], $0x9000  }
0x259: {  	[sflag:s15] =	ssyncset.done $0x0  }
0x25a: {  	[sflag:s15] =	ssyncadd.s32 $0xFFFF7000  }
0x25b: {  	_ =	swait.ge [sflag:s16], $0x9000  }
0x25c: {  	[sflag:s16] =	ssyncset.done $0x0  }
0x25d: {  	s26 =	simm.s32 $0x9480;
	s4 =	rddreg [dreg:$0xb];
	[sflag:s16] =	ssyncadd.s32 $0xFFFF7000  }
0x25e: {  	[hbm4b:s4+s3] =	stream.linear.scatter [tilespmem:s26], [sflag:$0x5], $0x9000, $0x38;
	[tilespmem:$0x1B480] =	vst v63  }
0x25f: {  	v3 =	vld [tilespmem:$0x1B0];
	_ =	sdelay $0x4  }
0x260: {  	v19 =	vshrl.u32 v3, $0x3  }
0x261: {  	v4 =	vmul.u32 $0x30, v19  }
0x262: {  	v3 =	vand.u32 $0x7, v3  }
0x263: {  	v3 =	vor.u32 v3, v4  }
0x264: {  	v4 =	vperm.xlane v3, v0;
	_ =	sdelay $0x1  }
0x265: {  	v4 =	vadd.s32 v1, v4;
	_ =	sdelay $0x3  }
0x266: {  	s14 =	simm.s32 $0x480;
	v3 =	vperm.xlane v3, v2  }
0x267: {  	[tilespmem:s14], [sflag:$0x1] =	stream.indirect_vreg.gather [hbm4b:s2+s3], $0x80, v4, vm0, $0xb8;
	[tilespmem:$0x1B480] =	vst v63  }
0x268: {  	s11 =	simm.s32 $0xC80;
	v3 =	vadd.s32 v1, v3  }
0x269: {  	[tilespmem:s11], [sflag:$0x1] =	stream.indirect_vreg.gather [hbm4b:s5+s3], $0x80, v4, vm0, $0xb8;
	[tilespmem:$0x1B480] =	vst v63  }
0x26a: {  	s12 =	simm.s32 $0x1480  }
0x26b: {  	[tilespmem:s12], [sflag:$0x1] =	stream.indirect_vreg.gather [hbm4b:s6+s3], $0x80, v4, vm0, $0xb8;
	[tilespmem:$0x1B480] =	vst v63  }
0x26c: {  	s13 =	simm.s32 $0x1C80  }
0x26d: {  	[tilespmem:s13], [sflag:$0x1] =	stream.indirect_vreg.gather [hbm4b:s2+s3], $0x80, v3, vm0, $0xb8;
	[tilespmem:$0x1B480] =	vst v63  }
0x26e: {  	s22 =	simm.s32 $0x2480  }
0x26f: {  	[tilespmem:s22], [sflag:$0x1] =	stream.indirect_vreg.gather [hbm4b:s5+s3], $0x80, v3, vm0, $0xb8;
	[tilespmem:$0x1B480] =	vst v63  }
0x270: {  	s4 =	simm.s32 $0x2C80  }
0x271: {  	[tilespmem:s4], [sflag:$0x1] =	stream.indirect_vreg.gather [hbm4b:s6+s3], $0x80, v3, vm0, $0xb8;
	[tilespmem:$0x1B480] =	vst v63  }
0x272: {  	v3 =	vld [tilespmem:$0x1C0];
	_ =	sdelay $0x4  }
0x273: {  	v20 =	vshrl.u32 v3, $0x3  }
0x274: {  	v4 =	vmul.u32 $0x30, v20  }
0x275: {  	v3 =	vand.u32 $0x7, v3  }
0x276: {  	v3 =	vor.u32 v3, v4  }
0x277: {  	v4 =	vperm.xlane v3, v0;
	_ =	sdelay $0x1  }
0x278: {  	v4 =	vadd.s32 v1, v4;
	_ =	sdelay $0x3  }
0x279: {  	s11 =	simm.s32 $0x3480;
	v3 =	vperm.xlane v3, v2  }
0x27a: {  	[tilespmem:s11], [sflag:$0x1] =	stream.indirect_vreg.gather [hbm4b:s2+s3], $0x80, v4, vm0, $0xb8;
	[tilespmem:$0x1B480] =	vst v63  }
0x27b: {  	s12 =	simm.s32 $0x3C80;
	v3 =	vadd.s32 v1, v3  }
0x27c: {  	[tilespmem:s12], [sflag:$0x1] =	stream.indirect_vreg.gather [hbm4b:s5+s3], $0x80, v4, vm0, $0xb8;
	[tilespmem:$0x1B480] =	vst v63  }
0x27d: {  	s13 =	simm.s32 $0x4480  }
0x27e: {  	[tilespmem:s13], [sflag:$0x1] =	stream.indirect_vreg.gather [hbm4b:s6+s3], $0x80, v4, vm0, $0xb8;
	[tilespmem:$0x1B480] =	vst v63  }
0x27f: {  	s22 =	simm.s32 $0x4C80  }
0x280: {  	[tilespmem:s22], [sflag:$0x1] =	stream.indirect_vreg.gather [hbm4b:s2+s3], $0x80, v3, vm0, $0xb8;
	[tilespmem:$0x1B480] =	vst v63  }
0x281: {  	s1 =	simm.s32 $0x5480  }
0x282: {  	[tilespmem:s1], [sflag:$0x1] =	stream.indirect_vreg.gather [hbm4b:s5+s3], $0x80, v3, vm0, $0xb8;
	[tilespmem:$0x1B480] =	vst v63  }
0x283: {  	_ = 	snop  }
0x284: {  	[tilespmem:s8], [sflag:$0x1] =	stream.indirect_vreg.gather [hbm4b:s6+s3], $0x80, v3, vm0, $0xb8;
	[tilespmem:$0x1B480] =	vst v63  }
0x285: {  	v3 =	vld [tilespmem:$0x1D0];
	_ =	sdelay $0x4  }
0x286: {  	v21 =	vshrl.u32 v3, $0x3  }
0x287: {  	v4 =	vmul.u32 $0x30, v21  }
0x288: {  	v3 =	vand.u32 $0x7, v3  }
0x289: {  	v3 =	vor.u32 v3, v4  }
0x28a: {  	v4 =	vperm.xlane v3, v0;
	_ =	sdelay $0x1  }
0x28b: {  	v4 =	vadd.s32 v1, v4;
	_ =	sdelay $0x3  }
0x28c: {  	v3 =	vperm.xlane v3, v2  }
0x28d: {  	[tilespmem:s24], [sflag:$0x1] =	stream.indirect_vreg.gather [hbm4b:s2+s3], $0x80, v4, vm0, $0xb8;
	[tilespmem:$0x1B480] =	vst v63  }
0x28e: {  	s8 =	simm.s32 $0x6C80;
	v3 =	vadd.s32 v1, v3  }
0x28f: {  	[tilespmem:s8], [sflag:$0x1] =	stream.indirect_vreg.gather [hbm4b:s5+s3], $0x80, v4, vm0, $0xb8;
	[tilespmem:$0x1B480] =	vst v63  }
0x290: {  	s4 =	simm.s32 $0x7480  }
0x291: {  	[tilespmem:s4], [sflag:$0x1] =	stream.indirect_vreg.gather [hbm4b:s6+s3], $0x80, v4, vm0, $0xb8;
	[tilespmem:$0x1B480] =	vst v63  }
0x292: {  	s11 =	simm.s32 $0x7C80  }
0x293: {  	[tilespmem:s11], [sflag:$0x1] =	stream.indirect_vreg.gather [hbm4b:s2+s3], $0x80, v3, vm0, $0xb8;
	[tilespmem:$0x1B480] =	vst v63  }
0x294: {  	s12 =	simm.s32 $0x8480  }
0x295: {  	[tilespmem:s12], [sflag:$0x1] =	stream.indirect_vreg.gather [hbm4b:s5+s3], $0x80, v3, vm0, $0xb8;
	[tilespmem:$0x1B480] =	vst v63  }
0x296: {  	s13 =	simm.s32 $0x8C80  }
0x297: {  	[tilespmem:s13], [sflag:$0x1] =	stream.indirect_vreg.gather [hbm4b:s6+s3], $0x80, v3, vm0, $0xb8;
	[tilespmem:$0x1B480] =	vst v63  }
0x298: {  	_ =	swait.ge [sflag:s17], $0x9000  }
0x299: {  	[sflag:s17] =	ssyncset.done $0x0  }
0x29a: {  	[sflag:s17] =	ssyncadd.s32 $0xFFFF7000  }
0x29b: {  	_ =	swait.ge [sflag:s18], $0x9000  }
0x29c: {  	[sflag:s18] =	ssyncset.done $0x0  }
0x29d: {  	s22 =	rddreg [dreg:$0xc];
	[sflag:s18] =	ssyncadd.s32 $0xFFFF7000  }
0x29e: {  	[hbm4b:s22+s3] =	stream.linear.scatter [tilespmem:s25], [sflag:$0x6], $0x9000, $0x38;
	[tilespmem:$0x1B480] =	vst v63  }
0x29f: {  	v3 =	vld [tilespmem:$0x1E0];
	_ =	sdelay $0x4  }
0x2a0: {  	v22 =	vshrl.u32 v3, $0x3  }
0x2a1: {  	v4 =	vmul.u32 $0x30, v22  }
0x2a2: {  	v3 =	vand.u32 $0x7, v3  }
0x2a3: {  	v3 =	vor.u32 v3, v4  }
0x2a4: {  	v4 =	vperm.xlane v3, v0;
	_ =	sdelay $0x1  }
0x2a5: {  	v4 =	vadd.s32 v1, v4;
	_ =	sdelay $0x3  }
0x2a6: {  	v3 =	vperm.xlane v3, v2  }
0x2a7: {  	[tilespmem:s26], [sflag:$0x2] =	stream.indirect_vreg.gather [hbm4b:s2+s3], $0x80, v4, vm0, $0xb8;
	[tilespmem:$0x1B480] =	vst v63  }
0x2a8: {  	s22 =	simm.s32 $0x9C80;
	v3 =	vadd.s32 v1, v3  }
0x2a9: {  	[tilespmem:s22], [sflag:$0x2] =	stream.indirect_vreg.gather [hbm4b:s5+s3], $0x80, v4, vm0, $0xb8;
	[tilespmem:$0x1B480] =	vst v63  }
0x2aa: {  	s28 =	simm.s32 $0xA480  }
0x2ab: {  	[tilespmem:s28], [sflag:$0x2] =	stream.indirect_vreg.gather [hbm4b:s6+s3], $0x80, v4, vm0, $0xb8;
	[tilespmem:$0x1B480] =	vst v63  }
0x2ac: {  	s29 =	simm.s32 $0xAC80  }
0x2ad: {  	[tilespmem:s29], [sflag:$0x2] =	stream.indirect_vreg.gather [hbm4b:s2+s3], $0x80, v3, vm0, $0xb8;
	[tilespmem:$0x1B480] =	vst v63  }
0x2ae: {  	s30 =	simm.s32 $0xB480  }
0x2af: {  	[tilespmem:s30], [sflag:$0x2] =	stream.indirect_vreg.gather [hbm4b:s5+s3], $0x80, v3, vm0, $0xb8;
	[tilespmem:$0x1B480] =	vst v63  }
0x2b0: {  	_ = 	snop  }
0x2b1: {  	[tilespmem:s0], [sflag:$0x2] =	stream.indirect_vreg.gather [hbm4b:s6+s3], $0x80, v3, vm0, $0xb8;
	[tilespmem:$0x1B480] =	vst v63  }
0x2b2: {  	v3 =	vld [tilespmem:$0x1F0];
	_ =	sdelay $0x4  }
0x2b3: {  	v23 =	vshrl.u32 v3, $0x3  }
0x2b4: {  	v4 =	vmul.u32 $0x30, v23  }
0x2b5: {  	v3 =	vand.u32 $0x7, v3  }
0x2b6: {  	v3 =	vor.u32 v3, v4  }
0x2b7: {  	v4 =	vperm.xlane v3, v0;
	_ =	sdelay $0x1  }
0x2b8: {  	v4 =	vadd.s32 v1, v4;
	_ =	sdelay $0x3  }
0x2b9: {  	v3 =	vperm.xlane v3, v2  }
0x2ba: {  	[tilespmem:s21], [sflag:$0x2] =	stream.indirect_vreg.gather [hbm4b:s2+s3], $0x80, v4, vm0, $0xb8;
	[tilespmem:$0x1B480] =	vst v63  }
0x2bb: {  	s31 =	simm.s32 $0xCC80;
	v3 =	vadd.s32 v1, v3  }
0x2bc: {  	[tilespmem:s31], [sflag:$0x2] =	stream.indirect_vreg.gather [hbm4b:s5+s3], $0x80, v4, vm0, $0xb8;
	[tilespmem:$0x1B480] =	vst v63  }
0x2bd: {  	s22 =	simm.s32 $0xD480  }
0x2be: {  	[tilespmem:s22], [sflag:$0x2] =	stream.indirect_vreg.gather [hbm4b:s6+s3], $0x80, v4, vm0, $0xb8;
	[tilespmem:$0x1B480] =	vst v63  }
0x2bf: {  	s22 =	simm.s32 $0xDC80  }
0x2c0: {  	[tilespmem:s22], [sflag:$0x2] =	stream.indirect_vreg.gather [hbm4b:s2+s3], $0x80, v3, vm0, $0xb8;
	[tilespmem:$0x1B480] =	vst v63  }
0x2c1: {  	s22 =	simm.s32 $0xE480  }
0x2c2: {  	[tilespmem:s22], [sflag:$0x2] =	stream.indirect_vreg.gather [hbm4b:s5+s3], $0x80, v3, vm0, $0xb8;
	[tilespmem:$0x1B480] =	vst v63  }
0x2c3: {  	_ = 	snop  }
0x2c4: {  	[tilespmem:s7], [sflag:$0x2] =	stream.indirect_vreg.gather [hbm4b:s6+s3], $0x80, v3, vm0, $0xb8;
	[tilespmem:$0x1B480] =	vst v63  }
0x2c5: {  	v3 =	vld [tilespmem:$0x200];
	_ =	sdelay $0x4  }
0x2c6: {  	v24 =	vshrl.u32 v3, $0x3  }
0x2c7: {  	v4 =	vmul.u32 $0x30, v24  }
0x2c8: {  	v3 =	vand.u32 $0x7, v3  }
0x2c9: {  	v3 =	vor.u32 v3, v4  }
0x2ca: {  	v4 =	vperm.xlane v3, v0;
	_ =	sdelay $0x1  }
0x2cb: {  	v4 =	vadd.s32 v1, v4;
	_ =	sdelay $0x3  }
0x2cc: {  	v3 =	vperm.xlane v3, v2  }
0x2cd: {  	[tilespmem:s10], [sflag:$0x2] =	stream.indirect_vreg.gather [hbm4b:s2+s3], $0x80, v4, vm0, $0xb8;
	[tilespmem:$0x1B480] =	vst v63  }
0x2ce: {  	s22 =	simm.s32 $0xFC80;
	v3 =	vadd.s32 v1, v3  }
0x2cf: {  	[tilespmem:s22], [sflag:$0x2] =	stream.indirect_vreg.gather [hbm4b:s5+s3], $0x80, v4, vm0, $0xb8;
	[tilespmem:$0x1B480] =	vst v63  }
0x2d0: {  	s22 =	simm.s32 $0x10480  }
0x2d1: {  	[tilespmem:s22], [sflag:$0x2] =	stream.indirect_vreg.gather [hbm4b:s6+s3], $0x80, v4, vm0, $0xb8;
	[tilespmem:$0x1B480] =	vst v63  }
0x2d2: {  	s22 =	simm.s32 $0x10C80  }
0x2d3: {  	[tilespmem:s22], [sflag:$0x2] =	stream.indirect_vreg.gather [hbm4b:s2+s3], $0x80, v3, vm0, $0xb8;
	[tilespmem:$0x1B480] =	vst v63  }
0x2d4: {  	s23 =	simm.s32 $0x11480  }
0x2d5: {  	[tilespmem:s23], [sflag:$0x2] =	stream.indirect_vreg.gather [hbm4b:s5+s3], $0x80, v3, vm0, $0xb8;
	[tilespmem:$0x1B480] =	vst v63  }
0x2d6: {  	_ = 	snop  }
0x2d7: {  	[tilespmem:s9], [sflag:$0x2] =	stream.indirect_vreg.gather [hbm4b:s6+s3], $0x80, v3, vm0, $0xb8;
	[tilespmem:$0x1B480] =	vst v63  }
0x2d8: {  	_ =	swait.ge [sflag:s20], $0x9000  }
0x2d9: {  	[sflag:s20] =	ssyncset.done $0x0  }
0x2da: {  	[sflag:s20] =	ssyncadd.s32 $0xFFFF7000  }
0x2db: {  	_ =	swait.ge [sflag:s19], $0x9000  }
0x2dc: {  	[sflag:s19] =	ssyncset.done $0x0  }
0x2dd: {  	s22 =	rddreg [dreg:$0xd];
	[sflag:s19] =	ssyncadd.s32 $0xFFFF7000  }
0x2de: {  	[hbm4b:s22+s3] =	stream.linear.scatter [tilespmem:s14], [sflag:$0x4], $0x9000, $0x38;
	[tilespmem:$0x1B480] =	vst v63  }
0x2df: {  	v3 =	vld [tilespmem:$0x210];
	_ =	sdelay $0x4  }
0x2e0: {  	v25 =	vshrl.u32 v3, $0x3  }
0x2e1: {  	v4 =	vmul.u32 $0x30, v25  }
0x2e2: {  	v3 =	vand.u32 $0x7, v3  }
0x2e3: {  	v3 =	vor.u32 v3, v4  }
0x2e4: {  	v4 =	vperm.xlane v3, v0;
	_ =	sdelay $0x1  }
0x2e5: {  	v4 =	vadd.s32 v1, v4;
	_ =	sdelay $0x3  }
0x2e6: {  	v3 =	vperm.xlane v3, v2  }
0x2e7: {  	[tilespmem:s25], [sflag:$0x3] =	stream.indirect_vreg.gather [hbm4b:s2+s3], $0x80, v4, vm0, $0xb8;
	[tilespmem:$0x1B480] =	vst v63  }
0x2e8: {  	s22 =	simm.s32 $0x12C80;
	v3 =	vadd.s32 v1, v3  }
0x2e9: {  	[tilespmem:s22], [sflag:$0x3] =	stream.indirect_vreg.gather [hbm4b:s5+s3], $0x80, v4, vm0, $0xb8;
	[tilespmem:$0x1B480] =	vst v63  }
0x2ea: {  	s22 =	simm.s32 $0x13480  }
0x2eb: {  	[tilespmem:s22], [sflag:$0x3] =	stream.indirect_vreg.gather [hbm4b:s6+s3], $0x80, v4, vm0, $0xb8;
	[tilespmem:$0x1B480] =	vst v63  }
0x2ec: {  	s22 =	simm.s32 $0x13C80  }
0x2ed: {  	[tilespmem:s22], [sflag:$0x3] =	stream.indirect_vreg.gather [hbm4b:s2+s3], $0x80, v3, vm0, $0xb8;
	[tilespmem:$0x1B480] =	vst v63  }
0x2ee: {  	s22 =	simm.s32 $0x14480  }
0x2ef: {  	[tilespmem:s22], [sflag:$0x3] =	stream.indirect_vreg.gather [hbm4b:s5+s3], $0x80, v3, vm0, $0xb8;
	[tilespmem:$0x1B480] =	vst v63  }
0x2f0: {  	s22 =	simm.s32 $0x14C80  }
0x2f1: {  	[tilespmem:s22], [sflag:$0x3] =	stream.indirect_vreg.gather [hbm4b:s6+s3], $0x80, v3, vm0, $0xb8;
	[tilespmem:$0x1B480] =	vst v63  }
0x2f2: {  	v3 =	vld [tilespmem:$0x220];
	_ =	sdelay $0x4  }
0x2f3: {  	v26 =	vshrl.u32 v3, $0x3  }
0x2f4: {  	v4 =	vmul.u32 $0x30, v26  }
0x2f5: {  	v3 =	vand.u32 $0x7, v3  }
0x2f6: {  	v3 =	vor.u32 v3, v4  }
0x2f7: {  	v4 =	vperm.xlane v3, v0;
	_ =	sdelay $0x1  }
0x2f8: {  	v4 =	vadd.s32 v1, v4;
	_ =	sdelay $0x3  }
0x2f9: {  	s22 =	simm.s32 $0x15480;
	v3 =	vperm.xlane v3, v2  }
0x2fa: {  	[tilespmem:s22], [sflag:$0x3] =	stream.indirect_vreg.gather [hbm4b:s2+s3], $0x80, v4, vm0, $0xb8;
	[tilespmem:$0x1B480] =	vst v63  }
0x2fb: {  	v3 =	vadd.s32 v1, v3;
	s22 =	simm.s32 $0x15C80  }
0x2fc: {  	[tilespmem:s22], [sflag:$0x3] =	stream.indirect_vreg.gather [hbm4b:s5+s3], $0x80, v4, vm0, $0xb8;
	[tilespmem:$0x1B480] =	vst v63  }
0x2fd: {  	s22 =	simm.s32 $0x16480  }
0x2fe: {  	[tilespmem:s22], [sflag:$0x3] =	stream.indirect_vreg.gather [hbm4b:s6+s3], $0x80, v4, vm0, $0xb8;
	[tilespmem:$0x1B480] =	vst v63  }
0x2ff: {  	s22 =	simm.s32 $0x16C80  }
0x300: {  	[tilespmem:s22], [sflag:$0x3] =	stream.indirect_vreg.gather [hbm4b:s2+s3], $0x80, v3, vm0, $0xb8;
	[tilespmem:$0x1B480] =	vst v63  }
0x301: {  	s22 =	simm.s32 $0x17480  }
0x302: {  	[tilespmem:s22], [sflag:$0x3] =	stream.indirect_vreg.gather [hbm4b:s5+s3], $0x80, v3, vm0, $0xb8;
	[tilespmem:$0x1B480] =	vst v63  }
0x303: {  	s22 =	simm.s32 $0x17C80  }
0x304: {  	[tilespmem:s22], [sflag:$0x3] =	stream.indirect_vreg.gather [hbm4b:s6+s3], $0x80, v3, vm0, $0xb8;
	[tilespmem:$0x1B480] =	vst v63  }
0x305: {  	v3 =	vld [tilespmem:$0x230];
	_ =	sdelay $0x4  }
0x306: {  	v27 =	vshrl.u32 v3, $0x3  }
0x307: {  	v4 =	vmul.u32 $0x30, v27  }
0x308: {  	v3 =	vand.u32 $0x7, v3  }
0x309: {  	v3 =	vor.u32 v3, v4  }
0x30a: {  	v4 =	vperm.xlane v3, v0;
	_ =	sdelay $0x1  }
0x30b: {  	v4 =	vadd.s32 v1, v4;
	_ =	sdelay $0x3  }
0x30c: {  	s22 =	simm.s32 $0x18480;
	v3 =	vperm.xlane v3, v2  }
0x30d: {  	[tilespmem:s22], [sflag:$0x3] =	stream.indirect_vreg.gather [hbm4b:s2+s3], $0x80, v4, vm0, $0xb8;
	[tilespmem:$0x1B480] =	vst v63  }
0x30e: {  	v3 =	vadd.s32 v1, v3;
	s22 =	simm.s32 $0x18C80  }
0x30f: {  	[tilespmem:s22], [sflag:$0x3] =	stream.indirect_vreg.gather [hbm4b:s5+s3], $0x80, v4, vm0, $0xb8;
	[tilespmem:$0x1B480] =	vst v63  }
0x310: {  	s22 =	simm.s32 $0x19480  }
0x311: {  	[tilespmem:s22], [sflag:$0x3] =	stream.indirect_vreg.gather [hbm4b:s6+s3], $0x80, v4, vm0, $0xb8;
	[tilespmem:$0x1B480] =	vst v63  }
0x312: {  	s22 =	simm.s32 $0x19C80  }
0x313: {  	[tilespmem:s22], [sflag:$0x3] =	stream.indirect_vreg.gather [hbm4b:s2+s3], $0x80, v3, vm0, $0xb8;
	[tilespmem:$0x1B480] =	vst v63  }
0x314: {  	s22 =	simm.s32 $0x1A480  }
0x315: {  	[tilespmem:s22], [sflag:$0x3] =	stream.indirect_vreg.gather [hbm4b:s5+s3], $0x80, v3, vm0, $0xb8;
	[tilespmem:$0x1B480] =	vst v63  }
0x316: {  	s22 =	simm.s32 $0x1AC80  }
0x317: {  	[tilespmem:s22], [sflag:$0x3] =	stream.indirect_vreg.gather [hbm4b:s6+s3], $0x80, v3, vm0, $0xb8;
	[tilespmem:$0x1B480] =	vst v63  }
0x318: {  	_ =	swait.ge [sflag:s15], $0x9000  }
0x319: {  	[sflag:s15] =	ssyncset.done $0x0  }
0x31a: {  	[sflag:s15] =	ssyncadd.s32 $0xFFFF7000  }
0x31b: {  	_ =	swait.ge [sflag:s16], $0x9000  }
0x31c: {  	[sflag:s16] =	ssyncset.done $0x0  }
0x31d: {  	s22 =	rddreg [dreg:$0xe];
	[sflag:s16] =	ssyncadd.s32 $0xFFFF7000  }
0x31e: {  	[hbm4b:s22+s3] =	stream.linear.scatter [tilespmem:s26], [sflag:$0x5], $0x9000, $0x38;
	[tilespmem:$0x1B480] =	vst v63  }
0x31f: {  	v3 =	vld [tilespmem:$0x240];
	_ =	sdelay $0x4  }
0x320: {  	v28 =	vshrl.u32 v3, $0x3  }
0x321: {  	v4 =	vmul.u32 $0x30, v28  }
0x322: {  	v3 =	vand.u32 $0x7, v3  }
0x323: {  	v3 =	vor.u32 v3, v4  }
0x324: {  	v4 =	vperm.xlane v3, v0;
	_ =	sdelay $0x1  }
0x325: {  	v4 =	vadd.s32 v1, v4;
	_ =	sdelay $0x3  }
0x326: {  	v3 =	vperm.xlane v3, v2  }
0x327: {  	[tilespmem:s14], [sflag:$0x1] =	stream.indirect_vreg.gather [hbm4b:s2+s3], $0x80, v4, vm0, $0xb8;
	[tilespmem:$0x1B480] =	vst v63  }
0x328: {  	s22 =	simm.s32 $0xC80;
	v3 =	vadd.s32 v1, v3  }
0x329: {  	[tilespmem:s22], [sflag:$0x1] =	stream.indirect_vreg.gather [hbm4b:s5+s3], $0x80, v4, vm0, $0xb8;
	[tilespmem:$0x1B480] =	vst v63  }
0x32a: {  	s22 =	simm.s32 $0x1480  }
0x32b: {  	[tilespmem:s22], [sflag:$0x1] =	stream.indirect_vreg.gather [hbm4b:s6+s3], $0x80, v4, vm0, $0xb8;
	[tilespmem:$0x1B480] =	vst v63  }
0x32c: {  	s22 =	simm.s32 $0x1C80  }
0x32d: {  	[tilespmem:s22], [sflag:$0x1] =	stream.indirect_vreg.gather [hbm4b:s2+s3], $0x80, v3, vm0, $0xb8;
	[tilespmem:$0x1B480] =	vst v63  }
0x32e: {  	s22 =	simm.s32 $0x2480  }
0x32f: {  	[tilespmem:s22], [sflag:$0x1] =	stream.indirect_vreg.gather [hbm4b:s5+s3], $0x80, v3, vm0, $0xb8;
	[tilespmem:$0x1B480] =	vst v63  }
0x330: {  	s22 =	simm.s32 $0x2C80  }
0x331: {  	[tilespmem:s22], [sflag:$0x1] =	stream.indirect_vreg.gather [hbm4b:s6+s3], $0x80, v3, vm0, $0xb8;
	[tilespmem:$0x1B480] =	vst v63  }
0x332: {  	v3 =	vld [tilespmem:$0x250];
	_ =	sdelay $0x4  }
0x333: {  	v29 =	vshrl.u32 v3, $0x3  }
0x334: {  	v4 =	vmul.u32 $0x30, v29  }
0x335: {  	v3 =	vand.u32 $0x7, v3  }
0x336: {  	v3 =	vor.u32 v3, v4  }
0x337: {  	v4 =	vperm.xlane v3, v0;
	_ =	sdelay $0x1  }
0x338: {  	v4 =	vadd.s32 v1, v4;
	_ =	sdelay $0x3  }
0x339: {  	s22 =	simm.s32 $0x3480;
	v3 =	vperm.xlane v3, v2  }
0x33a: {  	[tilespmem:s22], [sflag:$0x1] =	stream.indirect_vreg.gather [hbm4b:s2+s3], $0x80, v4, vm0, $0xb8;
	[tilespmem:$0x1B480] =	vst v63  }
0x33b: {  	v3 =	vadd.s32 v1, v3;
	s22 =	simm.s32 $0x3C80  }
0x33c: {  	[tilespmem:s22], [sflag:$0x1] =	stream.indirect_vreg.gather [hbm4b:s5+s3], $0x80, v4, vm0, $0xb8;
	[tilespmem:$0x1B480] =	vst v63  }
0x33d: {  	s22 =	simm.s32 $0x4480  }
0x33e: {  	[tilespmem:s22], [sflag:$0x1] =	stream.indirect_vreg.gather [hbm4b:s6+s3], $0x80, v4, vm0, $0xb8;
	[tilespmem:$0x1B480] =	vst v63  }
0x33f: {  	s22 =	simm.s32 $0x4C80  }
0x340: {  	[tilespmem:s22], [sflag:$0x1] =	stream.indirect_vreg.gather [hbm4b:s2+s3], $0x80, v3, vm0, $0xb8;
	[tilespmem:$0x1B480] =	vst v63  }
0x341: {  	_ = 	snop  }
0x342: {  	[tilespmem:s1], [sflag:$0x1] =	stream.indirect_vreg.gather [hbm4b:s5+s3], $0x80, v3, vm0, $0xb8;
	[tilespmem:$0x1B480] =	vst v63  }
0x343: {  	s22 =	simm.s32 $0x5C80  }
0x344: {  	[tilespmem:s22], [sflag:$0x1] =	stream.indirect_vreg.gather [hbm4b:s6+s3], $0x80, v3, vm0, $0xb8;
	[tilespmem:$0x1B480] =	vst v63  }
0x345: {  	v3 =	vld [tilespmem:$0x260];
	_ =	sdelay $0x4  }
0x346: {  	v30 =	vshrl.u32 v3, $0x3  }
0x347: {  	v4 =	vmul.u32 $0x30, v30  }
0x348: {  	v3 =	vand.u32 $0x7, v3  }
0x349: {  	v3 =	vor.u32 v3, v4  }
0x34a: {  	v4 =	vperm.xlane v3, v0;
	_ =	sdelay $0x1  }
0x34b: {  	v4 =	vadd.s32 v1, v4;
	_ =	sdelay $0x3  }
0x34c: {  	s24 =	simm.s32 $0x6480;
	v3 =	vperm.xlane v3, v2  }
0x34d: {  	[tilespmem:s24], [sflag:$0x1] =	stream.indirect_vreg.gather [hbm4b:s2+s3], $0x80, v4, vm0, $0xb8;
	[tilespmem:$0x1B480] =	vst v63  }
0x34e: {  	v3 =	vadd.s32 v1, v3  }
0x34f: {  	[tilespmem:s8], [sflag:$0x1] =	stream.indirect_vreg.gather [hbm4b:s5+s3], $0x80, v4, vm0, $0xb8;
	[tilespmem:$0x1B480] =	vst v63  }
0x350: {  	_ = 	snop  }
0x351: {  	[tilespmem:s4], [sflag:$0x1] =	stream.indirect_vreg.gather [hbm4b:s6+s3], $0x80, v4, vm0, $0xb8;
	[tilespmem:$0x1B480] =	vst v63  }
0x352: {  	_ = 	snop  }
0x353: {  	[tilespmem:s11], [sflag:$0x1] =	stream.indirect_vreg.gather [hbm4b:s2+s3], $0x80, v3, vm0, $0xb8;
	[tilespmem:$0x1B480] =	vst v63  }
0x354: {  	_ = 	snop  }
0x355: {  	[tilespmem:s12], [sflag:$0x1] =	stream.indirect_vreg.gather [hbm4b:s5+s3], $0x80, v3, vm0, $0xb8;
	[tilespmem:$0x1B480] =	vst v63  }
0x356: {  	_ = 	snop  }
0x357: {  	[tilespmem:s13], [sflag:$0x1] =	stream.indirect_vreg.gather [hbm4b:s6+s3], $0x80, v3, vm0, $0xb8;
	[tilespmem:$0x1B480] =	vst v63  }
0x358: {  	_ =	swait.ge [sflag:s17], $0x9000  }
0x359: {  	[sflag:s17] =	ssyncset.done $0x0  }
0x35a: {  	[sflag:s17] =	ssyncadd.s32 $0xFFFF7000  }
0x35b: {  	_ =	swait.ge [sflag:s18], $0x9000  }
0x35c: {  	[sflag:s18] =	ssyncset.done $0x0  }
0x35d: {  	s22 =	rddreg [dreg:$0xf];
	[sflag:s18] =	ssyncadd.s32 $0xFFFF7000  }
0x35e: {  	[hbm4b:s22+s3] =	stream.linear.scatter [tilespmem:s25], [sflag:$0x6], $0x9000, $0x38;
	[tilespmem:$0x1B480] =	vst v63  }
0x35f: {  	v3 =	vld [tilespmem:$0x270];
	_ =	sdelay $0x4  }
0x360: {  	v31 =	vshrl.u32 v3, $0x3  }
0x361: {  	v4 =	vmul.u32 $0x30, v31  }
0x362: {  	v3 =	vand.u32 $0x7, v3  }
0x363: {  	v3 =	vor.u32 v3, v4  }
0x364: {  	v4 =	vperm.xlane v3, v0;
	_ =	sdelay $0x1  }
0x365: {  	v4 =	vadd.s32 v1, v4;
	_ =	sdelay $0x3  }
0x366: {  	v3 =	vperm.xlane v3, v2  }
0x367: {  	[tilespmem:s26], [sflag:$0x2] =	stream.indirect_vreg.gather [hbm4b:s2+s3], $0x80, v4, vm0, $0xb8;
	[tilespmem:$0x1B480] =	vst v63  }
0x368: {  	s22 =	simm.s32 $0x9C80;
	v3 =	vadd.s32 v1, v3  }
0x369: {  	[tilespmem:s22], [sflag:$0x2] =	stream.indirect_vreg.gather [hbm4b:s5+s3], $0x80, v4, vm0, $0xb8;
	[tilespmem:$0x1B480] =	vst v63  }
0x36a: {  	s28 =	simm.s32 $0xA480  }
0x36b: {  	[tilespmem:s28], [sflag:$0x2] =	stream.indirect_vreg.gather [hbm4b:s6+s3], $0x80, v4, vm0, $0xb8;
	[tilespmem:$0x1B480] =	vst v63  }
0x36c: {  	s29 =	simm.s32 $0xAC80  }
0x36d: {  	[tilespmem:s29], [sflag:$0x2] =	stream.indirect_vreg.gather [hbm4b:s2+s3], $0x80, v3, vm0, $0xb8;
	[tilespmem:$0x1B480] =	vst v63  }
0x36e: {  	s30 =	simm.s32 $0xB480  }
0x36f: {  	[tilespmem:s30], [sflag:$0x2] =	stream.indirect_vreg.gather [hbm4b:s5+s3], $0x80, v3, vm0, $0xb8;
	[tilespmem:$0x1B480] =	vst v63  }
0x370: {  	s0 =	simm.s32 $0xBC80  }
0x371: {  	[tilespmem:s0], [sflag:$0x2] =	stream.indirect_vreg.gather [hbm4b:s6+s3], $0x80, v3, vm0, $0xb8;
	[tilespmem:$0x1B480] =	vst v63  }
0x372: {  	v3 =	vld [tilespmem:$0x280];
	_ =	sdelay $0x4  }
0x373: {  	v32 =	vshrl.u32 v3, $0x3  }
0x374: {  	v4 =	vmul.u32 $0x30, v32  }
0x375: {  	v3 =	vand.u32 $0x7, v3  }
0x376: {  	v3 =	vor.u32 v3, v4  }
0x377: {  	v4 =	vperm.xlane v3, v0;
	_ =	sdelay $0x1  }
0x378: {  	v4 =	vadd.s32 v1, v4;
	_ =	sdelay $0x3  }
0x379: {  	s21 =	simm.s32 $0xC480;
	v3 =	vperm.xlane v3, v2  }
0x37a: {  	[tilespmem:s21], [sflag:$0x2] =	stream.indirect_vreg.gather [hbm4b:s2+s3], $0x80, v4, vm0, $0xb8;
	[tilespmem:$0x1B480] =	vst v63  }
0x37b: {  	s31 =	simm.s32 $0xCC80;
	v3 =	vadd.s32 v1, v3  }
0x37c: {  	[tilespmem:s31], [sflag:$0x2] =	stream.indirect_vreg.gather [hbm4b:s5+s3], $0x80, v4, vm0, $0xb8;
	[tilespmem:$0x1B480] =	vst v63  }
0x37d: {  	s22 =	simm.s32 $0xD480  }
0x37e: {  	[tilespmem:s22], [sflag:$0x2] =	stream.indirect_vreg.gather [hbm4b:s6+s3], $0x80, v4, vm0, $0xb8;
	[tilespmem:$0x1B480] =	vst v63  }
0x37f: {  	s22 =	simm.s32 $0xDC80  }
0x380: {  	[tilespmem:s22], [sflag:$0x2] =	stream.indirect_vreg.gather [hbm4b:s2+s3], $0x80, v3, vm0, $0xb8;
	[tilespmem:$0x1B480] =	vst v63  }
0x381: {  	s22 =	simm.s32 $0xE480  }
0x382: {  	[tilespmem:s22], [sflag:$0x2] =	stream.indirect_vreg.gather [hbm4b:s5+s3], $0x80, v3, vm0, $0xb8;
	[tilespmem:$0x1B480] =	vst v63  }
0x383: {  	s7 =	simm.s32 $0xEC80  }
0x384: {  	[tilespmem:s7], [sflag:$0x2] =	stream.indirect_vreg.gather [hbm4b:s6+s3], $0x80, v3, vm0, $0xb8;
	[tilespmem:$0x1B480] =	vst v63  }
0x385: {  	v3 =	vld [tilespmem:$0x290];
	_ =	sdelay $0x4  }
0x386: {  	v33 =	vshrl.u32 v3, $0x3  }
0x387: {  	v4 =	vmul.u32 $0x30, v33  }
0x388: {  	v3 =	vand.u32 $0x7, v3  }
0x389: {  	v3 =	vor.u32 v3, v4  }
0x38a: {  	v4 =	vperm.xlane v3, v0;
	_ =	sdelay $0x1  }
0x38b: {  	v4 =	vadd.s32 v1, v4;
	_ =	sdelay $0x3  }
0x38c: {  	s10 =	simm.s32 $0xF480;
	v3 =	vperm.xlane v3, v2  }
0x38d: {  	[tilespmem:s10], [sflag:$0x2] =	stream.indirect_vreg.gather [hbm4b:s2+s3], $0x80, v4, vm0, $0xb8;
	[tilespmem:$0x1B480] =	vst v63  }
0x38e: {  	s22 =	simm.s32 $0xFC80;
	v3 =	vadd.s32 v1, v3  }
0x38f: {  	[tilespmem:s22], [sflag:$0x2] =	stream.indirect_vreg.gather [hbm4b:s5+s3], $0x80, v4, vm0, $0xb8;
	[tilespmem:$0x1B480] =	vst v63  }
0x390: {  	s22 =	simm.s32 $0x10480  }
0x391: {  	[tilespmem:s22], [sflag:$0x2] =	stream.indirect_vreg.gather [hbm4b:s6+s3], $0x80, v4, vm0, $0xb8;
	[tilespmem:$0x1B480] =	vst v63  }
0x392: {  	s22 =	simm.s32 $0x10C80  }
0x393: {  	[tilespmem:s22], [sflag:$0x2] =	stream.indirect_vreg.gather [hbm4b:s2+s3], $0x80, v3, vm0, $0xb8;
	[tilespmem:$0x1B480] =	vst v63  }
0x394: {  	s23 =	simm.s32 $0x11480  }
0x395: {  	[tilespmem:s23], [sflag:$0x2] =	stream.indirect_vreg.gather [hbm4b:s5+s3], $0x80, v3, vm0, $0xb8;
	[tilespmem:$0x1B480] =	vst v63  }
0x396: {  	s9 =	simm.s32 $0x11C80  }
0x397: {  	[tilespmem:s9], [sflag:$0x2] =	stream.indirect_vreg.gather [hbm4b:s6+s3], $0x80, v3, vm0, $0xb8;
	[tilespmem:$0x1B480] =	vst v63  }
0x398: {  	_ =	swait.ge [sflag:s20], $0x9000  }
0x399: {  	[sflag:s20] =	ssyncset.done $0x0  }
0x39a: {  	[sflag:s20] =	ssyncadd.s32 $0xFFFF7000  }
0x39b: {  	_ =	swait.ge [sflag:s19], $0x9000  }
0x39c: {  	[sflag:s19] =	ssyncset.done $0x0  }
0x39d: {  	s22 =	rddreg [dreg:$0x10];
	[sflag:s19] =	ssyncadd.s32 $0xFFFF7000  }
0x39e: {  	[hbm4b:s22+s3] =	stream.linear.scatter [tilespmem:s14], [sflag:$0x4], $0x9000, $0x38;
	[tilespmem:$0x1B480] =	vst v63  }
0x39f: {  	v3 =	vld [tilespmem:$0x2A0];
	_ =	sdelay $0x4  }
0x3a0: {  	v34 =	vshrl.u32 v3, $0x3  }
0x3a1: {  	v4 =	vmul.u32 $0x30, v34  }
0x3a2: {  	v3 =	vand.u32 $0x7, v3  }
0x3a3: {  	v3 =	vor.u32 v3, v4  }
0x3a4: {  	v4 =	vperm.xlane v3, v0;
	_ =	sdelay $0x1  }
0x3a5: {  	v4 =	vadd.s32 v1, v4;
	_ =	sdelay $0x3  }
0x3a6: {  	v3 =	vperm.xlane v3, v2  }
0x3a7: {  	[tilespmem:s25], [sflag:$0x3] =	stream.indirect_vreg.gather [hbm4b:s2+s3], $0x80, v4, vm0, $0xb8;
	[tilespmem:$0x1B480] =	vst v63  }
0x3a8: {  	s22 =	simm.s32 $0x12C80;
	v3 =	vadd.s32 v1, v3  }
0x3a9: {  	[tilespmem:s22], [sflag:$0x3] =	stream.indirect_vreg.gather [hbm4b:s5+s3], $0x80, v4, vm0, $0xb8;
	[tilespmem:$0x1B480] =	vst v63  }
0x3aa: {  	s22 =	simm.s32 $0x13480  }
0x3ab: {  	[tilespmem:s22], [sflag:$0x3] =	stream.indirect_vreg.gather [hbm4b:s6+s3], $0x80, v4, vm0, $0xb8;
	[tilespmem:$0x1B480] =	vst v63  }
0x3ac: {  	s22 =	simm.s32 $0x13C80  }
0x3ad: {  	[tilespmem:s22], [sflag:$0x3] =	stream.indirect_vreg.gather [hbm4b:s2+s3], $0x80, v3, vm0, $0xb8;
	[tilespmem:$0x1B480] =	vst v63  }
0x3ae: {  	s22 =	simm.s32 $0x14480  }
0x3af: {  	[tilespmem:s22], [sflag:$0x3] =	stream.indirect_vreg.gather [hbm4b:s5+s3], $0x80, v3, vm0, $0xb8;
	[tilespmem:$0x1B480] =	vst v63  }
0x3b0: {  	s22 =	simm.s32 $0x14C80  }
0x3b1: {  	[tilespmem:s22], [sflag:$0x3] =	stream.indirect_vreg.gather [hbm4b:s6+s3], $0x80, v3, vm0, $0xb8;
	[tilespmem:$0x1B480] =	vst v63  }
0x3b2: {  	v3 =	vld [tilespmem:$0x2B0];
	_ =	sdelay $0x4  }
0x3b3: {  	v35 =	vshrl.u32 v3, $0x3  }
0x3b4: {  	v4 =	vmul.u32 $0x30, v35  }
0x3b5: {  	v3 =	vand.u32 $0x7, v3  }
0x3b6: {  	v3 =	vor.u32 v3, v4  }
0x3b7: {  	v4 =	vperm.xlane v3, v0;
	_ =	sdelay $0x1  }
0x3b8: {  	v4 =	vadd.s32 v1, v4;
	_ =	sdelay $0x3  }
0x3b9: {  	s22 =	simm.s32 $0x15480;
	v3 =	vperm.xlane v3, v2  }
0x3ba: {  	[tilespmem:s22], [sflag:$0x3] =	stream.indirect_vreg.gather [hbm4b:s2+s3], $0x80, v4, vm0, $0xb8;
	[tilespmem:$0x1B480] =	vst v63  }
0x3bb: {  	v3 =	vadd.s32 v1, v3;
	s22 =	simm.s32 $0x15C80  }
0x3bc: {  	[tilespmem:s22], [sflag:$0x3] =	stream.indirect_vreg.gather [hbm4b:s5+s3], $0x80, v4, vm0, $0xb8;
	[tilespmem:$0x1B480] =	vst v63  }
0x3bd: {  	s22 =	simm.s32 $0x16480  }
0x3be: {  	[tilespmem:s22], [sflag:$0x3] =	stream.indirect_vreg.gather [hbm4b:s6+s3], $0x80, v4, vm0, $0xb8;
	[tilespmem:$0x1B480] =	vst v63  }
0x3bf: {  	s22 =	simm.s32 $0x16C80  }
0x3c0: {  	[tilespmem:s22], [sflag:$0x3] =	stream.indirect_vreg.gather [hbm4b:s2+s3], $0x80, v3, vm0, $0xb8;
	[tilespmem:$0x1B480] =	vst v63  }
0x3c1: {  	s22 =	simm.s32 $0x17480  }
0x3c2: {  	[tilespmem:s22], [sflag:$0x3] =	stream.indirect_vreg.gather [hbm4b:s5+s3], $0x80, v3, vm0, $0xb8;
	[tilespmem:$0x1B480] =	vst v63  }
0x3c3: {  	s22 =	simm.s32 $0x17C80  }
0x3c4: {  	[tilespmem:s22], [sflag:$0x3] =	stream.indirect_vreg.gather [hbm4b:s6+s3], $0x80, v3, vm0, $0xb8;
	[tilespmem:$0x1B480] =	vst v63  }
0x3c5: {  	v3 =	vld [tilespmem:$0x2C0];
	_ =	sdelay $0x4  }
0x3c6: {  	v36 =	vshrl.u32 v3, $0x3  }
0x3c7: {  	v4 =	vmul.u32 $0x30, v36  }
0x3c8: {  	v3 =	vand.u32 $0x7, v3  }
0x3c9: {  	v3 =	vor.u32 v3, v4  }
0x3ca: {  	v4 =	vperm.xlane v3, v0;
	_ =	sdelay $0x1  }
0x3cb: {  	v4 =	vadd.s32 v1, v4;
	_ =	sdelay $0x3  }
0x3cc: {  	s22 =	simm.s32 $0x18480;
	v3 =	vperm.xlane v3, v2  }
0x3cd: {  	[tilespmem:s22], [sflag:$0x3] =	stream.indirect_vreg.gather [hbm4b:s2+s3], $0x80, v4, vm0, $0xb8;
	[tilespmem:$0x1B480] =	vst v63  }
0x3ce: {  	v3 =	vadd.s32 v1, v3;
	s22 =	simm.s32 $0x18C80  }
0x3cf: {  	[tilespmem:s22], [sflag:$0x3] =	stream.indirect_vreg.gather [hbm4b:s5+s3], $0x80, v4, vm0, $0xb8;
	[tilespmem:$0x1B480] =	vst v63  }
0x3d0: {  	s22 =	simm.s32 $0x19480  }
0x3d1: {  	[tilespmem:s22], [sflag:$0x3] =	stream.indirect_vreg.gather [hbm4b:s6+s3], $0x80, v4, vm0, $0xb8;
	[tilespmem:$0x1B480] =	vst v63  }
0x3d2: {  	s22 =	simm.s32 $0x19C80  }
0x3d3: {  	[tilespmem:s22], [sflag:$0x3] =	stream.indirect_vreg.gather [hbm4b:s2+s3], $0x80, v3, vm0, $0xb8;
	[tilespmem:$0x1B480] =	vst v63  }
0x3d4: {  	s22 =	simm.s32 $0x1A480  }
0x3d5: {  	[tilespmem:s22], [sflag:$0x3] =	stream.indirect_vreg.gather [hbm4b:s5+s3], $0x80, v3, vm0, $0xb8;
	[tilespmem:$0x1B480] =	vst v63  }
0x3d6: {  	s22 =	simm.s32 $0x1AC80  }
0x3d7: {  	[tilespmem:s22], [sflag:$0x3] =	stream.indirect_vreg.gather [hbm4b:s6+s3], $0x80, v3, vm0, $0xb8;
	[tilespmem:$0x1B480] =	vst v63  }
0x3d8: {  	_ =	swait.ge [sflag:s15], $0x9000  }
0x3d9: {  	[sflag:s15] =	ssyncset.done $0x0  }
0x3da: {  	[sflag:s15] =	ssyncadd.s32 $0xFFFF7000  }
0x3db: {  	_ =	swait.ge [sflag:s16], $0x9000  }
0x3dc: {  	[sflag:s16] =	ssyncset.done $0x0  }
0x3dd: {  	s22 =	rddreg [dreg:$0x11];
	[sflag:s16] =	ssyncadd.s32 $0xFFFF7000  }
0x3de: {  	[hbm4b:s22+s3] =	stream.linear.scatter [tilespmem:s26], [sflag:$0x5], $0x9000, $0x38;
	[tilespmem:$0x1B480] =	vst v63  }
0x3df: {  	v3 =	vld [tilespmem:$0x2D0];
	_ =	sdelay $0x4  }
0x3e0: {  	v37 =	vshrl.u32 v3, $0x3  }
0x3e1: {  	v4 =	vmul.u32 $0x30, v37  }
0x3e2: {  	v3 =	vand.u32 $0x7, v3  }
0x3e3: {  	v3 =	vor.u32 v3, v4  }
0x3e4: {  	v4 =	vperm.xlane v3, v0;
	_ =	sdelay $0x1  }
0x3e5: {  	v4 =	vadd.s32 v1, v4;
	_ =	sdelay $0x3  }
0x3e6: {  	v3 =	vperm.xlane v3, v2  }
0x3e7: {  	[tilespmem:s14], [sflag:$0x1] =	stream.indirect_vreg.gather [hbm4b:s2+s3], $0x80, v4, vm0, $0xb8;
	[tilespmem:$0x1B480] =	vst v63  }
0x3e8: {  	s22 =	simm.s32 $0xC80;
	v3 =	vadd.s32 v1, v3  }
0x3e9: {  	[tilespmem:s22], [sflag:$0x1] =	stream.indirect_vreg.gather [hbm4b:s5+s3], $0x80, v4, vm0, $0xb8;
	[tilespmem:$0x1B480] =	vst v63  }
0x3ea: {  	s22 =	simm.s32 $0x1480  }
0x3eb: {  	[tilespmem:s22], [sflag:$0x1] =	stream.indirect_vreg.gather [hbm4b:s6+s3], $0x80, v4, vm0, $0xb8;
	[tilespmem:$0x1B480] =	vst v63  }
0x3ec: {  	s22 =	simm.s32 $0x1C80  }
0x3ed: {  	[tilespmem:s22], [sflag:$0x1] =	stream.indirect_vreg.gather [hbm4b:s2+s3], $0x80, v3, vm0, $0xb8;
	[tilespmem:$0x1B480] =	vst v63  }
0x3ee: {  	s22 =	simm.s32 $0x2480  }
0x3ef: {  	[tilespmem:s22], [sflag:$0x1] =	stream.indirect_vreg.gather [hbm4b:s5+s3], $0x80, v3, vm0, $0xb8;
	[tilespmem:$0x1B480] =	vst v63  }
0x3f0: {  	s22 =	simm.s32 $0x2C80  }
0x3f1: {  	[tilespmem:s22], [sflag:$0x1] =	stream.indirect_vreg.gather [hbm4b:s6+s3], $0x80, v3, vm0, $0xb8;
	[tilespmem:$0x1B480] =	vst v63  }
0x3f2: {  	v3 =	vld [tilespmem:$0x2E0];
	_ =	sdelay $0x4  }
0x3f3: {  	v38 =	vshrl.u32 v3, $0x3  }
0x3f4: {  	v4 =	vmul.u32 $0x30, v38  }
0x3f5: {  	v3 =	vand.u32 $0x7, v3  }
0x3f6: {  	v3 =	vor.u32 v3, v4  }
0x3f7: {  	v4 =	vperm.xlane v3, v0;
	_ =	sdelay $0x1  }
0x3f8: {  	v4 =	vadd.s32 v1, v4;
	_ =	sdelay $0x3  }
0x3f9: {  	s22 =	simm.s32 $0x3480;
	v3 =	vperm.xlane v3, v2  }
0x3fa: {  	[tilespmem:s22], [sflag:$0x1] =	stream.indirect_vreg.gather [hbm4b:s2+s3], $0x80, v4, vm0, $0xb8;
	[tilespmem:$0x1B480] =	vst v63  }
0x3fb: {  	v3 =	vadd.s32 v1, v3;
	s22 =	simm.s32 $0x3C80  }
0x3fc: {  	[tilespmem:s22], [sflag:$0x1] =	stream.indirect_vreg.gather [hbm4b:s5+s3], $0x80, v4, vm0, $0xb8;
	[tilespmem:$0x1B480] =	vst v63  }
0x3fd: {  	s22 =	simm.s32 $0x4480  }
0x3fe: {  	[tilespmem:s22], [sflag:$0x1] =	stream.indirect_vreg.gather [hbm4b:s6+s3], $0x80, v4, vm0, $0xb8;
	[tilespmem:$0x1B480] =	vst v63  }
0x3ff: {  	s22 =	simm.s32 $0x4C80  }
0x400: {  	[tilespmem:s22], [sflag:$0x1] =	stream.indirect_vreg.gather [hbm4b:s2+s3], $0x80, v3, vm0, $0xb8;
	[tilespmem:$0x1B480] =	vst v63  }
0x401: {  	s1 =	simm.s32 $0x5480  }
0x402: {  	[tilespmem:s1], [sflag:$0x1] =	stream.indirect_vreg.gather [hbm4b:s5+s3], $0x80, v3, vm0, $0xb8;
	[tilespmem:$0x1B480] =	vst v63  }
0x403: {  	s22 =	simm.s32 $0x5C80  }
0x404: {  	[tilespmem:s22], [sflag:$0x1] =	stream.indirect_vreg.gather [hbm4b:s6+s3], $0x80, v3, vm0, $0xb8;
	[tilespmem:$0x1B480] =	vst v63  }
0x405: {  	v3 =	vld [tilespmem:$0x2F0];
	_ =	sdelay $0x4  }
0x406: {  	v39 =	vshrl.u32 v3, $0x3  }
0x407: {  	v4 =	vmul.u32 $0x30, v39  }
0x408: {  	v3 =	vand.u32 $0x7, v3  }
0x409: {  	v3 =	vor.u32 v3, v4  }
0x40a: {  	v4 =	vperm.xlane v3, v0;
	_ =	sdelay $0x1  }
0x40b: {  	v4 =	vadd.s32 v1, v4;
	_ =	sdelay $0x3  }
0x40c: {  	s24 =	simm.s32 $0x6480;
	v3 =	vperm.xlane v3, v2  }
0x40d: {  	[tilespmem:s24], [sflag:$0x1] =	stream.indirect_vreg.gather [hbm4b:s2+s3], $0x80, v4, vm0, $0xb8;
	[tilespmem:$0x1B480] =	vst v63  }
0x40e: {  	s8 =	simm.s32 $0x6C80;
	v3 =	vadd.s32 v1, v3  }
0x40f: {  	[tilespmem:s8], [sflag:$0x1] =	stream.indirect_vreg.gather [hbm4b:s5+s3], $0x80, v4, vm0, $0xb8;
	[tilespmem:$0x1B480] =	vst v63  }
0x410: {  	s4 =	simm.s32 $0x7480  }
0x411: {  	[tilespmem:s4], [sflag:$0x1] =	stream.indirect_vreg.gather [hbm4b:s6+s3], $0x80, v4, vm0, $0xb8;
	[tilespmem:$0x1B480] =	vst v63  }
0x412: {  	s11 =	simm.s32 $0x7C80  }
0x413: {  	[tilespmem:s11], [sflag:$0x1] =	stream.indirect_vreg.gather [hbm4b:s2+s3], $0x80, v3, vm0, $0xb8;
	[tilespmem:$0x1B480] =	vst v63  }
0x414: {  	s12 =	simm.s32 $0x8480  }
0x415: {  	[tilespmem:s12], [sflag:$0x1] =	stream.indirect_vreg.gather [hbm4b:s5+s3], $0x80, v3, vm0, $0xb8;
	[tilespmem:$0x1B480] =	vst v63  }
0x416: {  	s13 =	simm.s32 $0x8C80  }
0x417: {  	[tilespmem:s13], [sflag:$0x1] =	stream.indirect_vreg.gather [hbm4b:s6+s3], $0x80, v3, vm0, $0xb8;
	[tilespmem:$0x1B480] =	vst v63  }
0x418: {  	_ =	swait.ge [sflag:s17], $0x9000  }
0x419: {  	[sflag:s17] =	ssyncset.done $0x0  }
0x41a: {  	[sflag:s17] =	ssyncadd.s32 $0xFFFF7000  }
0x41b: {  	_ =	swait.ge [sflag:s18], $0x9000  }
0x41c: {  	[sflag:s18] =	ssyncset.done $0x0  }
0x41d: {  	s24 =	rddreg [dreg:$0x12];
	[sflag:s18] =	ssyncadd.s32 $0xFFFF7000  }
0x41e: {  	[hbm4b:s24+s3] =	stream.linear.scatter [tilespmem:s25], [sflag:$0x6], $0x9000, $0x38;
	[tilespmem:$0x1B480] =	vst v63  }
0x41f: {  	v3 =	vld [tilespmem:$0x300];
	_ =	sdelay $0x4  }
0x420: {  	v40 =	vshrl.u32 v3, $0x3  }
0x421: {  	v4 =	vmul.u32 $0x30, v40  }
0x422: {  	v3 =	vand.u32 $0x7, v3  }
0x423: {  	v3 =	vor.u32 v3, v4  }
0x424: {  	v4 =	vperm.xlane v3, v0;
	_ =	sdelay $0x1  }
0x425: {  	v4 =	vadd.s32 v1, v4;
	_ =	sdelay $0x3  }
0x426: {  	v3 =	vperm.xlane v3, v2  }
0x427: {  	[tilespmem:s26], [sflag:$0x2] =	stream.indirect_vreg.gather [hbm4b:s2+s3], $0x80, v4, vm0, $0xb8;
	[tilespmem:$0x1B480] =	vst v63  }
0x428: {  	s24 =	simm.s32 $0x9C80;
	v3 =	vadd.s32 v1, v3  }
0x429: {  	[tilespmem:s24], [sflag:$0x2] =	stream.indirect_vreg.gather [hbm4b:s5+s3], $0x80, v4, vm0, $0xb8;
	[tilespmem:$0x1B480] =	vst v63  }
0x42a: {  	s28 =	simm.s32 $0xA480  }
0x42b: {  	[tilespmem:s28], [sflag:$0x2] =	stream.indirect_vreg.gather [hbm4b:s6+s3], $0x80, v4, vm0, $0xb8;
	[tilespmem:$0x1B480] =	vst v63  }
0x42c: {  	s29 =	simm.s32 $0xAC80  }
0x42d: {  	[tilespmem:s29], [sflag:$0x2] =	stream.indirect_vreg.gather [hbm4b:s2+s3], $0x80, v3, vm0, $0xb8;
	[tilespmem:$0x1B480] =	vst v63  }
0x42e: {  	s30 =	simm.s32 $0xB480  }
0x42f: {  	[tilespmem:s30], [sflag:$0x2] =	stream.indirect_vreg.gather [hbm4b:s5+s3], $0x80, v3, vm0, $0xb8;
	[tilespmem:$0x1B480] =	vst v63  }
0x430: {  	s0 =	simm.s32 $0xBC80  }
0x431: {  	[tilespmem:s0], [sflag:$0x2] =	stream.indirect_vreg.gather [hbm4b:s6+s3], $0x80, v3, vm0, $0xb8;
	[tilespmem:$0x1B480] =	vst v63  }
0x432: {  	v3 =	vld [tilespmem:$0x310];
	_ =	sdelay $0x4  }
0x433: {  	v41 =	vshrl.u32 v3, $0x3  }
0x434: {  	v4 =	vmul.u32 $0x30, v41  }
0x435: {  	v3 =	vand.u32 $0x7, v3  }
0x436: {  	v3 =	vor.u32 v3, v4  }
0x437: {  	v4 =	vperm.xlane v3, v0;
	_ =	sdelay $0x1  }
0x438: {  	v4 =	vadd.s32 v1, v4;
	_ =	sdelay $0x3  }
0x439: {  	s21 =	simm.s32 $0xC480;
	v3 =	vperm.xlane v3, v2  }
0x43a: {  	[tilespmem:s21], [sflag:$0x2] =	stream.indirect_vreg.gather [hbm4b:s2+s3], $0x80, v4, vm0, $0xb8;
	[tilespmem:$0x1B480] =	vst v63  }
0x43b: {  	s31 =	simm.s32 $0xCC80;
	v3 =	vadd.s32 v1, v3  }
0x43c: {  	[tilespmem:s31], [sflag:$0x2] =	stream.indirect_vreg.gather [hbm4b:s5+s3], $0x80, v4, vm0, $0xb8;
	[tilespmem:$0x1B480] =	vst v63  }
0x43d: {  	s31 =	simm.s32 $0xD480  }
0x43e: {  	[tilespmem:s31], [sflag:$0x2] =	stream.indirect_vreg.gather [hbm4b:s6+s3], $0x80, v4, vm0, $0xb8;
	[tilespmem:$0x1B480] =	vst v63  }
0x43f: {  	s22 =	simm.s32 $0xDC80  }
0x440: {  	[tilespmem:s22], [sflag:$0x2] =	stream.indirect_vreg.gather [hbm4b:s2+s3], $0x80, v3, vm0, $0xb8;
	[tilespmem:$0x1B480] =	vst v63  }
0x441: {  	s28 =	simm.s32 $0xE480  }
0x442: {  	[tilespmem:s28], [sflag:$0x2] =	stream.indirect_vreg.gather [hbm4b:s5+s3], $0x80, v3, vm0, $0xb8;
	[tilespmem:$0x1B480] =	vst v63  }
0x443: {  	s7 =	simm.s32 $0xEC80  }
0x444: {  	[tilespmem:s7], [sflag:$0x2] =	stream.indirect_vreg.gather [hbm4b:s6+s3], $0x80, v3, vm0, $0xb8;
	[tilespmem:$0x1B480] =	vst v63  }
0x445: {  	v3 =	vld [tilespmem:$0x320];
	_ =	sdelay $0x4  }
0x446: {  	v42 =	vshrl.u32 v3, $0x3  }
0x447: {  	v4 =	vmul.u32 $0x30, v42  }
0x448: {  	v3 =	vand.u32 $0x7, v3  }
0x449: {  	v3 =	vor.u32 v3, v4  }
0x44a: {  	v4 =	vperm.xlane v3, v0;
	_ =	sdelay $0x1  }
0x44b: {  	v4 =	vadd.s32 v1, v4;
	_ =	sdelay $0x3  }
0x44c: {  	s10 =	simm.s32 $0xF480;
	v3 =	vperm.xlane v3, v2  }
0x44d: {  	[tilespmem:s10], [sflag:$0x2] =	stream.indirect_vreg.gather [hbm4b:s2+s3], $0x80, v4, vm0, $0xb8;
	[tilespmem:$0x1B480] =	vst v63  }
0x44e: {  	s29 =	simm.s32 $0xFC80;
	v3 =	vadd.s32 v1, v3  }
0x44f: {  	[tilespmem:s29], [sflag:$0x2] =	stream.indirect_vreg.gather [hbm4b:s5+s3], $0x80, v4, vm0, $0xb8;
	[tilespmem:$0x1B480] =	vst v63  }
0x450: {  	s30 =	simm.s32 $0x10480  }
0x451: {  	[tilespmem:s30], [sflag:$0x2] =	stream.indirect_vreg.gather [hbm4b:s6+s3], $0x80, v4, vm0, $0xb8;
	[tilespmem:$0x1B480] =	vst v63  }
0x452: {  	s31 =	simm.s32 $0x10C80  }
0x453: {  	[tilespmem:s31], [sflag:$0x2] =	stream.indirect_vreg.gather [hbm4b:s2+s3], $0x80, v3, vm0, $0xb8;
	[tilespmem:$0x1B480] =	vst v63  }
0x454: {  	s23 =	simm.s32 $0x11480  }
0x455: {  	[tilespmem:s23], [sflag:$0x2] =	stream.indirect_vreg.gather [hbm4b:s5+s3], $0x80, v3, vm0, $0xb8;
	[tilespmem:$0x1B480] =	vst v63  }
0x456: {  	s9 =	simm.s32 $0x11C80  }
0x457: {  	[tilespmem:s9], [sflag:$0x2] =	stream.indirect_vreg.gather [hbm4b:s6+s3], $0x80, v3, vm0, $0xb8;
	[tilespmem:$0x1B480] =	vst v63  }
0x458: {  	_ =	swait.ge [sflag:s20], $0x9000  }
0x459: {  	[sflag:s20] =	ssyncset.done $0x0  }
0x45a: {  	[sflag:s20] =	ssyncadd.s32 $0xFFFF7000  }
0x45b: {  	_ =	swait.ge [sflag:s19], $0x9000  }
0x45c: {  	[sflag:s19] =	ssyncset.done $0x0  }
0x45d: {  	s0 =	rddreg [dreg:$0x13];
	[sflag:s19] =	ssyncadd.s32 $0xFFFF7000  }
0x45e: {  	[hbm4b:s0+s3] =	stream.linear.scatter [tilespmem:s14], [sflag:$0x4], $0x9000, $0x38;
	[tilespmem:$0x1B480] =	vst v63  }
0x45f: {  	v3 =	vld [tilespmem:$0x330];
	_ =	sdelay $0x4  }
0x460: {  	v43 =	vshrl.u32 v3, $0x3  }
0x461: {  	v4 =	vmul.u32 $0x30, v43  }
0x462: {  	v3 =	vand.u32 $0x7, v3  }
0x463: {  	v3 =	vor.u32 v3, v4  }
0x464: {  	v4 =	vperm.xlane v3, v0;
	_ =	sdelay $0x1  }
0x465: {  	v4 =	vadd.s32 v1, v4;
	_ =	sdelay $0x3  }
0x466: {  	v3 =	vperm.xlane v3, v2  }
0x467: {  	[tilespmem:s25], [sflag:$0x3] =	stream.indirect_vreg.gather [hbm4b:s2+s3], $0x80, v4, vm0, $0xb8;
	[tilespmem:$0x1B480] =	vst v63  }
0x468: {  	s23 =	simm.s32 $0x12C80;
	v3 =	vadd.s32 v1, v3  }
0x469: {  	[tilespmem:s23], [sflag:$0x3] =	stream.indirect_vreg.gather [hbm4b:s5+s3], $0x80, v4, vm0, $0xb8;
	[tilespmem:$0x1B480] =	vst v63  }
0x46a: {  	s28 =	simm.s32 $0x13480  }
0x46b: {  	[tilespmem:s28], [sflag:$0x3] =	stream.indirect_vreg.gather [hbm4b:s6+s3], $0x80, v4, vm0, $0xb8;
	[tilespmem:$0x1B480] =	vst v63  }
0x46c: {  	s29 =	simm.s32 $0x13C80  }
0x46d: {  	[tilespmem:s29], [sflag:$0x3] =	stream.indirect_vreg.gather [hbm4b:s2+s3], $0x80, v3, vm0, $0xb8;
	[tilespmem:$0x1B480] =	vst v63  }
0x46e: {  	s30 =	simm.s32 $0x14480  }
0x46f: {  	[tilespmem:s30], [sflag:$0x3] =	stream.indirect_vreg.gather [hbm4b:s5+s3], $0x80, v3, vm0, $0xb8;
	[tilespmem:$0x1B480] =	vst v63  }
0x470: {  	s31 =	simm.s32 $0x14C80  }
0x471: {  	[tilespmem:s31], [sflag:$0x3] =	stream.indirect_vreg.gather [hbm4b:s6+s3], $0x80, v3, vm0, $0xb8;
	[tilespmem:$0x1B480] =	vst v63  }
0x472: {  	v3 =	vld [tilespmem:$0x340];
	_ =	sdelay $0x4  }
0x473: {  	v44 =	vshrl.u32 v3, $0x3  }
0x474: {  	v4 =	vmul.u32 $0x30, v44  }
0x475: {  	v3 =	vand.u32 $0x7, v3  }
0x476: {  	v3 =	vor.u32 v3, v4  }
0x477: {  	v4 =	vperm.xlane v3, v0;
	_ =	sdelay $0x1  }
0x478: {  	v4 =	vadd.s32 v1, v4;
	_ =	sdelay $0x3  }
0x479: {  	s22 =	simm.s32 $0x15480;
	v3 =	vperm.xlane v3, v2  }
0x47a: {  	[tilespmem:s22], [sflag:$0x3] =	stream.indirect_vreg.gather [hbm4b:s2+s3], $0x80, v4, vm0, $0xb8;
	[tilespmem:$0x1B480] =	vst v63  }
0x47b: {  	s23 =	simm.s32 $0x15C80;
	v3 =	vadd.s32 v1, v3  }
0x47c: {  	[tilespmem:s23], [sflag:$0x3] =	stream.indirect_vreg.gather [hbm4b:s5+s3], $0x80, v4, vm0, $0xb8;
	[tilespmem:$0x1B480] =	vst v63  }
0x47d: {  	s28 =	simm.s32 $0x16480  }
0x47e: {  	[tilespmem:s28], [sflag:$0x3] =	stream.indirect_vreg.gather [hbm4b:s6+s3], $0x80, v4, vm0, $0xb8;
	[tilespmem:$0x1B480] =	vst v63  }
0x47f: {  	s29 =	simm.s32 $0x16C80  }
0x480: {  	[tilespmem:s29], [sflag:$0x3] =	stream.indirect_vreg.gather [hbm4b:s2+s3], $0x80, v3, vm0, $0xb8;
	[tilespmem:$0x1B480] =	vst v63  }
0x481: {  	s30 =	simm.s32 $0x17480  }
0x482: {  	[tilespmem:s30], [sflag:$0x3] =	stream.indirect_vreg.gather [hbm4b:s5+s3], $0x80, v3, vm0, $0xb8;
	[tilespmem:$0x1B480] =	vst v63  }
0x483: {  	s31 =	simm.s32 $0x17C80  }
0x484: {  	[tilespmem:s31], [sflag:$0x3] =	stream.indirect_vreg.gather [hbm4b:s6+s3], $0x80, v3, vm0, $0xb8;
	[tilespmem:$0x1B480] =	vst v63  }
0x485: {  	v3 =	vld [tilespmem:$0x350];
	_ =	sdelay $0x4  }
0x486: {  	v45 =	vshrl.u32 v3, $0x3  }
0x487: {  	v4 =	vmul.u32 $0x30, v45  }
0x488: {  	v3 =	vand.u32 $0x7, v3  }
0x489: {  	v3 =	vor.u32 v3, v4  }
0x48a: {  	v4 =	vperm.xlane v3, v0;
	_ =	sdelay $0x1  }
0x48b: {  	v4 =	vadd.s32 v1, v4;
	_ =	sdelay $0x3  }
0x48c: {  	s22 =	simm.s32 $0x18480;
	v3 =	vperm.xlane v3, v2  }
0x48d: {  	[tilespmem:s22], [sflag:$0x3] =	stream.indirect_vreg.gather [hbm4b:s2+s3], $0x80, v4, vm0, $0xb8;
	[tilespmem:$0x1B480] =	vst v63  }
0x48e: {  	s23 =	simm.s32 $0x18C80;
	v3 =	vadd.s32 v1, v3  }
0x48f: {  	[tilespmem:s23], [sflag:$0x3] =	stream.indirect_vreg.gather [hbm4b:s5+s3], $0x80, v4, vm0, $0xb8;
	[tilespmem:$0x1B480] =	vst v63  }
0x490: {  	s28 =	simm.s32 $0x19480  }
0x491: {  	[tilespmem:s28], [sflag:$0x3] =	stream.indirect_vreg.gather [hbm4b:s6+s3], $0x80, v4, vm0, $0xb8;
	[tilespmem:$0x1B480] =	vst v63  }
0x492: {  	s29 =	simm.s32 $0x19C80  }
0x493: {  	[tilespmem:s29], [sflag:$0x3] =	stream.indirect_vreg.gather [hbm4b:s2+s3], $0x80, v3, vm0, $0xb8;
	[tilespmem:$0x1B480] =	vst v63  }
0x494: {  	s30 =	simm.s32 $0x1A480  }
0x495: {  	[tilespmem:s30], [sflag:$0x3] =	stream.indirect_vreg.gather [hbm4b:s5+s3], $0x80, v3, vm0, $0xb8;
	[tilespmem:$0x1B480] =	vst v63  }
0x496: {  	s31 =	simm.s32 $0x1AC80  }
0x497: {  	[tilespmem:s31], [sflag:$0x3] =	stream.indirect_vreg.gather [hbm4b:s6+s3], $0x80, v3, vm0, $0xb8;
	[tilespmem:$0x1B480] =	vst v63  }
0x498: {  	_ =	swait.ge [sflag:s15], $0x9000  }
0x499: {  	[sflag:s15] =	ssyncset.done $0x0  }
0x49a: {  	[sflag:s15] =	ssyncadd.s32 $0xFFFF7000  }
0x49b: {  	_ =	swait.ge [sflag:s16], $0x9000  }
0x49c: {  	[sflag:s16] =	ssyncset.done $0x0  }
0x49d: {  	s0 =	rddreg [dreg:$0x14];
	[sflag:s16] =	ssyncadd.s32 $0xFFFF7000  }
0x49e: {  	[hbm4b:s0+s3] =	stream.linear.scatter [tilespmem:s26], [sflag:$0x5], $0x9000, $0x38;
	[tilespmem:$0x1B480] =	vst v63  }
0x49f: {  	v3 =	vld [tilespmem:$0x360];
	_ =	sdelay $0x4  }
0x4a0: {  	v46 =	vshrl.u32 v3, $0x3  }
0x4a1: {  	v4 =	vmul.u32 $0x30, v46  }
0x4a2: {  	v3 =	vand.u32 $0x7, v3  }
0x4a3: {  	v3 =	vor.u32 v3, v4  }
0x4a4: {  	v4 =	vperm.xlane v3, v0;
	_ =	sdelay $0x1  }
0x4a5: {  	v4 =	vadd.s32 v1, v4;
	_ =	sdelay $0x3  }
0x4a6: {  	v3 =	vperm.xlane v3, v2  }
0x4a7: {  	[tilespmem:s14], [sflag:$0x1] =	stream.indirect_vreg.gather [hbm4b:s2+s3], $0x80, v4, vm0, $0xb8;
	[tilespmem:$0x1B480] =	vst v63  }
0x4a8: {  	s23 =	simm.s32 $0xC80;
	v3 =	vadd.s32 v1, v3  }
0x4a9: {  	[tilespmem:s23], [sflag:$0x1] =	stream.indirect_vreg.gather [hbm4b:s5+s3], $0x80, v4, vm0, $0xb8;
	[tilespmem:$0x1B480] =	vst v63  }
0x4aa: {  	s28 =	simm.s32 $0x1480  }
0x4ab: {  	[tilespmem:s28], [sflag:$0x1] =	stream.indirect_vreg.gather [hbm4b:s6+s3], $0x80, v4, vm0, $0xb8;
	[tilespmem:$0x1B480] =	vst v63  }
0x4ac: {  	s29 =	simm.s32 $0x1C80  }
0x4ad: {  	[tilespmem:s29], [sflag:$0x1] =	stream.indirect_vreg.gather [hbm4b:s2+s3], $0x80, v3, vm0, $0xb8;
	[tilespmem:$0x1B480] =	vst v63  }
0x4ae: {  	s30 =	simm.s32 $0x2480  }
0x4af: {  	[tilespmem:s30], [sflag:$0x1] =	stream.indirect_vreg.gather [hbm4b:s5+s3], $0x80, v3, vm0, $0xb8;
	[tilespmem:$0x1B480] =	vst v63  }
0x4b0: {  	s31 =	simm.s32 $0x2C80  }
0x4b1: {  	[tilespmem:s31], [sflag:$0x1] =	stream.indirect_vreg.gather [hbm4b:s6+s3], $0x80, v3, vm0, $0xb8;
	[tilespmem:$0x1B480] =	vst v63  }
0x4b2: {  	v3 =	vld [tilespmem:$0x370];
	_ =	sdelay $0x4  }
0x4b3: {  	v47 =	vshrl.u32 v3, $0x3  }
0x4b4: {  	v4 =	vmul.u32 $0x30, v47  }
0x4b5: {  	v3 =	vand.u32 $0x7, v3  }
0x4b6: {  	v3 =	vor.u32 v3, v4  }
0x4b7: {  	v4 =	vperm.xlane v3, v0;
	_ =	sdelay $0x1  }
0x4b8: {  	v4 =	vadd.s32 v1, v4;
	_ =	sdelay $0x3  }
0x4b9: {  	s22 =	simm.s32 $0x3480;
	v3 =	vperm.xlane v3, v2  }
0x4ba: {  	[tilespmem:s22], [sflag:$0x1] =	stream.indirect_vreg.gather [hbm4b:s2+s3], $0x80, v4, vm0, $0xb8;
	[tilespmem:$0x1B480] =	vst v63  }
0x4bb: {  	s31 =	simm.s32 $0x3C80;
	v3 =	vadd.s32 v1, v3  }
0x4bc: {  	[tilespmem:s31], [sflag:$0x1] =	stream.indirect_vreg.gather [hbm4b:s5+s3], $0x80, v4, vm0, $0xb8;
	[tilespmem:$0x1B480] =	vst v63  }
0x4bd: {  	s22 =	simm.s32 $0x4480  }
0x4be: {  	[tilespmem:s22], [sflag:$0x1] =	stream.indirect_vreg.gather [hbm4b:s6+s3], $0x80, v4, vm0, $0xb8;
	[tilespmem:$0x1B480] =	vst v63  }
0x4bf: {  	s22 =	simm.s32 $0x4C80  }
0x4c0: {  	[tilespmem:s22], [sflag:$0x1] =	stream.indirect_vreg.gather [hbm4b:s2+s3], $0x80, v3, vm0, $0xb8;
	[tilespmem:$0x1B480] =	vst v63  }
0x4c1: {  	s1 =	simm.s32 $0x5480  }
0x4c2: {  	[tilespmem:s1], [sflag:$0x1] =	stream.indirect_vreg.gather [hbm4b:s5+s3], $0x80, v3, vm0, $0xb8;
	[tilespmem:$0x1B480] =	vst v63  }
0x4c3: {  	s22 =	simm.s32 $0x5C80  }
0x4c4: {  	[tilespmem:s22], [sflag:$0x1] =	stream.indirect_vreg.gather [hbm4b:s6+s3], $0x80, v3, vm0, $0xb8;
	[tilespmem:$0x1B480] =	vst v63  }
0x4c5: {  	v3 =	vld [tilespmem:$0x380];
	_ =	sdelay $0x4  }
0x4c6: {  	v48 =	vshrl.u32 v3, $0x3  }
0x4c7: {  	v4 =	vmul.u32 $0x30, v48  }
0x4c8: {  	v3 =	vand.u32 $0x7, v3  }
0x4c9: {  	v3 =	vor.u32 v3, v4  }
0x4ca: {  	v4 =	vperm.xlane v3, v0;
	_ =	sdelay $0x1  }
0x4cb: {  	v4 =	vadd.s32 v1, v4;
	_ =	sdelay $0x3  }
0x4cc: {  	s22 =	simm.s32 $0x6480;
	v3 =	vperm.xlane v3, v2  }
0x4cd: {  	[tilespmem:s22], [sflag:$0x1] =	stream.indirect_vreg.gather [hbm4b:s2+s3], $0x80, v4, vm0, $0xb8;
	[tilespmem:$0x1B480] =	vst v63  }
0x4ce: {  	s8 =	simm.s32 $0x6C80;
	v3 =	vadd.s32 v1, v3  }
0x4cf: {  	[tilespmem:s8], [sflag:$0x1] =	stream.indirect_vreg.gather [hbm4b:s5+s3], $0x80, v4, vm0, $0xb8;
	[tilespmem:$0x1B480] =	vst v63  }
0x4d0: {  	s4 =	simm.s32 $0x7480  }
0x4d1: {  	[tilespmem:s4], [sflag:$0x1] =	stream.indirect_vreg.gather [hbm4b:s6+s3], $0x80, v4, vm0, $0xb8;
	[tilespmem:$0x1B480] =	vst v63  }
0x4d2: {  	s11 =	simm.s32 $0x7C80  }
0x4d3: {  	[tilespmem:s11], [sflag:$0x1] =	stream.indirect_vreg.gather [hbm4b:s2+s3], $0x80, v3, vm0, $0xb8;
	[tilespmem:$0x1B480] =	vst v63  }
0x4d4: {  	s12 =	simm.s32 $0x8480  }
0x4d5: {  	[tilespmem:s12], [sflag:$0x1] =	stream.indirect_vreg.gather [hbm4b:s5+s3], $0x80, v3, vm0, $0xb8;
	[tilespmem:$0x1B480] =	vst v63  }
0x4d6: {  	s13 =	simm.s32 $0x8C80  }
0x4d7: {  	[tilespmem:s13], [sflag:$0x1] =	stream.indirect_vreg.gather [hbm4b:s6+s3], $0x80, v3, vm0, $0xb8;
	[tilespmem:$0x1B480] =	vst v63  }
0x4d8: {  	_ =	swait.ge [sflag:s17], $0x9000  }
0x4d9: {  	[sflag:s17] =	ssyncset.done $0x0  }
0x4da: {  	[sflag:s17] =	ssyncadd.s32 $0xFFFF7000  }
0x4db: {  	_ =	swait.ge [sflag:s18], $0x9000  }
0x4dc: {  	[sflag:s18] =	ssyncset.done $0x0  }
0x4dd: {  	s13 =	rddreg [dreg:$0x15];
	[sflag:s18] =	ssyncadd.s32 $0xFFFF7000  }
0x4de: {  	[hbm4b:s13+s3] =	stream.linear.scatter [tilespmem:s25], [sflag:$0x6], $0x9000, $0x38;
	[tilespmem:$0x1B480] =	vst v63  }
0x4df: {  	v3 =	vld [tilespmem:$0x390];
	_ =	sdelay $0x4  }
0x4e0: {  	v49 =	vshrl.u32 v3, $0x3  }
0x4e1: {  	v4 =	vmul.u32 $0x30, v49  }
0x4e2: {  	v3 =	vand.u32 $0x7, v3  }
0x4e3: {  	v3 =	vor.u32 v3, v4  }
0x4e4: {  	v4 =	vperm.xlane v3, v0;
	_ =	sdelay $0x1  }
0x4e5: {  	v4 =	vadd.s32 v1, v4;
	_ =	sdelay $0x3  }
0x4e6: {  	v3 =	vperm.xlane v3, v2  }
0x4e7: {  	[tilespmem:s26], [sflag:$0x2] =	stream.indirect_vreg.gather [hbm4b:s2+s3], $0x80, v4, vm0, $0xb8;
	[tilespmem:$0x1B480] =	vst v63  }
0x4e8: {  	s22 =	simm.s32 $0x9C80;
	v3 =	vadd.s32 v1, v3  }
0x4e9: {  	[tilespmem:s22], [sflag:$0x2] =	stream.indirect_vreg.gather [hbm4b:s5+s3], $0x80, v4, vm0, $0xb8;
	[tilespmem:$0x1B480] =	vst v63  }
0x4ea: {  	s22 =	simm.s32 $0xA480  }
0x4eb: {  	[tilespmem:s22], [sflag:$0x2] =	stream.indirect_vreg.gather [hbm4b:s6+s3], $0x80, v4, vm0, $0xb8;
	[tilespmem:$0x1B480] =	vst v63  }
0x4ec: {  	s22 =	simm.s32 $0xAC80  }
0x4ed: {  	[tilespmem:s22], [sflag:$0x2] =	stream.indirect_vreg.gather [hbm4b:s2+s3], $0x80, v3, vm0, $0xb8;
	[tilespmem:$0x1B480] =	vst v63  }
0x4ee: {  	s22 =	simm.s32 $0xB480  }
0x4ef: {  	[tilespmem:s22], [sflag:$0x2] =	stream.indirect_vreg.gather [hbm4b:s5+s3], $0x80, v3, vm0, $0xb8;
	[tilespmem:$0x1B480] =	vst v63  }
0x4f0: {  	s24 =	simm.s32 $0xBC80  }
0x4f1: {  	[tilespmem:s24], [sflag:$0x2] =	stream.indirect_vreg.gather [hbm4b:s6+s3], $0x80, v3, vm0, $0xb8;
	[tilespmem:$0x1B480] =	vst v63  }
0x4f2: {  	v3 =	vld [tilespmem:$0x3A0];
	_ =	sdelay $0x4  }
0x4f3: {  	v50 =	vshrl.u32 v3, $0x3  }
0x4f4: {  	v4 =	vmul.u32 $0x30, v50  }
0x4f5: {  	v3 =	vand.u32 $0x7, v3  }
0x4f6: {  	v3 =	vor.u32 v3, v4  }
0x4f7: {  	v4 =	vperm.xlane v3, v0;
	_ =	sdelay $0x1  }
0x4f8: {  	v4 =	vadd.s32 v1, v4;
	_ =	sdelay $0x3  }
0x4f9: {  	s21 =	simm.s32 $0xC480;
	v3 =	vperm.xlane v3, v2  }
0x4fa: {  	[tilespmem:s21], [sflag:$0x2] =	stream.indirect_vreg.gather [hbm4b:s2+s3], $0x80, v4, vm0, $0xb8;
	[tilespmem:$0x1B480] =	vst v63  }
0x4fb: {  	s22 =	simm.s32 $0xCC80;
	v3 =	vadd.s32 v1, v3  }
0x4fc: {  	[tilespmem:s22], [sflag:$0x2] =	stream.indirect_vreg.gather [hbm4b:s5+s3], $0x80, v4, vm0, $0xb8;
	[tilespmem:$0x1B480] =	vst v63  }
0x4fd: {  	s22 =	simm.s32 $0xD480  }
0x4fe: {  	[tilespmem:s22], [sflag:$0x2] =	stream.indirect_vreg.gather [hbm4b:s6+s3], $0x80, v4, vm0, $0xb8;
	[tilespmem:$0x1B480] =	vst v63  }
0x4ff: {  	s22 =	simm.s32 $0xDC80  }
0x500: {  	[tilespmem:s22], [sflag:$0x2] =	stream.indirect_vreg.gather [hbm4b:s2+s3], $0x80, v3, vm0, $0xb8;
	[tilespmem:$0x1B480] =	vst v63  }
0x501: {  	s22 =	simm.s32 $0xE480  }
0x502: {  	[tilespmem:s22], [sflag:$0x2] =	stream.indirect_vreg.gather [hbm4b:s5+s3], $0x80, v3, vm0, $0xb8;
	[tilespmem:$0x1B480] =	vst v63  }
0x503: {  	s7 =	simm.s32 $0xEC80  }
0x504: {  	[tilespmem:s7], [sflag:$0x2] =	stream.indirect_vreg.gather [hbm4b:s6+s3], $0x80, v3, vm0, $0xb8;
	[tilespmem:$0x1B480] =	vst v63  }
0x505: {  	v3 =	vld [tilespmem:$0x3B0];
	_ =	sdelay $0x4  }
0x506: {  	v51 =	vshrl.u32 v3, $0x3  }
0x507: {  	v4 =	vmul.u32 $0x30, v51  }
0x508: {  	v3 =	vand.u32 $0x7, v3  }
0x509: {  	v3 =	vor.u32 v3, v4  }
0x50a: {  	v4 =	vperm.xlane v3, v0;
	_ =	sdelay $0x1  }
0x50b: {  	v4 =	vadd.s32 v1, v4;
	_ =	sdelay $0x3  }
0x50c: {  	s10 =	simm.s32 $0xF480;
	v3 =	vperm.xlane v3, v2  }
0x50d: {  	[tilespmem:s10], [sflag:$0x2] =	stream.indirect_vreg.gather [hbm4b:s2+s3], $0x80, v4, vm0, $0xb8;
	[tilespmem:$0x1B480] =	vst v63  }
0x50e: {  	s22 =	simm.s32 $0xFC80;
	v3 =	vadd.s32 v1, v3  }
0x50f: {  	[tilespmem:s22], [sflag:$0x2] =	stream.indirect_vreg.gather [hbm4b:s5+s3], $0x80, v4, vm0, $0xb8;
	[tilespmem:$0x1B480] =	vst v63  }
0x510: {  	s22 =	simm.s32 $0x10480  }
0x511: {  	[tilespmem:s22], [sflag:$0x2] =	stream.indirect_vreg.gather [hbm4b:s6+s3], $0x80, v4, vm0, $0xb8;
	[tilespmem:$0x1B480] =	vst v63  }
0x512: {  	s22 =	simm.s32 $0x10C80  }
0x513: {  	[tilespmem:s22], [sflag:$0x2] =	stream.indirect_vreg.gather [hbm4b:s2+s3], $0x80, v3, vm0, $0xb8;
	[tilespmem:$0x1B480] =	vst v63  }
0x514: {  	s22 =	simm.s32 $0x11480  }
0x515: {  	[tilespmem:s22], [sflag:$0x2] =	stream.indirect_vreg.gather [hbm4b:s5+s3], $0x80, v3, vm0, $0xb8;
	[tilespmem:$0x1B480] =	vst v63  }
0x516: {  	s9 =	simm.s32 $0x11C80  }
0x517: {  	[tilespmem:s9], [sflag:$0x2] =	stream.indirect_vreg.gather [hbm4b:s6+s3], $0x80, v3, vm0, $0xb8;
	[tilespmem:$0x1B480] =	vst v63  }
0x518: {  	_ =	swait.ge [sflag:s20], $0x9000  }
0x519: {  	[sflag:s20] =	ssyncset.done $0x0  }
0x51a: {  	[sflag:s20] =	ssyncadd.s32 $0xFFFF7000  }
0x51b: {  	_ =	swait.ge [sflag:s19], $0x9000  }
0x51c: {  	[sflag:s19] =	ssyncset.done $0x0  }
0x51d: {  	s9 =	rddreg [dreg:$0x16];
	[sflag:s19] =	ssyncadd.s32 $0xFFFF7000  }
0x51e: {  	[hbm4b:s9+s3] =	stream.linear.scatter [tilespmem:s14], [sflag:$0x4], $0x9000, $0x38;
	[tilespmem:$0x1B480] =	vst v63  }
0x51f: {  	v3 =	vld [tilespmem:$0x3C0];
	_ =	sdelay $0x4  }
0x520: {  	v52 =	vshrl.u32 v3, $0x3  }
0x521: {  	v4 =	vmul.u32 $0x30, v52  }
0x522: {  	v3 =	vand.u32 $0x7, v3  }
0x523: {  	v3 =	vor.u32 v3, v4  }
0x524: {  	v4 =	vperm.xlane v3, v0;
	_ =	sdelay $0x1  }
0x525: {  	v4 =	vadd.s32 v1, v4;
	_ =	sdelay $0x3  }
0x526: {  	v3 =	vperm.xlane v3, v2  }
0x527: {  	[tilespmem:s25], [sflag:$0x3] =	stream.indirect_vreg.gather [hbm4b:s2+s3], $0x80, v4, vm0, $0xb8;
	[tilespmem:$0x1B480] =	vst v63  }
0x528: {  	s22 =	simm.s32 $0x12C80;
	v3 =	vadd.s32 v1, v3  }
0x529: {  	[tilespmem:s22], [sflag:$0x3] =	stream.indirect_vreg.gather [hbm4b:s5+s3], $0x80, v4, vm0, $0xb8;
	[tilespmem:$0x1B480] =	vst v63  }
0x52a: {  	s22 =	simm.s32 $0x13480  }
0x52b: {  	[tilespmem:s22], [sflag:$0x3] =	stream.indirect_vreg.gather [hbm4b:s6+s3], $0x80, v4, vm0, $0xb8;
	[tilespmem:$0x1B480] =	vst v63  }
0x52c: {  	s22 =	simm.s32 $0x13C80  }
0x52d: {  	[tilespmem:s22], [sflag:$0x3] =	stream.indirect_vreg.gather [hbm4b:s2+s3], $0x80, v3, vm0, $0xb8;
	[tilespmem:$0x1B480] =	vst v63  }
0x52e: {  	s22 =	simm.s32 $0x14480  }
0x52f: {  	[tilespmem:s22], [sflag:$0x3] =	stream.indirect_vreg.gather [hbm4b:s5+s3], $0x80, v3, vm0, $0xb8;
	[tilespmem:$0x1B480] =	vst v63  }
0x530: {  	s22 =	simm.s32 $0x14C80  }
0x531: {  	[tilespmem:s22], [sflag:$0x3] =	stream.indirect_vreg.gather [hbm4b:s6+s3], $0x80, v3, vm0, $0xb8;
	[tilespmem:$0x1B480] =	vst v63  }
0x532: {  	v3 =	vld [tilespmem:$0x3D0];
	_ =	sdelay $0x4  }
0x533: {  	v53 =	vshrl.u32 v3, $0x3  }
0x534: {  	v4 =	vmul.u32 $0x30, v53  }
0x535: {  	v3 =	vand.u32 $0x7, v3  }
0x536: {  	v3 =	vor.u32 v3, v4  }
0x537: {  	v4 =	vperm.xlane v3, v0;
	_ =	sdelay $0x1  }
0x538: {  	v4 =	vadd.s32 v1, v4;
	_ =	sdelay $0x3  }
0x539: {  	s22 =	simm.s32 $0x15480;
	v3 =	vperm.xlane v3, v2  }
0x53a: {  	[tilespmem:s22], [sflag:$0x3] =	stream.indirect_vreg.gather [hbm4b:s2+s3], $0x80, v4, vm0, $0xb8;
	[tilespmem:$0x1B480] =	vst v63  }
0x53b: {  	v3 =	vadd.s32 v1, v3;
	s22 =	simm.s32 $0x15C80  }
0x53c: {  	[tilespmem:s22], [sflag:$0x3] =	stream.indirect_vreg.gather [hbm4b:s5+s3], $0x80, v4, vm0, $0xb8;
	[tilespmem:$0x1B480] =	vst v63  }
0x53d: {  	s22 =	simm.s32 $0x16480  }
0x53e: {  	[tilespmem:s22], [sflag:$0x3] =	stream.indirect_vreg.gather [hbm4b:s6+s3], $0x80, v4, vm0, $0xb8;
	[tilespmem:$0x1B480] =	vst v63  }
0x53f: {  	s22 =	simm.s32 $0x16C80  }
0x540: {  	[tilespmem:s22], [sflag:$0x3] =	stream.indirect_vreg.gather [hbm4b:s2+s3], $0x80, v3, vm0, $0xb8;
	[tilespmem:$0x1B480] =	vst v63  }
0x541: {  	s22 =	simm.s32 $0x17480  }
0x542: {  	[tilespmem:s22], [sflag:$0x3] =	stream.indirect_vreg.gather [hbm4b:s5+s3], $0x80, v3, vm0, $0xb8;
	[tilespmem:$0x1B480] =	vst v63  }
0x543: {  	s22 =	simm.s32 $0x17C80  }
0x544: {  	[tilespmem:s22], [sflag:$0x3] =	stream.indirect_vreg.gather [hbm4b:s6+s3], $0x80, v3, vm0, $0xb8;
	[tilespmem:$0x1B480] =	vst v63  }
0x545: {  	v3 =	vld [tilespmem:$0x3E0];
	_ =	sdelay $0x4  }
0x546: {  	v54 =	vshrl.u32 v3, $0x3  }
0x547: {  	v4 =	vmul.u32 $0x30, v54  }
0x548: {  	v3 =	vand.u32 $0x7, v3  }
0x549: {  	v3 =	vor.u32 v3, v4  }
0x54a: {  	v4 =	vperm.xlane v3, v0;
	_ =	sdelay $0x1  }
0x54b: {  	v4 =	vadd.s32 v1, v4;
	_ =	sdelay $0x3  }
0x54c: {  	s22 =	simm.s32 $0x18480;
	v3 =	vperm.xlane v3, v2  }
0x54d: {  	[tilespmem:s22], [sflag:$0x3] =	stream.indirect_vreg.gather [hbm4b:s2+s3], $0x80, v4, vm0, $0xb8;
	[tilespmem:$0x1B480] =	vst v63  }
0x54e: {  	v3 =	vadd.s32 v1, v3;
	s22 =	simm.s32 $0x18C80  }
0x54f: {  	[tilespmem:s22], [sflag:$0x3] =	stream.indirect_vreg.gather [hbm4b:s5+s3], $0x80, v4, vm0, $0xb8;
	[tilespmem:$0x1B480] =	vst v63  }
0x550: {  	s22 =	simm.s32 $0x19480  }
0x551: {  	[tilespmem:s22], [sflag:$0x3] =	stream.indirect_vreg.gather [hbm4b:s6+s3], $0x80, v4, vm0, $0xb8;
	[tilespmem:$0x1B480] =	vst v63  }
0x552: {  	s22 =	simm.s32 $0x19C80  }
0x553: {  	[tilespmem:s22], [sflag:$0x3] =	stream.indirect_vreg.gather [hbm4b:s2+s3], $0x80, v3, vm0, $0xb8;
	[tilespmem:$0x1B480] =	vst v63  }
0x554: {  	s22 =	simm.s32 $0x1A480  }
0x555: {  	[tilespmem:s22], [sflag:$0x3] =	stream.indirect_vreg.gather [hbm4b:s5+s3], $0x80, v3, vm0, $0xb8;
	[tilespmem:$0x1B480] =	vst v63  }
0x556: {  	s22 =	simm.s32 $0x1AC80  }
0x557: {  	[tilespmem:s22], [sflag:$0x3] =	stream.indirect_vreg.gather [hbm4b:s6+s3], $0x80, v3, vm0, $0xb8;
	[tilespmem:$0x1B480] =	vst v63  }
0x558: {  	_ =	swait.ge [sflag:s15], $0x9000  }
0x559: {  	[sflag:s15] =	ssyncset.done $0x0  }
0x55a: {  	[sflag:s15] =	ssyncadd.s32 $0xFFFF7000  }
0x55b: {  	_ =	swait.ge [sflag:s16], $0x9000  }
0x55c: {  	[sflag:s16] =	ssyncset.done $0x0  }
0x55d: {  	s22 =	rddreg [dreg:$0x17];
	[sflag:s16] =	ssyncadd.s32 $0xFFFF7000  }
0x55e: {  	[hbm4b:s22+s3] =	stream.linear.scatter [tilespmem:s26], [sflag:$0x5], $0x9000, $0x38;
	[tilespmem:$0x1B480] =	vst v63  }
0x55f: {  	v3 =	vld [tilespmem:$0x3F0];
	_ =	sdelay $0x4  }
0x560: {  	v55 =	vshrl.u32 v3, $0x3  }
0x561: {  	v4 =	vmul.u32 $0x30, v55  }
0x562: {  	v3 =	vand.u32 $0x7, v3  }
0x563: {  	v3 =	vor.u32 v3, v4  }
0x564: {  	v4 =	vperm.xlane v3, v0;
	_ =	sdelay $0x1  }
0x565: {  	v4 =	vadd.s32 v1, v4;
	_ =	sdelay $0x3  }
0x566: {  	v3 =	vperm.xlane v3, v2  }
0x567: {  	[tilespmem:s14], [sflag:$0x1] =	stream.indirect_vreg.gather [hbm4b:s2+s3], $0x80, v4, vm0, $0xb8;
	[tilespmem:$0x1B480] =	vst v63  }
0x568: {  	s23 =	simm.s32 $0xC80;
	v3 =	vadd.s32 v1, v3  }
0x569: {  	[tilespmem:s23], [sflag:$0x1] =	stream.indirect_vreg.gather [hbm4b:s5+s3], $0x80, v4, vm0, $0xb8;
	[tilespmem:$0x1B480] =	vst v63  }
0x56a: {  	s28 =	simm.s32 $0x1480  }
0x56b: {  	[tilespmem:s28], [sflag:$0x1] =	stream.indirect_vreg.gather [hbm4b:s6+s3], $0x80, v4, vm0, $0xb8;
	[tilespmem:$0x1B480] =	vst v63  }
0x56c: {  	s29 =	simm.s32 $0x1C80  }
0x56d: {  	[tilespmem:s29], [sflag:$0x1] =	stream.indirect_vreg.gather [hbm4b:s2+s3], $0x80, v3, vm0, $0xb8;
	[tilespmem:$0x1B480] =	vst v63  }
0x56e: {  	s30 =	simm.s32 $0x2480  }
0x56f: {  	[tilespmem:s30], [sflag:$0x1] =	stream.indirect_vreg.gather [hbm4b:s5+s3], $0x80, v3, vm0, $0xb8;
	[tilespmem:$0x1B480] =	vst v63  }
0x570: {  	s30 =	simm.s32 $0x2C80  }
0x571: {  	[tilespmem:s30], [sflag:$0x1] =	stream.indirect_vreg.gather [hbm4b:s6+s3], $0x80, v3, vm0, $0xb8;
	[tilespmem:$0x1B480] =	vst v63  }
0x572: {  	v3 =	vld [tilespmem:$0x400];
	_ =	sdelay $0x4  }
0x573: {  	v56 =	vshrl.u32 v3, $0x3  }
0x574: {  	v4 =	vmul.u32 $0x30, v56  }
0x575: {  	v3 =	vand.u32 $0x7, v3  }
0x576: {  	v3 =	vor.u32 v3, v4  }
0x577: {  	v4 =	vperm.xlane v3, v0;
	_ =	sdelay $0x1  }
0x578: {  	v4 =	vadd.s32 v1, v4;
	_ =	sdelay $0x3  }
0x579: {  	s23 =	simm.s32 $0x3480;
	v3 =	vperm.xlane v3, v2  }
0x57a: {  	[tilespmem:s23], [sflag:$0x1] =	stream.indirect_vreg.gather [hbm4b:s2+s3], $0x80, v4, vm0, $0xb8;
	[tilespmem:$0x1B480] =	vst v63  }
0x57b: {  	s31 =	simm.s32 $0x3C80;
	v3 =	vadd.s32 v1, v3  }
0x57c: {  	[tilespmem:s31], [sflag:$0x1] =	stream.indirect_vreg.gather [hbm4b:s5+s3], $0x80, v4, vm0, $0xb8;
	[tilespmem:$0x1B480] =	vst v63  }
0x57d: {  	s28 =	simm.s32 $0x4480  }
0x57e: {  	[tilespmem:s28], [sflag:$0x1] =	stream.indirect_vreg.gather [hbm4b:s6+s3], $0x80, v4, vm0, $0xb8;
	[tilespmem:$0x1B480] =	vst v63  }
0x57f: {  	s29 =	simm.s32 $0x4C80  }
0x580: {  	[tilespmem:s29], [sflag:$0x1] =	stream.indirect_vreg.gather [hbm4b:s2+s3], $0x80, v3, vm0, $0xb8;
	[tilespmem:$0x1B480] =	vst v63  }
0x581: {  	s0 =	simm.s32 $0x5480  }
0x582: {  	[tilespmem:s0], [sflag:$0x1] =	stream.indirect_vreg.gather [hbm4b:s5+s3], $0x80, v3, vm0, $0xb8;
	[tilespmem:$0x1B480] =	vst v63  }
0x583: {  	s30 =	simm.s32 $0x5C80  }
0x584: {  	[tilespmem:s30], [sflag:$0x1] =	stream.indirect_vreg.gather [hbm4b:s6+s3], $0x80, v3, vm0, $0xb8;
	[tilespmem:$0x1B480] =	vst v63  }
0x585: {  	v3 =	vld [tilespmem:$0x410];
	_ =	sdelay $0x4  }
0x586: {  	v57 =	vshrl.u32 v3, $0x3  }
0x587: {  	v4 =	vmul.u32 $0x30, v57  }
0x588: {  	v3 =	vand.u32 $0x7, v3  }
0x589: {  	v3 =	vor.u32 v3, v4  }
0x58a: {  	v4 =	vperm.xlane v3, v0;
	_ =	sdelay $0x1  }
0x58b: {  	v4 =	vadd.s32 v1, v4;
	_ =	sdelay $0x3  }
0x58c: {  	s31 =	simm.s32 $0x6480;
	v3 =	vperm.xlane v3, v2  }
0x58d: {  	[tilespmem:s31], [sflag:$0x1] =	stream.indirect_vreg.gather [hbm4b:s2+s3], $0x80, v4, vm0, $0xb8;
	[tilespmem:$0x1B480] =	vst v63  }
0x58e: {  	s1 =	simm.s32 $0x6C80;
	v3 =	vadd.s32 v1, v3  }
0x58f: {  	[tilespmem:s1], [sflag:$0x1] =	stream.indirect_vreg.gather [hbm4b:s5+s3], $0x80, v4, vm0, $0xb8;
	[tilespmem:$0x1B480] =	vst v63  }
0x590: {  	s8 =	simm.s32 $0x7480  }
0x591: {  	[tilespmem:s8], [sflag:$0x1] =	stream.indirect_vreg.gather [hbm4b:s6+s3], $0x80, v4, vm0, $0xb8;
	[tilespmem:$0x1B480] =	vst v63  }
0x592: {  	s4 =	simm.s32 $0x7C80  }
0x593: {  	[tilespmem:s4], [sflag:$0x1] =	stream.indirect_vreg.gather [hbm4b:s2+s3], $0x80, v3, vm0, $0xb8;
	[tilespmem:$0x1B480] =	vst v63  }
0x594: {  	s11 =	simm.s32 $0x8480  }
0x595: {  	[tilespmem:s11], [sflag:$0x1] =	stream.indirect_vreg.gather [hbm4b:s5+s3], $0x80, v3, vm0, $0xb8;
	[tilespmem:$0x1B480] =	vst v63  }
0x596: {  	s12 =	simm.s32 $0x8C80  }
0x597: {  	[tilespmem:s12], [sflag:$0x1] =	stream.indirect_vreg.gather [hbm4b:s6+s3], $0x80, v3, vm0, $0xb8;
	[tilespmem:$0x1B480] =	vst v63  }
0x598: {  	_ =	swait.ge [sflag:s17], $0x9000  }
0x599: {  	[sflag:s17] =	ssyncset.done $0x0  }
0x59a: {  	[sflag:s17] =	ssyncadd.s32 $0xFFFF7000  }
0x59b: {  	_ =	swait.ge [sflag:s18], $0x9000  }
0x59c: {  	[sflag:s18] =	ssyncset.done $0x0  }
0x59d: {  	s1 =	rddreg [dreg:$0x18];
	[sflag:s18] =	ssyncadd.s32 $0xFFFF7000  }
0x59e: {  	[hbm4b:s1+s3] =	stream.linear.scatter [tilespmem:s25], [sflag:$0x6], $0x9000, $0x38;
	[tilespmem:$0x1B480] =	vst v63  }
0x59f: {  	v3 =	vld [tilespmem:$0x420];
	_ =	sdelay $0x4  }
0x5a0: {  	v58 =	vshrl.u32 v3, $0x3  }
0x5a1: {  	v4 =	vmul.u32 $0x30, v58  }
0x5a2: {  	v3 =	vand.u32 $0x7, v3  }
0x5a3: {  	v3 =	vor.u32 v3, v4  }
0x5a4: {  	v4 =	vperm.xlane v3, v0;
	_ =	sdelay $0x1  }
0x5a5: {  	v4 =	vadd.s32 v1, v4;
	_ =	sdelay $0x3  }
0x5a6: {  	v3 =	vperm.xlane v3, v2  }
0x5a7: {  	[tilespmem:s26], [sflag:$0x2] =	stream.indirect_vreg.gather [hbm4b:s2+s3], $0x80, v4, vm0, $0xb8;
	[tilespmem:$0x1B480] =	vst v63  }
0x5a8: {  	s4 =	simm.s32 $0x9C80;
	v3 =	vadd.s32 v1, v3  }
0x5a9: {  	[tilespmem:s4], [sflag:$0x2] =	stream.indirect_vreg.gather [hbm4b:s5+s3], $0x80, v4, vm0, $0xb8;
	[tilespmem:$0x1B480] =	vst v63  }
0x5aa: {  	s8 =	simm.s32 $0xA480  }
0x5ab: {  	[tilespmem:s8], [sflag:$0x2] =	stream.indirect_vreg.gather [hbm4b:s6+s3], $0x80, v4, vm0, $0xb8;
	[tilespmem:$0x1B480] =	vst v63  }
0x5ac: {  	s11 =	simm.s32 $0xAC80  }
0x5ad: {  	[tilespmem:s11], [sflag:$0x2] =	stream.indirect_vreg.gather [hbm4b:s2+s3], $0x80, v3, vm0, $0xb8;
	[tilespmem:$0x1B480] =	vst v63  }
0x5ae: {  	s12 =	simm.s32 $0xB480  }
0x5af: {  	[tilespmem:s12], [sflag:$0x2] =	stream.indirect_vreg.gather [hbm4b:s5+s3], $0x80, v3, vm0, $0xb8;
	[tilespmem:$0x1B480] =	vst v63  }
0x5b0: {  	s13 =	simm.s32 $0xBC80  }
0x5b1: {  	[tilespmem:s13], [sflag:$0x2] =	stream.indirect_vreg.gather [hbm4b:s6+s3], $0x80, v3, vm0, $0xb8;
	[tilespmem:$0x1B480] =	vst v63  }
0x5b2: {  	v3 =	vld [tilespmem:$0x430];
	_ =	sdelay $0x4  }
0x5b3: {  	v59 =	vshrl.u32 v3, $0x3  }
0x5b4: {  	v4 =	vmul.u32 $0x30, v59  }
0x5b5: {  	v3 =	vand.u32 $0x7, v3  }
0x5b6: {  	v3 =	vor.u32 v3, v4  }
0x5b7: {  	v4 =	vperm.xlane v3, v0;
	_ =	sdelay $0x1  }
0x5b8: {  	v4 =	vadd.s32 v1, v4;
	_ =	sdelay $0x3  }
0x5b9: {  	s24 =	simm.s32 $0xC480;
	v3 =	vperm.xlane v3, v2  }
0x5ba: {  	[tilespmem:s24], [sflag:$0x2] =	stream.indirect_vreg.gather [hbm4b:s2+s3], $0x80, v4, vm0, $0xb8;
	[tilespmem:$0x1B480] =	vst v63  }
0x5bb: {  	s13 =	simm.s32 $0xCC80;
	v3 =	vadd.s32 v1, v3  }
0x5bc: {  	[tilespmem:s13], [sflag:$0x2] =	stream.indirect_vreg.gather [hbm4b:s5+s3], $0x80, v4, vm0, $0xb8;
	[tilespmem:$0x1B480] =	vst v63  }
0x5bd: {  	s22 =	simm.s32 $0xD480  }
0x5be: {  	[tilespmem:s22], [sflag:$0x2] =	stream.indirect_vreg.gather [hbm4b:s6+s3], $0x80, v4, vm0, $0xb8;
	[tilespmem:$0x1B480] =	vst v63  }
0x5bf: {  	s23 =	simm.s32 $0xDC80  }
0x5c0: {  	[tilespmem:s23], [sflag:$0x2] =	stream.indirect_vreg.gather [hbm4b:s2+s3], $0x80, v3, vm0, $0xb8;
	[tilespmem:$0x1B480] =	vst v63  }
0x5c1: {  	s24 =	simm.s32 $0xE480  }
0x5c2: {  	[tilespmem:s24], [sflag:$0x2] =	stream.indirect_vreg.gather [hbm4b:s5+s3], $0x80, v3, vm0, $0xb8;
	[tilespmem:$0x1B480] =	vst v63  }
0x5c3: {  	s21 =	simm.s32 $0xEC80  }
0x5c4: {  	[tilespmem:s21], [sflag:$0x2] =	stream.indirect_vreg.gather [hbm4b:s6+s3], $0x80, v3, vm0, $0xb8;
	[tilespmem:$0x1B480] =	vst v63  }
0x5c5: {  	v3 =	vld [tilespmem:$0x440];
	_ =	sdelay $0x4  }
0x5c6: {  	v60 =	vshrl.u32 v3, $0x3  }
0x5c7: {  	v4 =	vmul.u32 $0x30, v60  }
0x5c8: {  	v3 =	vand.u32 $0x7, v3  }
0x5c9: {  	v3 =	vor.u32 v3, v4  }
0x5ca: {  	v4 =	vperm.xlane v3, v0;
	_ =	sdelay $0x1  }
0x5cb: {  	v4 =	vadd.s32 v1, v4;
	_ =	sdelay $0x3  }
0x5cc: {  	s7 =	simm.s32 $0xF480;
	v3 =	vperm.xlane v3, v2  }
0x5cd: {  	[tilespmem:s7], [sflag:$0x2] =	stream.indirect_vreg.gather [hbm4b:s2+s3], $0x80, v4, vm0, $0xb8;
	[tilespmem:$0x1B480] =	vst v63  }
0x5ce: {  	s28 =	simm.s32 $0xFC80;
	v3 =	vadd.s32 v1, v3  }
0x5cf: {  	[tilespmem:s28], [sflag:$0x2] =	stream.indirect_vreg.gather [hbm4b:s5+s3], $0x80, v4, vm0, $0xb8;
	[tilespmem:$0x1B480] =	vst v63  }
0x5d0: {  	s29 =	simm.s32 $0x10480  }
0x5d1: {  	[tilespmem:s29], [sflag:$0x2] =	stream.indirect_vreg.gather [hbm4b:s6+s3], $0x80, v4, vm0, $0xb8;
	[tilespmem:$0x1B480] =	vst v63  }
0x5d2: {  	s30 =	simm.s32 $0x10C80  }
0x5d3: {  	[tilespmem:s30], [sflag:$0x2] =	stream.indirect_vreg.gather [hbm4b:s2+s3], $0x80, v3, vm0, $0xb8;
	[tilespmem:$0x1B480] =	vst v63  }
0x5d4: {  	s31 =	simm.s32 $0x11480  }
0x5d5: {  	[tilespmem:s31], [sflag:$0x2] =	stream.indirect_vreg.gather [hbm4b:s5+s3], $0x80, v3, vm0, $0xb8;
	[tilespmem:$0x1B480] =	vst v63  }
0x5d6: {  	s10 =	simm.s32 $0x11C80  }
0x5d7: {  	[tilespmem:s10], [sflag:$0x2] =	stream.indirect_vreg.gather [hbm4b:s6+s3], $0x80, v3, vm0, $0xb8;
	[tilespmem:$0x1B480] =	vst v63  }
0x5d8: {  	_ =	swait.ge [sflag:s20], $0x9000  }
0x5d9: {  	[sflag:s20] =	ssyncset.done $0x0  }
0x5da: {  	[sflag:s20] =	ssyncadd.s32 $0xFFFF7000  }
0x5db: {  	_ =	swait.ge [sflag:s19], $0x9000  }
0x5dc: {  	[sflag:s19] =	ssyncset.done $0x0  }
0x5dd: {  	s0 =	rddreg [dreg:$0x19];
	[sflag:s19] =	ssyncadd.s32 $0xFFFF7000  }
0x5de: {  	[hbm4b:s0+s3] =	stream.linear.scatter [tilespmem:s14], [sflag:$0x4], $0x9000, $0x38;
	[tilespmem:$0x1B480] =	vst v63  }
0x5df: {  	v3 =	vld [tilespmem:$0x450];
	_ =	sdelay $0x4  }
0x5e0: {  	v61 =	vshrl.u32 v3, $0x3  }
0x5e1: {  	v4 =	vmul.u32 $0x30, v61  }
0x5e2: {  	v3 =	vand.u32 $0x7, v3  }
0x5e3: {  	v3 =	vor.u32 v3, v4  }
0x5e4: {  	v4 =	vperm.xlane v3, v0;
	_ =	sdelay $0x1  }
0x5e5: {  	v4 =	vadd.s32 v1, v4;
	_ =	sdelay $0x3  }
0x5e6: {  	v3 =	vperm.xlane v3, v2  }
0x5e7: {  	[tilespmem:s25], [sflag:$0x3] =	stream.indirect_vreg.gather [hbm4b:s2+s3], $0x80, v4, vm0, $0xb8;
	[tilespmem:$0x1B480] =	vst v63  }
0x5e8: {  	s9 =	simm.s32 $0x12C80;
	v3 =	vadd.s32 v1, v3  }
0x5e9: {  	[tilespmem:s9], [sflag:$0x3] =	stream.indirect_vreg.gather [hbm4b:s5+s3], $0x80, v4, vm0, $0xb8;
	[tilespmem:$0x1B480] =	vst v63  }
0x5ea: {  	s1 =	simm.s32 $0x13480  }
0x5eb: {  	[tilespmem:s1], [sflag:$0x3] =	stream.indirect_vreg.gather [hbm4b:s6+s3], $0x80, v4, vm0, $0xb8;
	[tilespmem:$0x1B480] =	vst v63  }
0x5ec: {  	s4 =	simm.s32 $0x13C80  }
0x5ed: {  	[tilespmem:s4], [sflag:$0x3] =	stream.indirect_vreg.gather [hbm4b:s2+s3], $0x80, v3, vm0, $0xb8;
	[tilespmem:$0x1B480] =	vst v63  }
0x5ee: {  	s7 =	simm.s32 $0x14480  }
0x5ef: {  	[tilespmem:s7], [sflag:$0x3] =	stream.indirect_vreg.gather [hbm4b:s5+s3], $0x80, v3, vm0, $0xb8;
	[tilespmem:$0x1B480] =	vst v63  }
0x5f0: {  	s8 =	simm.s32 $0x14C80  }
0x5f1: {  	[tilespmem:s8], [sflag:$0x3] =	stream.indirect_vreg.gather [hbm4b:s6+s3], $0x80, v3, vm0, $0xb8;
	[tilespmem:$0x1B480] =	vst v63  }
0x5f2: {  	v3 =	vld [tilespmem:$0x460];
	_ =	sdelay $0x4  }
0x5f3: {  	v62 =	vshrl.u32 v3, $0x3  }
0x5f4: {  	v4 =	vmul.u32 $0x30, v62  }
0x5f5: {  	v3 =	vand.u32 $0x7, v3  }
0x5f6: {  	v3 =	vor.u32 v3, v4  }
0x5f7: {  	v4 =	vperm.xlane v3, v0;
	_ =	sdelay $0x1  }
0x5f8: {  	v4 =	vadd.s32 v1, v4;
	_ =	sdelay $0x3  }
0x5f9: {  	s9 =	simm.s32 $0x15480;
	v3 =	vperm.xlane v3, v2  }
0x5fa: {  	[tilespmem:s9], [sflag:$0x3] =	stream.indirect_vreg.gather [hbm4b:s2+s3], $0x80, v4, vm0, $0xb8;
	[tilespmem:$0x1B480] =	vst v63  }
0x5fb: {  	s10 =	simm.s32 $0x15C80;
	v3 =	vadd.s32 v1, v3  }
0x5fc: {  	[tilespmem:s10], [sflag:$0x3] =	stream.indirect_vreg.gather [hbm4b:s5+s3], $0x80, v4, vm0, $0xb8;
	[tilespmem:$0x1B480] =	vst v63  }
0x5fd: {  	s11 =	simm.s32 $0x16480  }
0x5fe: {  	[tilespmem:s11], [sflag:$0x3] =	stream.indirect_vreg.gather [hbm4b:s6+s3], $0x80, v4, vm0, $0xb8;
	[tilespmem:$0x1B480] =	vst v63  }
0x5ff: {  	s12 =	simm.s32 $0x16C80  }
0x600: {  	[tilespmem:s12], [sflag:$0x3] =	stream.indirect_vreg.gather [hbm4b:s2+s3], $0x80, v3, vm0, $0xb8;
	[tilespmem:$0x1B480] =	vst v63  }
0x601: {  	s13 =	simm.s32 $0x17480  }
0x602: {  	[tilespmem:s13], [sflag:$0x3] =	stream.indirect_vreg.gather [hbm4b:s5+s3], $0x80, v3, vm0, $0xb8;
	[tilespmem:$0x1B480] =	vst v63  }
0x603: {  	s14 =	simm.s32 $0x17C80  }
0x604: {  	[tilespmem:s14], [sflag:$0x3] =	stream.indirect_vreg.gather [hbm4b:s6+s3], $0x80, v3, vm0, $0xb8;
	[tilespmem:$0x1B480] =	vst v63  }
0x605: {  	v3 =	vld [tilespmem:$0x470];
	_ =	sdelay $0x4  }
0x606: {  	v63 =	vshrl.u32 v3, $0x3  }
0x607: {  	v4 =	vmul.u32 $0x30, v63  }
0x608: {  	v3 =	vand.u32 $0x7, v3  }
0x609: {  	v3 =	vor.u32 v3, v4  }
0x60a: {  	v4 =	vperm.xlane v3, v0;
	_ =	sdelay $0x1  }
0x60b: {  	v4 =	vadd.s32 v1, v4;
	_ =	sdelay $0x3  }
0x60c: {  	s21 =	simm.s32 $0x18480;
	v3 =	vperm.xlane v3, v2  }
0x60d: {  	[tilespmem:s21], [sflag:$0x3] =	stream.indirect_vreg.gather [hbm4b:s2+s3], $0x80, v4, vm0, $0xb8;
	[tilespmem:$0x1B480] =	vst v63  }
0x60e: {  	s22 =	simm.s32 $0x18C80;
	v3 =	vadd.s32 v1, v3  }
0x60f: {  	[tilespmem:s22], [sflag:$0x3] =	stream.indirect_vreg.gather [hbm4b:s5+s3], $0x80, v4, vm0, $0xb8;
	[tilespmem:$0x1B480] =	vst v63  }
0x610: {  	s23 =	simm.s32 $0x19480  }
0x611: {  	[tilespmem:s23], [sflag:$0x3] =	stream.indirect_vreg.gather [hbm4b:s6+s3], $0x80, v4, vm0, $0xb8;
	[tilespmem:$0x1B480] =	vst v63  }
0x612: {  	s24 =	simm.s32 $0x19C80  }
0x613: {  	[tilespmem:s24], [sflag:$0x3] =	stream.indirect_vreg.gather [hbm4b:s2+s3], $0x80, v3, vm0, $0xb8;
	[tilespmem:$0x1B480] =	vst v63  }
0x614: {  	s28 =	simm.s32 $0x1A480  }
0x615: {  	[tilespmem:s28], [sflag:$0x3] =	stream.indirect_vreg.gather [hbm4b:s5+s3], $0x80, v3, vm0, $0xb8;
	[tilespmem:$0x1B480] =	vst v63  }
0x616: {  	s29 =	simm.s32 $0x1AC80  }
0x617: {  	[tilespmem:s29], [sflag:$0x3] =	stream.indirect_vreg.gather [hbm4b:s6+s3], $0x80, v3, vm0, $0xb8;
	[tilespmem:$0x1B480] =	vst v63  }
0x618: {  	s0 =	rddreg [dreg:$0x1d];
	_ =	swait.ge [sflag:s15], $0x9000  }
0x619: {  	[sflag:s15] =	ssyncset.done $0x0  }
0x61a: {  	[sflag:s15] =	ssyncadd.s32 $0xFFFF7000  }
0x61b: {  	_ =	swait.ge [sflag:s16], $0x9000  }
0x61c: {  	[sflag:s16] =	ssyncset.done $0x0  }
0x61d: {  	s30 =	rddreg [dreg:$0x1a];
	[sflag:s16] =	ssyncadd.s32 $0xFFFF7000  }
0x61e: {  	[hbm4b:s30+s3] =	stream.linear.scatter [tilespmem:s26], [sflag:$0x5], $0x9000, $0x38;
	[tilespmem:$0x1B480] =	vst v63  }
0x61f: {  	_ =	swait.ge [sflag:s17], $0x9000  }
0x620: {  	[sflag:s17] =	ssyncset.done $0x0  }
0x621: {  	[sflag:s17] =	ssyncadd.s32 $0xFFFF7000  }
0x622: {  	_ =	swait.ge [sflag:s18], $0x9000  }
0x623: {  	p0 =	sne.s32 s0, $0x1;
	[sflag:s18] =	ssyncset.done $0x0  }
.Ltmp0:
0x624: {  	s31 =	rddreg [dreg:$0x1b];
	[sflag:s18] =	ssyncadd.s32 $0xFFFF7000;
	(pc) =	sbr.rel @p0 .LBB2_1-.Ltmp0, $4  }
0x625: {  	[hbm4b:s31+s3] =	stream.linear.scatter [tilespmem:s25], [sflag:$0x6], $0x9000, $0x38;
	[tilespmem:$0x1B480] =	vst v63  }
0x626: {  	_ =	swait.ge [sflag:s19], $0x9000  }
0x627: {  	[sflag:s19] =	ssyncset.done $0x0  }
0x628: {  	s0 =	sadd.s32 $0xFFFFFFFF, s0;
	[sflag:s19] =	ssyncadd.s32 $0xFFFF7000  }
0x629: {  	_ =	sfence.sel $0x180000  }
0x62a: {  	[bflag:$0x0] =	sbarrier.arrive $0xFFFF  }
0x62b: {  	_ =	strace $0x90000047  }
0x62c: {  	s0 =	stileid.u32;
	[bflag:$0x2] =	sbarrier.arrive $0xFFFF  }
0x62d: {  	p0 =	sne.s32 s0, $0x0;
	s0 =	rddreg [dreg:$0x3]  }
0x62e: {  	s0 =	sadd.s32 @!p0 $0x100000, s0  }
0x62f: {  	[sflag:s0] =	ssyncadd.tile.s32 @!p0 $0x1;
	_ =	shalt  }
.Lfunc_end2:
_tile_overlayer_lowered:
.L_overlay_start_2:
0x630: {  	(tag) =	ssettag $0x2  }
0x631: {  	s0 =	rddreg [dreg:$0x0];
	s2 =	stileid.u32  }
0x632: {  	s1 =	rddreg [dreg:$0x1];
	p0 =	sne.s32 s2, $0x0  }
0x633: {  	s3 =	rddreg [dreg:$0x2];
	[bflag:$0x3] =	sbarrier.arrive $0xFFFF;
	s2 =	simm.s32 @!p0 $0x1C07  }
0x634: {  	[timem:s3], [sflag:s2] =	dma.local @!p0 [hbm:s0], s1  }
0x635: {  	s0 =	simm.s32 @!p0 $0x7  }
0x636: {  	_ =	swait.ge @!p0 [sflag:s0], s1  }
0x637: {  	s1 =	ssub.s32 @!p0 $0x0, s1;
	[sflag:s0] =	ssyncset.done @!p0 $0x0  }
0x638: {  	[sflag:s0] =	ssyncadd.s32 @!p0 s1  }
0x639: {  	[bflag:$0x3] =	sbarrier.arrive $0xFFFF  }
0x63a: {  	_ =	shalt  }

</sc_bundles>
